<compile_context>
chip_gen: v7x
topology: tpu7x:2x2x1
jax: 0.10.2.dev20260603
libtpu: 0.0.44.dev20260713+nightly
codegen_flags: <defaults>
</compile_context>

<pallas_src>
import jax
import jax.numpy as jnp
from jax import lax
from jax.experimental import pallas as pl
from jax.experimental.pallas import tpu as pltpu
from jax.experimental.pallas import tpu_sc as plsc

VOCAB = 1000000
D = 64
DP = 128
B = 4096
S = 200

NC, NS = 2, 16
NW = NC * NS
ROWS_W = B // NW
NBUF = 8
HALF = 5
CH = S // HALF
NCHUNK = ROWS_W * HALF
NROUND = NCHUNK // NBUF


def _gather_body(x_hbm, w_hbm, out_hbm, idx_v, rows_v, gsems, osems):
    wid = lax.axis_index("s") * NC + lax.axis_index("c")
    base = wid * ROWS_W
    pltpu.sync_copy(x_hbm.at[pl.ds(base, ROWS_W)], idx_v)

    def start_gather(c, b):
        r, h = c // HALF, c % HALF
        pltpu.async_copy(w_hbm.at[idx_v.at[r, pl.ds(h * CH, CH)]],
                         rows_v.at[b], gsems.at[b])

    def wait_gather(c, b):
        r, h = c // HALF, c % HALF
        pltpu.make_async_copy(w_hbm.at[idx_v.at[r, pl.ds(h * CH, CH)]],
                              rows_v.at[b], gsems.at[b]).wait()

    def start_out(c, b):
        r, h = c // HALF, c % HALF
        pltpu.async_copy(
            rows_v.at[b, :, pl.ds(0, D)],
            out_hbm.at[base + r, pl.ds(h * CH, CH), pl.ds(0, D)], osems.at[b])

    def wait_out(c, b):
        r, h = c // HALF, c % HALF
        pltpu.make_async_copy(
            rows_v.at[b, :, pl.ds(0, D)],
            out_hbm.at[base + r, pl.ds(h * CH, CH), pl.ds(0, D)],
            osems.at[b]).wait()

    for b in range(NBUF):
        start_gather(b, b)

    @pl.loop(0, NROUND - 1)
    def _(t):
        for b in range(NBUF):
            r = t * NBUF + b
            wait_gather(r, b)
            start_out(r, b)
            wait_out(r, b)
            start_gather(r + NBUF, b)

    for b in range(NBUF):
        r = (NROUND - 1) * NBUF + b
        wait_gather(r, b)
        start_out(r, b)
    for b in range(NBUF):
        r = (NROUND - 1) * NBUF + b
        wait_out(r, b)


@jax.jit
def kernel(x, W):
    Wp = jnp.pad(W, ((0, 0), (0, DP - D)))
    mesh = plsc.VectorSubcoreMesh(
        core_axis_name="c", subcore_axis_name="s",
        num_cores=NC, num_subcores=NS)
    out = pl.kernel(
        _gather_body,
        out_type=jax.ShapeDtypeStruct((B, S, DP), jnp.float32),
        mesh=mesh,
        compiler_params=pltpu.CompilerParams(use_tc_tiling_on_sc=False),
        scratch_types=[
            pltpu.VMEM((ROWS_W, S), jnp.int32),
            pltpu.VMEM((NBUF, CH, DP), jnp.float32),
            pltpu.SemaphoreType.DMA((NBUF,)),
            pltpu.SemaphoreType.DMA((NBUF,)),
        ],
    )(x, Wp)
    return out[:, :, :D]

# --- scband reference (transcript-rebuilt; emitter-appended) ---
"""Pipeline reference for scband-word-embeddings-63118839382475 (READ-ONLY COPY).

The authoritative reference and input builder live on the scoring server;
editing this copy changes nothing except your own understanding.
"""

import jax, jax.numpy as jnp
import numpy as np

VOCAB = 1000000
D_MODEL = 64
BATCH = 4096
SEQ = 200

def setup_inputs(seed: int = 0) -> dict:
    key = jax.random.key(seed)
    k_idx, k_w = jax.random.split(key)
    x = jax.random.randint(k_idx, (BATCH, SEQ), 0, VOCAB, dtype=jnp.int64 if jax.config.read('jax_enable_x64') else jnp.int32)
    # embedding table initialized normal(mean=0.0, std=0.02) per weight_init_params
    W = 0.0 + 0.02 * jax.random.normal(k_w, (VOCAB, D_MODEL), dtype=jnp.float32)
    return {"x": x, "W": W}

def reference(x, W):
    # nn.Embedding forward: gather rows of the table by index
    return jnp.take(W, x, axis=0)

if __name__ == "__main__":
    import jax
    _d = setup_inputs()
    print(jax.jit(kernel)(*tuple(_d.values())))

</pallas_src>

<mosaic_0001>
#map = affine_map<(d0, d1) -> (0, 0)>
#map1 = affine_map<(d0, d1) -> (0, 0, 0)>
module attributes {stable_mosaic.version = 14 : i64} {
  func.func @_gather_body(%arg0: i32, %arg1: i32, %arg2: memref<4096x200xi32, #tpu.memory_space<hbm>>, %arg3: memref<1000000x128xf32, #tpu.memory_space<hbm>>, %arg4: memref<4096x200x128xf32, #tpu.memory_space<hbm>>, %arg5: memref<128x200xi32, #tpu.memory_space<vmem>>, %arg6: memref<8x40x128xf32, #tpu.memory_space<vmem>>, %arg7: memref<8x!tpu.dma_semaphore, #tpu.memory_space<semaphore_mem>>, %arg8: memref<8x!tpu.dma_semaphore, #tpu.memory_space<semaphore_mem>>) attributes {dimension_semantics = [#tpu.dimension_semantics<core_parallel>, #tpu.dimension_semantics<subcore_parallel>], iteration_bounds = array<i64: 2, 16>, scalar_prefetch = 0 : i64, scratch_operands = 4 : i64, tpu.core_type = #tpu.core_type<sc_vector_subcore>, window_params = [{transform_indices = #map}, {transform_indices = #map}, {transform_indices = #map1}]} {
    %mul3A = arith.constant 2 : i32
    %mul3A_0 = arith.muli %arg1, %mul3A : i32
    %add3A = arith.addi %mul3A_0, %arg0 : i32
    %mul3A_1 = arith.constant 128 : i32
    %mul3A_2 = arith.muli %add3A, %mul3A_1 : i32
    "tpu.region"() ({
      %run_scoped3A = tpu.sem_alloc : memref<!tpu.dma_semaphore, #tpu.memory_space<semaphore_mem>>
      %dma_start3A_597 = arith.constant 0 : i32
      %dma_start3A_598 = tpu.memref_slice %arg2[%mul3A_2, %dma_start3A_597] : memref<4096x200xi32, #tpu.memory_space<hbm>> -> memref<128x200xi32, #tpu.memory_space<hbm>>
      %dma_start3A_599 = arith.constant 0 : i32
      %dma_start3A_600 = tpu.memref_slice %arg2[%mul3A_2, %dma_start3A_599] : memref<4096x200xi32, #tpu.memory_space<hbm>> -> memref<128x200xi32, #tpu.memory_space<hbm>>
      tpu.enqueue_dma source(%dma_start3A_600 : memref<128x200xi32, #tpu.memory_space<hbm>>) target(%arg5 : memref<128x200xi32, #tpu.memory_space<vmem>>) target_semaphore(%run_scoped3A : memref<!tpu.dma_semaphore, #tpu.memory_space<semaphore_mem>>)
      %dma_wait3A_601 = arith.constant 0 : i32
      %dma_wait3A_602 = tpu.memref_slice %arg2[%mul3A_2, %dma_wait3A_601] : memref<4096x200xi32, #tpu.memory_space<hbm>> -> memref<128x200xi32, #tpu.memory_space<hbm>>
      %dma_wait3A_603 = arith.constant 0 : i32
      %dma_wait3A_604 = tpu.memref_slice %arg2[%mul3A_2, %dma_wait3A_603] : memref<4096x200xi32, #tpu.memory_space<hbm>> -> memref<128x200xi32, #tpu.memory_space<hbm>>
      tpu.wait_dma2 semaphore(%run_scoped3A : memref<!tpu.dma_semaphore, #tpu.memory_space<semaphore_mem>>) src(%dma_wait3A_604 : memref<128x200xi32, #tpu.memory_space<hbm>>) dst(%arg5 : memref<128x200xi32, #tpu.memory_space<vmem>>)
      tpu.yield
    }) : () -> ()
    %dma_start3A = arith.constant 0 : i32
    %dma_start3A_3 = arith.constant 0 : i32
    %dma_start3A_4 = arith.constant 0 : i32
    %dma_start3A_5 = arith.constant 0 : i32
    %dma_start3A_6 = arith.constant 0 : i32
    %dma_start3A_7 = tpu.memref_slice %arg6[%dma_start3A_3, %dma_start3A_5, %dma_start3A_6] : memref<8x40x128xf32, #tpu.memory_space<vmem>> -> memref<1x40x128xf32, #tpu.memory_space<vmem>>
    %dma_start3A_8 = tpu.memref_squeeze %dma_start3A_7 : memref<1x40x128xf32, #tpu.memory_space<vmem>> -> memref<40x128xf32, #tpu.memory_space<vmem>>
    %dma_start3A_9 = arith.constant 0 : i32
    %dma_start3A_10 = tpu.memref_slice %arg5[%dma_start3A, %dma_start3A_9] : memref<128x200xi32, #tpu.memory_space<vmem>> -> memref<1x40xi32, #tpu.memory_space<vmem>>
    %dma_start3A_11 = tpu.memref_squeeze %dma_start3A_10 : memref<1x40xi32, #tpu.memory_space<vmem>> -> memref<40xi32, #tpu.memory_space<vmem>>
    %dma_start3A_12 = arith.constant 0 : i32
    %dma_start3A_13 = arith.constant 0 : i32
    %dma_start3A_14 = tpu.memref_slice %arg3[%dma_start3A_12, %dma_start3A_13] : memref<1000000x128xf32, #tpu.memory_space<hbm>> -> memref<1000000x128xf32, #tpu.memory_space<hbm>>
    %dma_start3A_15 = tpu.memref_slice %arg7[%dma_start3A_4] : memref<8x!tpu.dma_semaphore, #tpu.memory_space<semaphore_mem>> -> memref<1x!tpu.dma_semaphore, #tpu.memory_space<semaphore_mem>>
    %dma_start3A_16 = tpu.memref_squeeze %dma_start3A_15 : memref<1x!tpu.dma_semaphore, #tpu.memory_space<semaphore_mem>> -> memref<!tpu.dma_semaphore, #tpu.memory_space<semaphore_mem>>
    tpu.enqueue_indirect_dma source(%dma_start3A_14 : memref<1000000x128xf32, #tpu.memory_space<hbm>>) target(%dma_start3A_8 : memref<40x128xf32, #tpu.memory_space<vmem>>) offsets(%dma_start3A_11 : memref<40xi32, #tpu.memory_space<vmem>>) semaphore(%dma_start3A_16 : memref<!tpu.dma_semaphore, #tpu.memory_space<semaphore_mem>>)
    %dma_start3A_17 = arith.constant 0 : i32
    %dma_start3A_18 = arith.constant 1 : i32
    %dma_start3A_19 = arith.constant 1 : i32
    %dma_start3A_20 = arith.constant 0 : i32
    %dma_start3A_21 = arith.constant 0 : i32
    %dma_start3A_22 = tpu.memref_slice %arg6[%dma_start3A_18, %dma_start3A_20, %dma_start3A_21] : memref<8x40x128xf32, #tpu.memory_space<vmem>> -> memref<1x40x128xf32, #tpu.memory_space<vmem>>
    %dma_start3A_23 = tpu.memref_squeeze %dma_start3A_22 : memref<1x40x128xf32, #tpu.memory_space<vmem>> -> memref<40x128xf32, #tpu.memory_space<vmem>>
    %dma_start3A_24 = arith.constant 40 : i32
    %dma_start3A_25 = tpu.memref_slice %arg5[%dma_start3A_17, %dma_start3A_24] : memref<128x200xi32, #tpu.memory_space<vmem>> -> memref<1x40xi32, #tpu.memory_space<vmem>>
    %dma_start3A_26 = tpu.memref_squeeze %dma_start3A_25 : memref<1x40xi32, #tpu.memory_space<vmem>> -> memref<40xi32, #tpu.memory_space<vmem>>
    %dma_start3A_27 = arith.constant 0 : i32
    %dma_start3A_28 = arith.constant 0 : i32
    %dma_start3A_29 = tpu.memref_slice %arg3[%dma_start3A_27, %dma_start3A_28] : memref<1000000x128xf32, #tpu.memory_space<hbm>> -> memref<1000000x128xf32, #tpu.memory_space<hbm>>
    %dma_start3A_30 = tpu.memref_slice %arg7[%dma_start3A_19] : memref<8x!tpu.dma_semaphore, #tpu.memory_space<semaphore_mem>> -> memref<1x!tpu.dma_semaphore, #tpu.memory_space<semaphore_mem>>
    %dma_start3A_31 = tpu.memref_squeeze %dma_start3A_30 : memref<1x!tpu.dma_semaphore, #tpu.memory_space<semaphore_mem>> -> memref<!tpu.dma_semaphore, #tpu.memory_space<semaphore_mem>>
    tpu.enqueue_indirect_dma source(%dma_start3A_29 : memref<1000000x128xf32, #tpu.memory_space<hbm>>) target(%dma_start3A_23 : memref<40x128xf32, #tpu.memory_space<vmem>>) offsets(%dma_start3A_26 : memref<40xi32, #tpu.memory_space<vmem>>) semaphore(%dma_start3A_31 : memref<!tpu.dma_semaphore, #tpu.memory_space<semaphore_mem>>)
    %dma_start3A_32 = arith.constant 0 : i32
    %dma_start3A_33 = arith.constant 2 : i32
    %dma_start3A_34 = arith.constant 2 : i32
    %dma_start3A_35 = arith.constant 0 : i32
    %dma_start3A_36 = arith.constant 0 : i32
    %dma_start3A_37 = tpu.memref_slice %arg6[%dma_start3A_33, %dma_start3A_35, %dma_start3A_36] : memref<8x40x128xf32, #tpu.memory_space<vmem>> -> memref<1x40x128xf32, #tpu.memory_space<vmem>>
    %dma_start3A_38 = tpu.memref_squeeze %dma_start3A_37 : memref<1x40x128xf32, #tpu.memory_space<vmem>> -> memref<40x128xf32, #tpu.memory_space<vmem>>
    %dma_start3A_39 = arith.constant 80 : i32
    %dma_start3A_40 = tpu.memref_slice %arg5[%dma_start3A_32, %dma_start3A_39] : memref<128x200xi32, #tpu.memory_space<vmem>> -> memref<1x40xi32, #tpu.memory_space<vmem>>
    %dma_start3A_41 = tpu.memref_squeeze %dma_start3A_40 : memref<1x40xi32, #tpu.memory_space<vmem>> -> memref<40xi32, #tpu.memory_space<vmem>>
    %dma_start3A_42 = arith.constant 0 : i32
    %dma_start3A_43 = arith.constant 0 : i32
    %dma_start3A_44 = tpu.memref_slice %arg3[%dma_start3A_42, %dma_start3A_43] : memref<1000000x128xf32, #tpu.memory_space<hbm>> -> memref<1000000x128xf32, #tpu.memory_space<hbm>>
    %dma_start3A_45 = tpu.memref_slice %arg7[%dma_start3A_34] : memref<8x!tpu.dma_semaphore, #tpu.memory_space<semaphore_mem>> -> memref<1x!tpu.dma_semaphore, #tpu.memory_space<semaphore_mem>>
    %dma_start3A_46 = tpu.memref_squeeze %dma_start3A_45 : memref<1x!tpu.dma_semaphore, #tpu.memory_space<semaphore_mem>> -> memref<!tpu.dma_semaphore, #tpu.memory_space<semaphore_mem>>
    tpu.enqueue_indirect_dma source(%dma_start3A_44 : memref<1000000x128xf32, #tpu.memory_space<hbm>>) target(%dma_start3A_38 : memref<40x128xf32, #tpu.memory_space<vmem>>) offsets(%dma_start3A_41 : memref<40xi32, #tpu.memory_space<vmem>>) semaphore(%dma_start3A_46 : memref<!tpu.dma_semaphore, #tpu.memory_space<semaphore_mem>>)
    %dma_start3A_47 = arith.constant 0 : i32
    %dma_start3A_48 = arith.constant 3 : i32
    %dma_start3A_49 = arith.constant 3 : i32
    %dma_start3A_50 = arith.constant 0 : i32
    %dma_start3A_51 = arith.constant 0 : i32
    %dma_start3A_52 = tpu.memref_slice %arg6[%dma_start3A_48, %dma_start3A_50, %dma_start3A_51] : memref<8x40x128xf32, #tpu.memory_space<vmem>> -> memref<1x40x128xf32, #tpu.memory_space<vmem>>
    %dma_start3A_53 = tpu.memref_squeeze %dma_start3A_52 : memref<1x40x128xf32, #tpu.memory_space<vmem>> -> memref<40x128xf32, #tpu.memory_space<vmem>>
    %dma_start3A_54 = arith.constant 120 : i32
    %dma_start3A_55 = tpu.memref_slice %arg5[%dma_start3A_47, %dma_start3A_54] : memref<128x200xi32, #tpu.memory_space<vmem>> -> memref<1x40xi32, #tpu.memory_space<vmem>>
    %dma_start3A_56 = tpu.memref_squeeze %dma_start3A_55 : memref<1x40xi32, #tpu.memory_space<vmem>> -> memref<40xi32, #tpu.memory_space<vmem>>
    %dma_start3A_57 = arith.constant 0 : i32
    %dma_start3A_58 = arith.constant 0 : i32
    %dma_start3A_59 = tpu.memref_slice %arg3[%dma_start3A_57, %dma_start3A_58] : memref<1000000x128xf32, #tpu.memory_space<hbm>> -> memref<1000000x128xf32, #tpu.memory_space<hbm>>
    %dma_start3A_60 = tpu.memref_slice %arg7[%dma_start3A_49] : memref<8x!tpu.dma_semaphore, #tpu.memory_space<semaphore_mem>> -> memref<1x!tpu.dma_semaphore, #tpu.memory_space<semaphore_mem>>
    %dma_start3A_61 = tpu.memref_squeeze %dma_start3A_60 : memref<1x!tpu.dma_semaphore, #tpu.memory_space<semaphore_mem>> -> memref<!tpu.dma_semaphore, #tpu.memory_space<semaphore_mem>>
    tpu.enqueue_indirect_dma source(%dma_start3A_59 : memref<1000000x128xf32, #tpu.memory_space<hbm>>) target(%dma_start3A_53 : memref<40x128xf32, #tpu.memory_space<vmem>>) offsets(%dma_start3A_56 : memref<40xi32, #tpu.memory_space<vmem>>) semaphore(%dma_start3A_61 : memref<!tpu.dma_semaphore, #tpu.memory_space<semaphore_mem>>)
    %dma_start3A_62 = arith.constant 0 : i32
    %dma_start3A_63 = arith.constant 4 : i32
    %dma_start3A_64 = arith.constant 4 : i32
    %dma_start3A_65 = arith.constant 0 : i32
    %dma_start3A_66 = arith.constant 0 : i32
    %dma_start3A_67 = tpu.memref_slice %arg6[%dma_start3A_63, %dma_start3A_65, %dma_start3A_66] : memref<8x40x128xf32, #tpu.memory_space<vmem>> -> memref<1x40x128xf32, #tpu.memory_space<vmem>>
    %dma_start3A_68 = tpu.memref_squeeze %dma_start3A_67 : memref<1x40x128xf32, #tpu.memory_space<vmem>> -> memref<40x128xf32, #tpu.memory_space<vmem>>
    %dma_start3A_69 = arith.constant 160 : i32
    %dma_start3A_70 = tpu.memref_slice %arg5[%dma_start3A_62, %dma_start3A_69] : memref<128x200xi32, #tpu.memory_space<vmem>> -> memref<1x40xi32, #tpu.memory_space<vmem>>
    %dma_start3A_71 = tpu.memref_squeeze %dma_start3A_70 : memref<1x40xi32, #tpu.memory_space<vmem>> -> memref<40xi32, #tpu.memory_space<vmem>>
    %dma_start3A_72 = arith.constant 0 : i32
    %dma_start3A_73 = arith.constant 0 : i32
    %dma_start3A_74 = tpu.memref_slice %arg3[%dma_start3A_72, %dma_start3A_73] : memref<1000000x128xf32, #tpu.memory_space<hbm>> -> memref<1000000x128xf32, #tpu.memory_space<hbm>>
    %dma_start3A_75 = tpu.memref_slice %arg7[%dma_start3A_64] : memref<8x!tpu.dma_semaphore, #tpu.memory_space<semaphore_mem>> -> memref<1x!tpu.dma_semaphore, #tpu.memory_space<semaphore_mem>>
    %dma_start3A_76 = tpu.memref_squeeze %dma_start3A_75 : memref<1x!tpu.dma_semaphore, #tpu.memory_space<semaphore_mem>> -> memref<!tpu.dma_semaphore, #tpu.memory_space<semaphore_mem>>
    tpu.enqueue_indirect_dma source(%dma_start3A_74 : memref<1000000x128xf32, #tpu.memory_space<hbm>>) target(%dma_start3A_68 : memref<40x128xf32, #tpu.memory_space<vmem>>) offsets(%dma_start3A_71 : memref<40xi32, #tpu.memory_space<vmem>>) semaphore(%dma_start3A_76 : memref<!tpu.dma_semaphore, #tpu.memory_space<semaphore_mem>>)
    %dma_start3A_77 = arith.constant 1 : i32
    %dma_start3A_78 = arith.constant 5 : i32
    %dma_start3A_79 = arith.constant 5 : i32
    %dma_start3A_80 = arith.constant 0 : i32
    %dma_start3A_81 = arith.constant 0 : i32
    %dma_start3A_82 = tpu.memref_slice %arg6[%dma_start3A_78, %dma_start3A_80, %dma_start3A_81] : memref<8x40x128xf32, #tpu.memory_space<vmem>> -> memref<1x40x128xf32, #tpu.memory_space<vmem>>
    %dma_start3A_83 = tpu.memref_squeeze %dma_start3A_82 : memref<1x40x128xf32, #tpu.memory_space<vmem>> -> memref<40x128xf32, #tpu.memory_space<vmem>>
    %dma_start3A_84 = arith.constant 0 : i32
    %dma_start3A_85 = tpu.memref_slice %arg5[%dma_start3A_77, %dma_start3A_84] : memref<128x200xi32, #tpu.memory_space<vmem>> -> memref<1x40xi32, #tpu.memory_space<vmem>>
    %dma_start3A_86 = tpu.memref_squeeze %dma_start3A_85 : memref<1x40xi32, #tpu.memory_space<vmem>> -> memref<40xi32, #tpu.memory_space<vmem>>
    %dma_start3A_87 = arith.constant 0 : i32
    %dma_start3A_88 = arith.constant 0 : i32
    %dma_start3A_89 = tpu.memref_slice %arg3[%dma_start3A_87, %dma_start3A_88] : memref<1000000x128xf32, #tpu.memory_space<hbm>> -> memref<1000000x128xf32, #tpu.memory_space<hbm>>
    %dma_start3A_90 = tpu.memref_slice %arg7[%dma_start3A_79] : memref<8x!tpu.dma_semaphore, #tpu.memory_space<semaphore_mem>> -> memref<1x!tpu.dma_semaphore, #tpu.memory_space<semaphore_mem>>
    %dma_start3A_91 = tpu.memref_squeeze %dma_start3A_90 : memref<1x!tpu.dma_semaphore, #tpu.memory_space<semaphore_mem>> -> memref<!tpu.dma_semaphore, #tpu.memory_space<semaphore_mem>>
    tpu.enqueue_indirect_dma source(%dma_start3A_89 : memref<1000000x128xf32, #tpu.memory_space<hbm>>) target(%dma_start3A_83 : memref<40x128xf32, #tpu.memory_space<vmem>>) offsets(%dma_start3A_86 : memref<40xi32, #tpu.memory_space<vmem>>) semaphore(%dma_start3A_91 : memref<!tpu.dma_semaphore, #tpu.memory_space<semaphore_mem>>)
    %dma_start3A_92 = arith.constant 1 : i32
    %dma_start3A_93 = arith.constant 6 : i32
    %dma_start3A_94 = arith.constant 6 : i32
    %dma_start3A_95 = arith.constant 0 : i32
    %dma_start3A_96 = arith.constant 0 : i32
    %dma_start3A_97 = tpu.memref_slice %arg6[%dma_start3A_93, %dma_start3A_95, %dma_start3A_96] : memref<8x40x128xf32, #tpu.memory_space<vmem>> -> memref<1x40x128xf32, #tpu.memory_space<vmem>>
    %dma_start3A_98 = tpu.memref_squeeze %dma_start3A_97 : memref<1x40x128xf32, #tpu.memory_space<vmem>> -> memref<40x128xf32, #tpu.memory_space<vmem>>
    %dma_start3A_99 = arith.constant 40 : i32
    %dma_start3A_100 = tpu.memref_slice %arg5[%dma_start3A_92, %dma_start3A_99] : memref<128x200xi32, #tpu.memory_space<vmem>> -> memref<1x40xi32, #tpu.memory_space<vmem>>
    %dma_start3A_101 = tpu.memref_squeeze %dma_start3A_100 : memref<1x40xi32, #tpu.memory_space<vmem>> -> memref<40xi32, #tpu.memory_space<vmem>>
    %dma_start3A_102 = arith.constant 0 : i32
    %dma_start3A_103 = arith.constant 0 : i32
    %dma_start3A_104 = tpu.memref_slice %arg3[%dma_start3A_102, %dma_start3A_103] : memref<1000000x128xf32, #tpu.memory_space<hbm>> -> memref<1000000x128xf32, #tpu.memory_space<hbm>>
    %dma_start3A_105 = tpu.memref_slice %arg7[%dma_start3A_94] : memref<8x!tpu.dma_semaphore, #tpu.memory_space<semaphore_mem>> -> memref<1x!tpu.dma_semaphore, #tpu.memory_space<semaphore_mem>>
    %dma_start3A_106 = tpu.memref_squeeze %dma_start3A_105 : memref<1x!tpu.dma_semaphore, #tpu.memory_space<semaphore_mem>> -> memref<!tpu.dma_semaphore, #tpu.memory_space<semaphore_mem>>
    tpu.enqueue_indirect_dma source(%dma_start3A_104 : memref<1000000x128xf32, #tpu.memory_space<hbm>>) target(%dma_start3A_98 : memref<40x128xf32, #tpu.memory_space<vmem>>) offsets(%dma_start3A_101 : memref<40xi32, #tpu.memory_space<vmem>>) semaphore(%dma_start3A_106 : memref<!tpu.dma_semaphore, #tpu.memory_space<semaphore_mem>>)
    %dma_start3A_107 = arith.constant 1 : i32
    %dma_start3A_108 = arith.constant 7 : i32
    %dma_start3A_109 = arith.constant 7 : i32
    %dma_start3A_110 = arith.constant 0 : i32
    %dma_start3A_111 = arith.constant 0 : i32
    %dma_start3A_112 = tpu.memref_slice %arg6[%dma_start3A_108, %dma_start3A_110, %dma_start3A_111] : memref<8x40x128xf32, #tpu.memory_space<vmem>> -> memref<1x40x128xf32, #tpu.memory_space<vmem>>
    %dma_start3A_113 = tpu.memref_squeeze %dma_start3A_112 : memref<1x40x128xf32, #tpu.memory_space<vmem>> -> memref<40x128xf32, #tpu.memory_space<vmem>>
    %dma_start3A_114 = arith.constant 80 : i32
    %dma_start3A_115 = tpu.memref_slice %arg5[%dma_start3A_107, %dma_start3A_114] : memref<128x200xi32, #tpu.memory_space<vmem>> -> memref<1x40xi32, #tpu.memory_space<vmem>>
    %dma_start3A_116 = tpu.memref_squeeze %dma_start3A_115 : memref<1x40xi32, #tpu.memory_space<vmem>> -> memref<40xi32, #tpu.memory_space<vmem>>
    %dma_start3A_117 = arith.constant 0 : i32
    %dma_start3A_118 = arith.constant 0 : i32
    %dma_start3A_119 = tpu.memref_slice %arg3[%dma_start3A_117, %dma_start3A_118] : memref<1000000x128xf32, #tpu.memory_space<hbm>> -> memref<1000000x128xf32, #tpu.memory_space<hbm>>
    %dma_start3A_120 = tpu.memref_slice %arg7[%dma_start3A_109] : memref<8x!tpu.dma_semaphore, #tpu.memory_space<semaphore_mem>> -> memref<1x!tpu.dma_semaphore, #tpu.memory_space<semaphore_mem>>
    %dma_start3A_121 = tpu.memref_squeeze %dma_start3A_120 : memref<1x!tpu.dma_semaphore, #tpu.memory_space<semaphore_mem>> -> memref<!tpu.dma_semaphore, #tpu.memory_space<semaphore_mem>>
    tpu.enqueue_indirect_dma source(%dma_start3A_119 : memref<1000000x128xf32, #tpu.memory_space<hbm>>) target(%dma_start3A_113 : memref<40x128xf32, #tpu.memory_space<vmem>>) offsets(%dma_start3A_116 : memref<40xi32, #tpu.memory_space<vmem>>) semaphore(%dma_start3A_121 : memref<!tpu.dma_semaphore, #tpu.memory_space<semaphore_mem>>)
    %scan3A = arith.constant 0 : i32
    %scan3A_122 = arith.constant 79 : i32
    %scan3A_123 = arith.addi %scan3A, %scan3A_122 : i32
    %scan3A_124 = arith.constant 1 : i32
    scf.for %scan3A_597 = %scan3A to %scan3A_123 step %scan3A_124  : i32 {
      %mul3A_598 = arith.constant 1 : i32
      %mul3A_599 = arith.muli %scan3A_597, %mul3A_598 : i32
      %add3A_600 = arith.constant 0 : i32
      %add3A_601 = arith.addi %add3A_600, %mul3A_599 : i32
      %mul3A_602 = arith.constant 8 : i32
      %mul3A_603 = arith.muli %add3A_601, %mul3A_602 : i32
      %add3A_604 = arith.constant 0 : i32
      %add3A_605 = arith.addi %mul3A_603, %add3A_604 : i32
      %jit3A = arith.constant 5 : i32
      %div3A = arith.divsi %add3A_605, %jit3A : i32
      %sign3A = arith.constant 0 : i32
      %sign3A_606 = arith.cmpi sgt, %add3A_605, %sign3A : i32
      %sign3A_607 = arith.extui %sign3A_606 : i1 to i32
      %sign3A_608 = arith.constant 0 : i32
      %sign3A_609 = arith.cmpi slt, %add3A_605, %sign3A_608 : i32
      %sign3A_610 = arith.extui %sign3A_609 : i1 to i32
      %sign3A_611 = arith.subi %sign3A_607, %sign3A_610 : i32
      %sign3A_612 = arith.constant 0 : i32
      %sign3A_613 = arith.cmpi sgt, %jit3A, %sign3A_612 : i32
      %sign3A_614 = arith.extui %sign3A_613 : i1 to i32
      %sign3A_615 = arith.constant 0 : i32
      %sign3A_616 = arith.cmpi slt, %jit3A, %sign3A_615 : i32
      %sign3A_617 = arith.extui %sign3A_616 : i1 to i32
      %sign3A_618 = arith.subi %sign3A_614, %sign3A_617 : i32
      %ne3A = arith.cmpi ne, %sign3A_611, %sign3A_618 : i32
      %rem3A = arith.remsi %add3A_605, %jit3A : i32
      %ne3A_619 = arith.constant 0 : i32
      %ne3A_620 = arith.cmpi ne, %rem3A, %ne3A_619 : i32
      %and3A = arith.andi %ne3A, %ne3A_620 : i1
      %sub3A = arith.constant 1 : i32
      %sub3A_621 = arith.subi %div3A, %sub3A : i32
      %select_n3A = arith.select %and3A, %sub3A_621, %div3A : i32
      %jit3A_622 = arith.constant 5 : i32
      %eq3A = arith.constant 0 : i32
      %eq3A_623 = arith.cmpi eq, %jit3A_622, %eq3A : i32
      %jit3A_624 = arith.constant 1 : i32
      %select_n3A_625 = arith.select %eq3A_623, %jit3A_624, %jit3A_622 : i32
      %rem3A_626 = arith.remsi %add3A_605, %select_n3A_625 : i32
      %ne3A_627 = arith.constant 0 : i32
      %ne3A_628 = arith.cmpi ne, %rem3A_626, %ne3A_627 : i32
      %lt3A = arith.constant 0 : i32
      %lt3A_629 = arith.cmpi slt, %rem3A_626, %lt3A : i32
      %lt3A_630 = arith.constant 0 : i32
      %lt3A_631 = arith.cmpi slt, %select_n3A_625, %lt3A_630 : i32
      %ne3A_632 = arith.xori %lt3A_629, %lt3A_631 : i1
      %and3A_633 = arith.andi %ne3A_632, %ne3A_628 : i1
      %add3A_634 = arith.addi %rem3A_626, %select_n3A_625 : i32
      %select_n3A_635 = arith.select %and3A_633, %add3A_634, %rem3A_626 : i32
      %mul3A_636 = arith.constant 40 : i32
      %mul3A_637 = arith.muli %select_n3A_635, %mul3A_636 : i32
      %dma_wait3A_638 = arith.constant 0 : i32
      %dma_wait3A_639 = arith.constant 0 : i32
      %dma_wait3A_640 = arith.constant 0 : i32
      %dma_wait3A_641 = arith.constant 0 : i32
      %dma_wait3A_642 = tpu.memref_slice %arg6[%dma_wait3A_638, %dma_wait3A_640, %dma_wait3A_641] : memref<8x40x128xf32, #tpu.memory_space<vmem>> -> memref<1x40x128xf32, #tpu.memory_space<vmem>>
      %dma_wait3A_643 = tpu.memref_squeeze %dma_wait3A_642 : memref<1x40x128xf32, #tpu.memory_space<vmem>> -> memref<40x128xf32, #tpu.memory_space<vmem>>
      %dma_wait3A_644 = tpu.memref_slice %arg5[%select_n3A, %mul3A_637] : memref<128x200xi32, #tpu.memory_space<vmem>> -> memref<1x40xi32, #tpu.memory_space<vmem>>
      %dma_wait3A_645 = tpu.memref_squeeze %dma_wait3A_644 : memref<1x40xi32, #tpu.memory_space<vmem>> -> memref<40xi32, #tpu.memory_space<vmem>>
      %dma_wait3A_646 = arith.constant 0 : i32
      %dma_wait3A_647 = arith.constant 0 : i32
      %dma_wait3A_648 = tpu.memref_slice %arg3[%dma_wait3A_646, %dma_wait3A_647] : memref<1000000x128xf32, #tpu.memory_space<hbm>> -> memref<1000000x128xf32, #tpu.memory_space<hbm>>
      %dma_wait3A_649 = tpu.memref_slice %arg7[%dma_wait3A_639] : memref<8x!tpu.dma_semaphore, #tpu.memory_space<semaphore_mem>> -> memref<1x!tpu.dma_semaphore, #tpu.memory_space<semaphore_mem>>
      %dma_wait3A_650 = tpu.memref_squeeze %dma_wait3A_649 : memref<1x!tpu.dma_semaphore, #tpu.memory_space<semaphore_mem>> -> memref<!tpu.dma_semaphore, #tpu.memory_space<semaphore_mem>>
      tpu.wait_indirect_dma semaphore(%dma_wait3A_650 : memref<!tpu.dma_semaphore, #tpu.memory_space<semaphore_mem>>) src(%dma_wait3A_648 : memref<1000000x128xf32, #tpu.memory_space<hbm>>) dst(%dma_wait3A_643 : memref<40x128xf32, #tpu.memory_space<vmem>>)
      %jit3A_651 = arith.constant 5 : i32
      %div3A_652 = arith.divsi %add3A_605, %jit3A_651 : i32
      %sign3A_653 = arith.constant 0 : i32
      %sign3A_654 = arith.cmpi sgt, %add3A_605, %sign3A_653 : i32
      %sign3A_655 = arith.extui %sign3A_654 : i1 to i32
      %sign3A_656 = arith.constant 0 : i32
      %sign3A_657 = arith.cmpi slt, %add3A_605, %sign3A_656 : i32
      %sign3A_658 = arith.extui %sign3A_657 : i1 to i32
      %sign3A_659 = arith.subi %sign3A_655, %sign3A_658 : i32
      %sign3A_660 = arith.constant 0 : i32
      %sign3A_661 = arith.cmpi sgt, %jit3A_651, %sign3A_660 : i32
      %sign3A_662 = arith.extui %sign3A_661 : i1 to i32
      %sign3A_663 = arith.constant 0 : i32
      %sign3A_664 = arith.cmpi slt, %jit3A_651, %sign3A_663 : i32
      %sign3A_665 = arith.extui %sign3A_664 : i1 to i32
      %sign3A_666 = arith.subi %sign3A_662, %sign3A_665 : i32
      %ne3A_667 = arith.cmpi ne, %sign3A_659, %sign3A_666 : i32
      %rem3A_668 = arith.remsi %add3A_605, %jit3A_651 : i32
      %ne3A_669 = arith.constant 0 : i32
      %ne3A_670 = arith.cmpi ne, %rem3A_668, %ne3A_669 : i32
      %and3A_671 = arith.andi %ne3A_667, %ne3A_670 : i1
      %sub3A_672 = arith.constant 1 : i32
      %sub3A_673 = arith.subi %div3A_652, %sub3A_672 : i32
      %select_n3A_674 = arith.select %and3A_671, %sub3A_673, %div3A_652 : i32
      %jit3A_675 = arith.constant 5 : i32
      %eq3A_676 = arith.constant 0 : i32
      %eq3A_677 = arith.cmpi eq, %jit3A_675, %eq3A_676 : i32
      %jit3A_678 = arith.constant 1 : i32
      %select_n3A_679 = arith.select %eq3A_677, %jit3A_678, %jit3A_675 : i32
      %rem3A_680 = arith.remsi %add3A_605, %select_n3A_679 : i32
      %ne3A_681 = arith.constant 0 : i32
      %ne3A_682 = arith.cmpi ne, %rem3A_680, %ne3A_681 : i32
      %lt3A_683 = arith.constant 0 : i32
      %lt3A_684 = arith.cmpi slt, %rem3A_680, %lt3A_683 : i32
      %lt3A_685 = arith.constant 0 : i32
      %lt3A_686 = arith.cmpi slt, %select_n3A_679, %lt3A_685 : i32
      %ne3A_687 = arith.xori %lt3A_684, %lt3A_686 : i1
      %and3A_688 = arith.andi %ne3A_687, %ne3A_682 : i1
      %add3A_689 = arith.addi %rem3A_680, %select_n3A_679 : i32
      %select_n3A_690 = arith.select %and3A_688, %add3A_689, %rem3A_680 : i32
      %add3A_691 = arith.addi %mul3A_2, %select_n3A_674 : i32
      %mul3A_692 = arith.constant 40 : i32
      %mul3A_693 = arith.muli %select_n3A_690, %mul3A_692 : i32
      %dma_start3A_694 = arith.constant 0 : i32
      %dma_start3A_695 = arith.constant 0 : i32
      %dma_start3A_696 = arith.constant 0 : i32
      %dma_start3A_697 = arith.constant 0 : i32
      %dma_start3A_698 = tpu.memref_slice %arg6[%dma_start3A_694, %dma_start3A_696, %dma_start3A_697] : memref<8x40x128xf32, #tpu.memory_space<vmem>> -> memref<1x40x64xf32, #tpu.memory_space<vmem>>
      %dma_start3A_699 = tpu.memref_squeeze %dma_start3A_698 : memref<1x40x64xf32, #tpu.memory_space<vmem>> -> memref<40x64xf32, #tpu.memory_space<vmem>>
      %dma_start3A_700 = arith.constant 0 : i32
      %dma_start3A_701 = tpu.memref_slice %arg4[%add3A_691, %mul3A_693, %dma_start3A_700] : memref<4096x200x128xf32, #tpu.memory_space<hbm>> -> memref<1x40x64xf32, #tpu.memory_space<hbm>>
      %dma_start3A_702 = tpu.memref_squeeze %dma_start3A_701 : memref<1x40x64xf32, #tpu.memory_space<hbm>> -> memref<40x64xf32, #tpu.memory_space<hbm>>
      %dma_start3A_703 = tpu.memref_slice %arg8[%dma_start3A_695] : memref<8x!tpu.dma_semaphore, #tpu.memory_space<semaphore_mem>> -> memref<1x!tpu.dma_semaphore, #tpu.memory_space<semaphore_mem>>
      %dma_start3A_704 = tpu.memref_squeeze %dma_start3A_703 : memref<1x!tpu.dma_semaphore, #tpu.memory_space<semaphore_mem>> -> memref<!tpu.dma_semaphore, #tpu.memory_space<semaphore_mem>>
      %dma_start3A_705 = arith.constant 0 : i32
      %dma_start3A_706 = tpu.memref_slice %arg4[%add3A_691, %mul3A_693, %dma_start3A_705] : memref<4096x200x128xf32, #tpu.memory_space<hbm>> -> memref<1x40x64xf32, #tpu.memory_space<hbm>>
      %dma_start3A_707 = tpu.memref_squeeze %dma_start3A_706 : memref<1x40x64xf32, #tpu.memory_space<hbm>> -> memref<40x64xf32, #tpu.memory_space<hbm>>
      %dma_start3A_708 = arith.constant 0 : i32
      %dma_start3A_709 = arith.constant 0 : i32
      %dma_start3A_710 = tpu.memref_slice %arg6[%dma_start3A_694, %dma_start3A_708, %dma_start3A_709] : memref<8x40x128xf32, #tpu.memory_space<vmem>> -> memref<1x40x64xf32, #tpu.memory_space<vmem>>
      %dma_start3A_711 = tpu.memref_squeeze %dma_start3A_710 : memref<1x40x64xf32, #tpu.memory_space<vmem>> -> memref<40x64xf32, #tpu.memory_space<vmem>>
      tpu.enqueue_dma source(%dma_start3A_711 : memref<40x64xf32, #tpu.memory_space<vmem>>) target(%dma_start3A_707 : memref<40x64xf32, #tpu.memory_space<hbm>>) target_semaphore(%dma_start3A_704 : memref<!tpu.dma_semaphore, #tpu.memory_space<semaphore_mem>>)
      %jit3A_712 = arith.constant 5 : i32
      %div3A_713 = arith.divsi %add3A_605, %jit3A_712 : i32
      %sign3A_714 = arith.constant 0 : i32
      %sign3A_715 = arith.cmpi sgt, %add3A_605, %sign3A_714 : i32
      %sign3A_716 = arith.extui %sign3A_715 : i1 to i32
      %sign3A_717 = arith.constant 0 : i32
      %sign3A_718 = arith.cmpi slt, %add3A_605, %sign3A_717 : i32
      %sign3A_719 = arith.extui %sign3A_718 : i1 to i32
      %sign3A_720 = arith.subi %sign3A_716, %sign3A_719 : i32
      %sign3A_721 = arith.constant 0 : i32
      %sign3A_722 = arith.cmpi sgt, %jit3A_712, %sign3A_721 : i32
      %sign3A_723 = arith.extui %sign3A_722 : i1 to i32
      %sign3A_724 = arith.constant 0 : i32
      %sign3A_725 = arith.cmpi slt, %jit3A_712, %sign3A_724 : i32
      %sign3A_726 = arith.extui %sign3A_725 : i1 to i32
      %sign3A_727 = arith.subi %sign3A_723, %sign3A_726 : i32
      %ne3A_728 = arith.cmpi ne, %sign3A_720, %sign3A_727 : i32
      %rem3A_729 = arith.remsi %add3A_605, %jit3A_712 : i32
      %ne3A_730 = arith.constant 0 : i32
      %ne3A_731 = arith.cmpi ne, %rem3A_729, %ne3A_730 : i32
      %and3A_732 = arith.andi %ne3A_728, %ne3A_731 : i1
      %sub3A_733 = arith.constant 1 : i32
      %sub3A_734 = arith.subi %div3A_713, %sub3A_733 : i32
      %select_n3A_735 = arith.select %and3A_732, %sub3A_734, %div3A_713 : i32
      %jit3A_736 = arith.constant 5 : i32
      %eq3A_737 = arith.constant 0 : i32
      %eq3A_738 = arith.cmpi eq, %jit3A_736, %eq3A_737 : i32
      %jit3A_739 = arith.constant 1 : i32
      %select_n3A_740 = arith.select %eq3A_738, %jit3A_739, %jit3A_736 : i32
      %rem3A_741 = arith.remsi %add3A_605, %select_n3A_740 : i32
      %ne3A_742 = arith.constant 0 : i32
      %ne3A_743 = arith.cmpi ne, %rem3A_741, %ne3A_742 : i32
      %lt3A_744 = arith.constant 0 : i32
      %lt3A_745 = arith.cmpi slt, %rem3A_741, %lt3A_744 : i32
      %lt3A_746 = arith.constant 0 : i32
      %lt3A_747 = arith.cmpi slt, %select_n3A_740, %lt3A_746 : i32
      %ne3A_748 = arith.xori %lt3A_745, %lt3A_747 : i1
      %and3A_749 = arith.andi %ne3A_748, %ne3A_743 : i1
      %add3A_750 = arith.addi %rem3A_741, %select_n3A_740 : i32
      %select_n3A_751 = arith.select %and3A_749, %add3A_750, %rem3A_741 : i32
      %add3A_752 = arith.addi %mul3A_2, %select_n3A_735 : i32
      %mul3A_753 = arith.constant 40 : i32
      %mul3A_754 = arith.muli %select_n3A_751, %mul3A_753 : i32
      %dma_wait3A_755 = arith.constant 0 : i32
      %dma_wait3A_756 = arith.constant 0 : i32
      %dma_wait3A_757 = arith.constant 0 : i32
      %dma_wait3A_758 = arith.constant 0 : i32
      %dma_wait3A_759 = tpu.memref_slice %arg6[%dma_wait3A_755, %dma_wait3A_757, %dma_wait3A_758] : memref<8x40x128xf32, #tpu.memory_space<vmem>> -> memref<1x40x64xf32, #tpu.memory_space<vmem>>
      %dma_wait3A_760 = tpu.memref_squeeze %dma_wait3A_759 : memref<1x40x64xf32, #tpu.memory_space<vmem>> -> memref<40x64xf32, #tpu.memory_space<vmem>>
      %dma_wait3A_761 = arith.constant 0 : i32
      %dma_wait3A_762 = tpu.memref_slice %arg4[%add3A_752, %mul3A_754, %dma_wait3A_761] : memref<4096x200x128xf32, #tpu.memory_space<hbm>> -> memref<1x40x64xf32, #tpu.memory_space<hbm>>
      %dma_wait3A_763 = tpu.memref_squeeze %dma_wait3A_762 : memref<1x40x64xf32, #tpu.memory_space<hbm>> -> memref<40x64xf32, #tpu.memory_space<hbm>>
      %dma_wait3A_764 = tpu.memref_slice %arg8[%dma_wait3A_756] : memref<8x!tpu.dma_semaphore, #tpu.memory_space<semaphore_mem>> -> memref<1x!tpu.dma_semaphore, #tpu.memory_space<semaphore_mem>>
      %dma_wait3A_765 = tpu.memref_squeeze %dma_wait3A_764 : memref<1x!tpu.dma_semaphore, #tpu.memory_space<semaphore_mem>> -> memref<!tpu.dma_semaphore, #tpu.memory_space<semaphore_mem>>
      %dma_wait3A_766 = arith.constant 0 : i32
      %dma_wait3A_767 = tpu.memref_slice %arg4[%add3A_752, %mul3A_754, %dma_wait3A_766] : memref<4096x200x128xf32, #tpu.memory_space<hbm>> -> memref<1x40x64xf32, #tpu.memory_space<hbm>>
      %dma_wait3A_768 = tpu.memref_squeeze %dma_wait3A_767 : memref<1x40x64xf32, #tpu.memory_space<hbm>> -> memref<40x64xf32, #tpu.memory_space<hbm>>
      %dma_wait3A_769 = arith.constant 0 : i32
      %dma_wait3A_770 = arith.constant 0 : i32
      %dma_wait3A_771 = tpu.memref_slice %arg6[%dma_wait3A_755, %dma_wait3A_769, %dma_wait3A_770] : memref<8x40x128xf32, #tpu.memory_space<vmem>> -> memref<1x40x64xf32, #tpu.memory_space<vmem>>
      %dma_wait3A_772 = tpu.memref_squeeze %dma_wait3A_771 : memref<1x40x64xf32, #tpu.memory_space<vmem>> -> memref<40x64xf32, #tpu.memory_space<vmem>>
      tpu.wait_dma2 semaphore(%dma_wait3A_765 : memref<!tpu.dma_semaphore, #tpu.memory_space<semaphore_mem>>) src(%dma_wait3A_772 : memref<40x64xf32, #tpu.memory_space<vmem>>) dst(%dma_wait3A_768 : memref<40x64xf32, #tpu.memory_space<hbm>>)
      %add3A_773 = arith.constant 8 : i32
      %add3A_774 = arith.addi %add3A_605, %add3A_773 : i32
      %jit3A_775 = arith.constant 5 : i32
      %div3A_776 = arith.divsi %add3A_774, %jit3A_775 : i32
      %sign3A_777 = arith.constant 0 : i32
      %sign3A_778 = arith.cmpi sgt, %add3A_774, %sign3A_777 : i32
      %sign3A_779 = arith.extui %sign3A_778 : i1 to i32
      %sign3A_780 = arith.constant 0 : i32
      %sign3A_781 = arith.cmpi slt, %add3A_774, %sign3A_780 : i32
      %sign3A_782 = arith.extui %sign3A_781 : i1 to i32
      %sign3A_783 = arith.subi %sign3A_779, %sign3A_782 : i32
      %sign3A_784 = arith.constant 0 : i32
      %sign3A_785 = arith.cmpi sgt, %jit3A_775, %sign3A_784 : i32
      %sign3A_786 = arith.extui %sign3A_785 : i1 to i32
      %sign3A_787 = arith.constant 0 : i32
      %sign3A_788 = arith.cmpi slt, %jit3A_775, %sign3A_787 : i32
      %sign3A_789 = arith.extui %sign3A_788 : i1 to i32
      %sign3A_790 = arith.subi %sign3A_786, %sign3A_789 : i32
      %ne3A_791 = arith.cmpi ne, %sign3A_783, %sign3A_790 : i32
      %rem3A_792 = arith.remsi %add3A_774, %jit3A_775 : i32
      %ne3A_793 = arith.constant 0 : i32
      %ne3A_794 = arith.cmpi ne, %rem3A_792, %ne3A_793 : i32
      %and3A_795 = arith.andi %ne3A_791, %ne3A_794 : i1
      %sub3A_796 = arith.constant 1 : i32
      %sub3A_797 = arith.subi %div3A_776, %sub3A_796 : i32
      %select_n3A_798 = arith.select %and3A_795, %sub3A_797, %div3A_776 : i32
      %jit3A_799 = arith.constant 5 : i32
      %eq3A_800 = arith.constant 0 : i32
      %eq3A_801 = arith.cmpi eq, %jit3A_799, %eq3A_800 : i32
      %jit3A_802 = arith.constant 1 : i32
      %select_n3A_803 = arith.select %eq3A_801, %jit3A_802, %jit3A_799 : i32
      %rem3A_804 = arith.remsi %add3A_774, %select_n3A_803 : i32
      %ne3A_805 = arith.constant 0 : i32
      %ne3A_806 = arith.cmpi ne, %rem3A_804, %ne3A_805 : i32
      %lt3A_807 = arith.constant 0 : i32
      %lt3A_808 = arith.cmpi slt, %rem3A_804, %lt3A_807 : i32
      %lt3A_809 = arith.constant 0 : i32
      %lt3A_810 = arith.cmpi slt, %select_n3A_803, %lt3A_809 : i32
      %ne3A_811 = arith.xori %lt3A_808, %lt3A_810 : i1
      %and3A_812 = arith.andi %ne3A_811, %ne3A_806 : i1
      %add3A_813 = arith.addi %rem3A_804, %select_n3A_803 : i32
      %select_n3A_814 = arith.select %and3A_812, %add3A_813, %rem3A_804 : i32
      %mul3A_815 = arith.constant 40 : i32
      %mul3A_816 = arith.muli %select_n3A_814, %mul3A_815 : i32
      %dma_start3A_817 = arith.constant 0 : i32
      %dma_start3A_818 = arith.constant 0 : i32
      %dma_start3A_819 = arith.constant 0 : i32
      %dma_start3A_820 = arith.constant 0 : i32
      %dma_start3A_821 = tpu.memref_slice %arg6[%dma_start3A_817, %dma_start3A_819, %dma_start3A_820] : memref<8x40x128xf32, #tpu.memory_space<vmem>> -> memref<1x40x128xf32, #tpu.memory_space<vmem>>
      %dma_start3A_822 = tpu.memref_squeeze %dma_start3A_821 : memref<1x40x128xf32, #tpu.memory_space<vmem>> -> memref<40x128xf32, #tpu.memory_space<vmem>>
      %dma_start3A_823 = tpu.memref_slice %arg5[%select_n3A_798, %mul3A_816] : memref<128x200xi32, #tpu.memory_space<vmem>> -> memref<1x40xi32, #tpu.memory_space<vmem>>
      %dma_start3A_824 = tpu.memref_squeeze %dma_start3A_823 : memref<1x40xi32, #tpu.memory_space<vmem>> -> memref<40xi32, #tpu.memory_space<vmem>>
      %dma_start3A_825 = arith.constant 0 : i32
      %dma_start3A_826 = arith.constant 0 : i32
      %dma_start3A_827 = tpu.memref_slice %arg3[%dma_start3A_825, %dma_start3A_826] : memref<1000000x128xf32, #tpu.memory_space<hbm>> -> memref<1000000x128xf32, #tpu.memory_space<hbm>>
      %dma_start3A_828 = tpu.memref_slice %arg7[%dma_start3A_818] : memref<8x!tpu.dma_semaphore, #tpu.memory_space<semaphore_mem>> -> memref<1x!tpu.dma_semaphore, #tpu.memory_space<semaphore_mem>>
      %dma_start3A_829 = tpu.memref_squeeze %dma_start3A_828 : memref<1x!tpu.dma_semaphore, #tpu.memory_space<semaphore_mem>> -> memref<!tpu.dma_semaphore, #tpu.memory_space<semaphore_mem>>
      tpu.enqueue_indirect_dma source(%dma_start3A_827 : memref<1000000x128xf32, #tpu.memory_space<hbm>>) target(%dma_start3A_822 : memref<40x128xf32, #tpu.memory_space<vmem>>) offsets(%dma_start3A_824 : memref<40xi32, #tpu.memory_space<vmem>>) semaphore(%dma_start3A_829 : memref<!tpu.dma_semaphore, #tpu.memory_space<semaphore_mem>>)
      %mul3A_830 = arith.constant 8 : i32
      %mul3A_831 = arith.muli %add3A_601, %mul3A_830 : i32
      %add3A_832 = arith.constant 1 : i32
      %add3A_833 = arith.addi %mul3A_831, %add3A_832 : i32
      %jit3A_834 = arith.constant 5 : i32
      %div3A_835 = arith.divsi %add3A_833, %jit3A_834 : i32
      %sign3A_836 = arith.constant 0 : i32
      %sign3A_837 = arith.cmpi sgt, %add3A_833, %sign3A_836 : i32
      %sign3A_838 = arith.extui %sign3A_837 : i1 to i32
      %sign3A_839 = arith.constant 0 : i32
      %sign3A_840 = arith.cmpi slt, %add3A_833, %sign3A_839 : i32
      %sign3A_841 = arith.extui %sign3A_840 : i1 to i32
      %sign3A_842 = arith.subi %sign3A_838, %sign3A_841 : i32
      %sign3A_843 = arith.constant 0 : i32
      %sign3A_844 = arith.cmpi sgt, %jit3A_834, %sign3A_843 : i32
      %sign3A_845 = arith.extui %sign3A_844 : i1 to i32
      %sign3A_846 = arith.constant 0 : i32
      %sign3A_847 = arith.cmpi slt, %jit3A_834, %sign3A_846 : i32
      %sign3A_848 = arith.extui %sign3A_847 : i1 to i32
      %sign3A_849 = arith.subi %sign3A_845, %sign3A_848 : i32
      %ne3A_850 = arith.cmpi ne, %sign3A_842, %sign3A_849 : i32
      %rem3A_851 = arith.remsi %add3A_833, %jit3A_834 : i32
      %ne3A_852 = arith.constant 0 : i32
      %ne3A_853 = arith.cmpi ne, %rem3A_851, %ne3A_852 : i32
      %and3A_854 = arith.andi %ne3A_850, %ne3A_853 : i1
      %sub3A_855 = arith.constant 1 : i32
      %sub3A_856 = arith.subi %div3A_835, %sub3A_855 : i32
      %select_n3A_857 = arith.select %and3A_854, %sub3A_856, %div3A_835 : i32
      %jit3A_858 = arith.constant 5 : i32
      %eq3A_859 = arith.constant 0 : i32
      %eq3A_860 = arith.cmpi eq, %jit3A_858, %eq3A_859 : i32
      %jit3A_861 = arith.constant 1 : i32
      %select_n3A_862 = arith.select %eq3A_860, %jit3A_861, %jit3A_858 : i32
      %rem3A_863 = arith.remsi %add3A_833, %select_n3A_862 : i32
      %ne3A_864 = arith.constant 0 : i32
      %ne3A_865 = arith.cmpi ne, %rem3A_863, %ne3A_864 : i32
      %lt3A_866 = arith.constant 0 : i32
      %lt3A_867 = arith.cmpi slt, %rem3A_863, %lt3A_866 : i32
      %lt3A_868 = arith.constant 0 : i32
      %lt3A_869 = arith.cmpi slt, %select_n3A_862, %lt3A_868 : i32
      %ne3A_870 = arith.xori %lt3A_867, %lt3A_869 : i1
      %and3A_871 = arith.andi %ne3A_870, %ne3A_865 : i1
      %add3A_872 = arith.addi %rem3A_863, %select_n3A_862 : i32
      %select_n3A_873 = arith.select %and3A_871, %add3A_872, %rem3A_863 : i32
      %mul3A_874 = arith.constant 40 : i32
      %mul3A_875 = arith.muli %select_n3A_873, %mul3A_874 : i32
      %dma_wait3A_876 = arith.constant 1 : i32
      %dma_wait3A_877 = arith.constant 1 : i32
      %dma_wait3A_878 = arith.constant 0 : i32
      %dma_wait3A_879 = arith.constant 0 : i32
      %dma_wait3A_880 = tpu.memref_slice %arg6[%dma_wait3A_876, %dma_wait3A_878, %dma_wait3A_879] : memref<8x40x128xf32, #tpu.memory_space<vmem>> -> memref<1x40x128xf32, #tpu.memory_space<vmem>>
      %dma_wait3A_881 = tpu.memref_squeeze %dma_wait3A_880 : memref<1x40x128xf32, #tpu.memory_space<vmem>> -> memref<40x128xf32, #tpu.memory_space<vmem>>
      %dma_wait3A_882 = tpu.memref_slice %arg5[%select_n3A_857, %mul3A_875] : memref<128x200xi32, #tpu.memory_space<vmem>> -> memref<1x40xi32, #tpu.memory_space<vmem>>
      %dma_wait3A_883 = tpu.memref_squeeze %dma_wait3A_882 : memref<1x40xi32, #tpu.memory_space<vmem>> -> memref<40xi32, #tpu.memory_space<vmem>>
      %dma_wait3A_884 = arith.constant 0 : i32
      %dma_wait3A_885 = arith.constant 0 : i32
      %dma_wait3A_886 = tpu.memref_slice %arg3[%dma_wait3A_884, %dma_wait3A_885] : memref<1000000x128xf32, #tpu.memory_space<hbm>> -> memref<1000000x128xf32, #tpu.memory_space<hbm>>
      %dma_wait3A_887 = tpu.memref_slice %arg7[%dma_wait3A_877] : memref<8x!tpu.dma_semaphore, #tpu.memory_space<semaphore_mem>> -> memref<1x!tpu.dma_semaphore, #tpu.memory_space<semaphore_mem>>
      %dma_wait3A_888 = tpu.memref_squeeze %dma_wait3A_887 : memref<1x!tpu.dma_semaphore, #tpu.memory_space<semaphore_mem>> -> memref<!tpu.dma_semaphore, #tpu.memory_space<semaphore_mem>>
      tpu.wait_indirect_dma semaphore(%dma_wait3A_888 : memref<!tpu.dma_semaphore, #tpu.memory_space<semaphore_mem>>) src(%dma_wait3A_886 : memref<1000000x128xf32, #tpu.memory_space<hbm>>) dst(%dma_wait3A_881 : memref<40x128xf32, #tpu.memory_space<vmem>>)
      %jit3A_889 = arith.constant 5 : i32
      %div3A_890 = arith.divsi %add3A_833, %jit3A_889 : i32
      %sign3A_891 = arith.constant 0 : i32
      %sign3A_892 = arith.cmpi sgt, %add3A_833, %sign3A_891 : i32
      %sign3A_893 = arith.extui %sign3A_892 : i1 to i32
      %sign3A_894 = arith.constant 0 : i32
      %sign3A_895 = arith.cmpi slt, %add3A_833, %sign3A_894 : i32
      %sign3A_896 = arith.extui %sign3A_895 : i1 to i32
      %sign3A_897 = arith.subi %sign3A_893, %sign3A_896 : i32
      %sign3A_898 = arith.constant 0 : i32
      %sign3A_899 = arith.cmpi sgt, %jit3A_889, %sign3A_898 : i32
      %sign3A_900 = arith.extui %sign3A_899 : i1 to i32
      %sign3A_901 = arith.constant 0 : i32
      %sign3A_902 = arith.cmpi slt, %jit3A_889, %sign3A_901 : i32
      %sign3A_903 = arith.extui %sign3A_902 : i1 to i32
      %sign3A_904 = arith.subi %sign3A_900, %sign3A_903 : i32
      %ne3A_905 = arith.cmpi ne, %sign3A_897, %sign3A_904 : i32
      %rem3A_906 = arith.remsi %add3A_833, %jit3A_889 : i32
      %ne3A_907 = arith.constant 0 : i32
      %ne3A_908 = arith.cmpi ne, %rem3A_906, %ne3A_907 : i32
      %and3A_909 = arith.andi %ne3A_905, %ne3A_908 : i1
      %sub3A_910 = arith.constant 1 : i32
      %sub3A_911 = arith.subi %div3A_890, %sub3A_910 : i32
      %select_n3A_912 = arith.select %and3A_909, %sub3A_911, %div3A_890 : i32
      %jit3A_913 = arith.constant 5 : i32
      %eq3A_914 = arith.constant 0 : i32
      %eq3A_915 = arith.cmpi eq, %jit3A_913, %eq3A_914 : i32
      %jit3A_916 = arith.constant 1 : i32
      %select_n3A_917 = arith.select %eq3A_915, %jit3A_916, %jit3A_913 : i32
      %rem3A_918 = arith.remsi %add3A_833, %select_n3A_917 : i32
      %ne3A_919 = arith.constant 0 : i32
      %ne3A_920 = arith.cmpi ne, %rem3A_918, %ne3A_919 : i32
      %lt3A_921 = arith.constant 0 : i32
      %lt3A_922 = arith.cmpi slt, %rem3A_918, %lt3A_921 : i32
      %lt3A_923 = arith.constant 0 : i32
      %lt3A_924 = arith.cmpi slt, %select_n3A_917, %lt3A_923 : i32
      %ne3A_925 = arith.xori %lt3A_922, %lt3A_924 : i1
      %and3A_926 = arith.andi %ne3A_925, %ne3A_920 : i1
      %add3A_927 = arith.addi %rem3A_918, %select_n3A_917 : i32
      %select_n3A_928 = arith.select %and3A_926, %add3A_927, %rem3A_918 : i32
      %add3A_929 = arith.addi %mul3A_2, %select_n3A_912 : i32
      %mul3A_930 = arith.constant 40 : i32
      %mul3A_931 = arith.muli %select_n3A_928, %mul3A_930 : i32
      %dma_start3A_932 = arith.constant 1 : i32
      %dma_start3A_933 = arith.constant 1 : i32
      %dma_start3A_934 = arith.constant 0 : i32
      %dma_start3A_935 = arith.constant 0 : i32
      %dma_start3A_936 = tpu.memref_slice %arg6[%dma_start3A_932, %dma_start3A_934, %dma_start3A_935] : memref<8x40x128xf32, #tpu.memory_space<vmem>> -> memref<1x40x64xf32, #tpu.memory_space<vmem>>
      %dma_start3A_937 = tpu.memref_squeeze %dma_start3A_936 : memref<1x40x64xf32, #tpu.memory_space<vmem>> -> memref<40x64xf32, #tpu.memory_space<vmem>>
      %dma_start3A_938 = arith.constant 0 : i32
      %dma_start3A_939 = tpu.memref_slice %arg4[%add3A_929, %mul3A_931, %dma_start3A_938] : memref<4096x200x128xf32, #tpu.memory_space<hbm>> -> memref<1x40x64xf32, #tpu.memory_space<hbm>>
      %dma_start3A_940 = tpu.memref_squeeze %dma_start3A_939 : memref<1x40x64xf32, #tpu.memory_space<hbm>> -> memref<40x64xf32, #tpu.memory_space<hbm>>
      %dma_start3A_941 = tpu.memref_slice %arg8[%dma_start3A_933] : memref<8x!tpu.dma_semaphore, #tpu.memory_space<semaphore_mem>> -> memref<1x!tpu.dma_semaphore, #tpu.memory_space<semaphore_mem>>
      %dma_start3A_942 = tpu.memref_squeeze %dma_start3A_941 : memref<1x!tpu.dma_semaphore, #tpu.memory_space<semaphore_mem>> -> memref<!tpu.dma_semaphore, #tpu.memory_space<semaphore_mem>>
      %dma_start3A_943 = arith.constant 0 : i32
      %dma_start3A_944 = tpu.memref_slice %arg4[%add3A_929, %mul3A_931, %dma_start3A_943] : memref<4096x200x128xf32, #tpu.memory_space<hbm>> -> memref<1x40x64xf32, #tpu.memory_space<hbm>>
      %dma_start3A_945 = tpu.memref_squeeze %dma_start3A_944 : memref<1x40x64xf32, #tpu.memory_space<hbm>> -> memref<40x64xf32, #tpu.memory_space<hbm>>
      %dma_start3A_946 = arith.constant 0 : i32
      %dma_start3A_947 = arith.constant 0 : i32
      %dma_start3A_948 = tpu.memref_slice %arg6[%dma_start3A_932, %dma_start3A_946, %dma_start3A_947] : memref<8x40x128xf32, #tpu.memory_space<vmem>> -> memref<1x40x64xf32, #tpu.memory_space<vmem>>
      %dma_start3A_949 = tpu.memref_squeeze %dma_start3A_948 : memref<1x40x64xf32, #tpu.memory_space<vmem>> -> memref<40x64xf32, #tpu.memory_space<vmem>>
      tpu.enqueue_dma source(%dma_start3A_949 : memref<40x64xf32, #tpu.memory_space<vmem>>) target(%dma_start3A_945 : memref<40x64xf32, #tpu.memory_space<hbm>>) target_semaphore(%dma_start3A_942 : memref<!tpu.dma_semaphore, #tpu.memory_space<semaphore_mem>>)
      %jit3A_950 = arith.constant 5 : i32
      %div3A_951 = arith.divsi %add3A_833, %jit3A_950 : i32
      %sign3A_952 = arith.constant 0 : i32
      %sign3A_953 = arith.cmpi sgt, %add3A_833, %sign3A_952 : i32
      %sign3A_954 = arith.extui %sign3A_953 : i1 to i32
      %sign3A_955 = arith.constant 0 : i32
      %sign3A_956 = arith.cmpi slt, %add3A_833, %sign3A_955 : i32
      %sign3A_957 = arith.extui %sign3A_956 : i1 to i32
      %sign3A_958 = arith.subi %sign3A_954, %sign3A_957 : i32
      %sign3A_959 = arith.constant 0 : i32
      %sign3A_960 = arith.cmpi sgt, %jit3A_950, %sign3A_959 : i32
      %sign3A_961 = arith.extui %sign3A_960 : i1 to i32
      %sign3A_962 = arith.constant 0 : i32
      %sign3A_963 = arith.cmpi slt, %jit3A_950, %sign3A_962 : i32
      %sign3A_964 = arith.extui %sign3A_963 : i1 to i32
      %sign3A_965 = arith.subi %sign3A_961, %sign3A_964 : i32
      %ne3A_966 = arith.cmpi ne, %sign3A_958, %sign3A_965 : i32
      %rem3A_967 = arith.remsi %add3A_833, %jit3A_950 : i32
      %ne3A_968 = arith.constant 0 : i32
      %ne3A_969 = arith.cmpi ne, %rem3A_967, %ne3A_968 : i32
      %and3A_970 = arith.andi %ne3A_966, %ne3A_969 : i1
      %sub3A_971 = arith.constant 1 : i32
      %sub3A_972 = arith.subi %div3A_951, %sub3A_971 : i32
      %select_n3A_973 = arith.select %and3A_970, %sub3A_972, %div3A_951 : i32
      %jit3A_974 = arith.constant 5 : i32
      %eq3A_975 = arith.constant 0 : i32
      %eq3A_976 = arith.cmpi eq, %jit3A_974, %eq3A_975 : i32
      %jit3A_977 = arith.constant 1 : i32
      %select_n3A_978 = arith.select %eq3A_976, %jit3A_977, %jit3A_974 : i32
      %rem3A_979 = arith.remsi %add3A_833, %select_n3A_978 : i32
      %ne3A_980 = arith.constant 0 : i32
      %ne3A_981 = arith.cmpi ne, %rem3A_979, %ne3A_980 : i32
      %lt3A_982 = arith.constant 0 : i32
      %lt3A_983 = arith.cmpi slt, %rem3A_979, %lt3A_982 : i32
      %lt3A_984 = arith.constant 0 : i32
      %lt3A_985 = arith.cmpi slt, %select_n3A_978, %lt3A_984 : i32
      %ne3A_986 = arith.xori %lt3A_983, %lt3A_985 : i1
      %and3A_987 = arith.andi %ne3A_986, %ne3A_981 : i1
      %add3A_988 = arith.addi %rem3A_979, %select_n3A_978 : i32
      %select_n3A_989 = arith.select %and3A_987, %add3A_988, %rem3A_979 : i32
      %add3A_990 = arith.addi %mul3A_2, %select_n3A_973 : i32
      %mul3A_991 = arith.constant 40 : i32
      %mul3A_992 = arith.muli %select_n3A_989, %mul3A_991 : i32
      %dma_wait3A_993 = arith.constant 1 : i32
      %dma_wait3A_994 = arith.constant 1 : i32
      %dma_wait3A_995 = arith.constant 0 : i32
      %dma_wait3A_996 = arith.constant 0 : i32
      %dma_wait3A_997 = tpu.memref_slice %arg6[%dma_wait3A_993, %dma_wait3A_995, %dma_wait3A_996] : memref<8x40x128xf32, #tpu.memory_space<vmem>> -> memref<1x40x64xf32, #tpu.memory_space<vmem>>
      %dma_wait3A_998 = tpu.memref_squeeze %dma_wait3A_997 : memref<1x40x64xf32, #tpu.memory_space<vmem>> -> memref<40x64xf32, #tpu.memory_space<vmem>>
      %dma_wait3A_999 = arith.constant 0 : i32
      %dma_wait3A_1000 = tpu.memref_slice %arg4[%add3A_990, %mul3A_992, %dma_wait3A_999] : memref<4096x200x128xf32, #tpu.memory_space<hbm>> -> memref<1x40x64xf32, #tpu.memory_space<hbm>>
      %dma_wait3A_1001 = tpu.memref_squeeze %dma_wait3A_1000 : memref<1x40x64xf32, #tpu.memory_space<hbm>> -> memref<40x64xf32, #tpu.memory_space<hbm>>
      %dma_wait3A_1002 = tpu.memref_slice %arg8[%dma_wait3A_994] : memref<8x!tpu.dma_semaphore, #tpu.memory_space<semaphore_mem>> -> memref<1x!tpu.dma_semaphore, #tpu.memory_space<semaphore_mem>>
      %dma_wait3A_1003 = tpu.memref_squeeze %dma_wait3A_1002 : memref<1x!tpu.dma_semaphore, #tpu.memory_space<semaphore_mem>> -> memref<!tpu.dma_semaphore, #tpu.memory_space<semaphore_mem>>
      %dma_wait3A_1004 = arith.constant 0 : i32
      %dma_wait3A_1005 = tpu.memref_slice %arg4[%add3A_990, %mul3A_992, %dma_wait3A_1004] : memref<4096x200x128xf32, #tpu.memory_space<hbm>> -> memref<1x40x64xf32, #tpu.memory_space<hbm>>
      %dma_wait3A_1006 = tpu.memref_squeeze %dma_wait3A_1005 : memref<1x40x64xf32, #tpu.memory_space<hbm>> -> memref<40x64xf32, #tpu.memory_space<hbm>>
      %dma_wait3A_1007 = arith.constant 0 : i32
      %dma_wait3A_1008 = arith.constant 0 : i32
      %dma_wait3A_1009 = tpu.memref_slice %arg6[%dma_wait3A_993, %dma_wait3A_1007, %dma_wait3A_1008] : memref<8x40x128xf32, #tpu.memory_space<vmem>> -> memref<1x40x64xf32, #tpu.memory_space<vmem>>
      %dma_wait3A_1010 = tpu.memref_squeeze %dma_wait3A_1009 : memref<1x40x64xf32, #tpu.memory_space<vmem>> -> memref<40x64xf32, #tpu.memory_space<vmem>>
      tpu.wait_dma2 semaphore(%dma_wait3A_1003 : memref<!tpu.dma_semaphore, #tpu.memory_space<semaphore_mem>>) src(%dma_wait3A_1010 : memref<40x64xf32, #tpu.memory_space<vmem>>) dst(%dma_wait3A_1006 : memref<40x64xf32, #tpu.memory_space<hbm>>)
      %add3A_1011 = arith.constant 8 : i32
      %add3A_1012 = arith.addi %add3A_833, %add3A_1011 : i32
      %jit3A_1013 = arith.constant 5 : i32
      %div3A_1014 = arith.divsi %add3A_1012, %jit3A_1013 : i32
      %sign3A_1015 = arith.constant 0 : i32
      %sign3A_1016 = arith.cmpi sgt, %add3A_1012, %sign3A_1015 : i32
      %sign3A_1017 = arith.extui %sign3A_1016 : i1 to i32
      %sign3A_1018 = arith.constant 0 : i32
      %sign3A_1019 = arith.cmpi slt, %add3A_1012, %sign3A_1018 : i32
      %sign3A_1020 = arith.extui %sign3A_1019 : i1 to i32
      %sign3A_1021 = arith.subi %sign3A_1017, %sign3A_1020 : i32
      %sign3A_1022 = arith.constant 0 : i32
      %sign3A_1023 = arith.cmpi sgt, %jit3A_1013, %sign3A_1022 : i32
      %sign3A_1024 = arith.extui %sign3A_1023 : i1 to i32
      %sign3A_1025 = arith.constant 0 : i32
      %sign3A_1026 = arith.cmpi slt, %jit3A_1013, %sign3A_1025 : i32
      %sign3A_1027 = arith.extui %sign3A_1026 : i1 to i32
      %sign3A_1028 = arith.subi %sign3A_1024, %sign3A_1027 : i32
      %ne3A_1029 = arith.cmpi ne, %sign3A_1021, %sign3A_1028 : i32
      %rem3A_1030 = arith.remsi %add3A_1012, %jit3A_1013 : i32
      %ne3A_1031 = arith.constant 0 : i32
      %ne3A_1032 = arith.cmpi ne, %rem3A_1030, %ne3A_1031 : i32
      %and3A_1033 = arith.andi %ne3A_1029, %ne3A_1032 : i1
      %sub3A_1034 = arith.constant 1 : i32
      %sub3A_1035 = arith.subi %div3A_1014, %sub3A_1034 : i32
      %select_n3A_1036 = arith.select %and3A_1033, %sub3A_1035, %div3A_1014 : i32
      %jit3A_1037 = arith.constant 5 : i32
      %eq3A_1038 = arith.constant 0 : i32
      %eq3A_1039 = arith.cmpi eq, %jit3A_1037, %eq3A_1038 : i32
      %jit3A_1040 = arith.constant 1 : i32
      %select_n3A_1041 = arith.select %eq3A_1039, %jit3A_1040, %jit3A_1037 : i32
      %rem3A_1042 = arith.remsi %add3A_1012, %select_n3A_1041 : i32
      %ne3A_1043 = arith.constant 0 : i32
      %ne3A_1044 = arith.cmpi ne, %rem3A_1042, %ne3A_1043 : i32
      %lt3A_1045 = arith.constant 0 : i32
      %lt3A_1046 = arith.cmpi slt, %rem3A_1042, %lt3A_1045 : i32
      %lt3A_1047 = arith.constant 0 : i32
      %lt3A_1048 = arith.cmpi slt, %select_n3A_1041, %lt3A_1047 : i32
      %ne3A_1049 = arith.xori %lt3A_1046, %lt3A_1048 : i1
      %and3A_1050 = arith.andi %ne3A_1049, %ne3A_1044 : i1
      %add3A_1051 = arith.addi %rem3A_1042, %select_n3A_1041 : i32
      %select_n3A_1052 = arith.select %and3A_1050, %add3A_1051, %rem3A_1042 : i32
      %mul3A_1053 = arith.constant 40 : i32
      %mul3A_1054 = arith.muli %select_n3A_1052, %mul3A_1053 : i32
      %dma_start3A_1055 = arith.constant 1 : i32
      %dma_start3A_1056 = arith.constant 1 : i32
      %dma_start3A_1057 = arith.constant 0 : i32
      %dma_start3A_1058 = arith.constant 0 : i32
      %dma_start3A_1059 = tpu.memref_slice %arg6[%dma_start3A_1055, %dma_start3A_1057, %dma_start3A_1058] : memref<8x40x128xf32, #tpu.memory_space<vmem>> -> memref<1x40x128xf32, #tpu.memory_space<vmem>>
      %dma_start3A_1060 = tpu.memref_squeeze %dma_start3A_1059 : memref<1x40x128xf32, #tpu.memory_space<vmem>> -> memref<40x128xf32, #tpu.memory_space<vmem>>
      %dma_start3A_1061 = tpu.memref_slice %arg5[%select_n3A_1036, %mul3A_1054] : memref<128x200xi32, #tpu.memory_space<vmem>> -> memref<1x40xi32, #tpu.memory_space<vmem>>
      %dma_start3A_1062 = tpu.memref_squeeze %dma_start3A_1061 : memref<1x40xi32, #tpu.memory_space<vmem>> -> memref<40xi32, #tpu.memory_space<vmem>>
      %dma_start3A_1063 = arith.constant 0 : i32
      %dma_start3A_1064 = arith.constant 0 : i32
      %dma_start3A_1065 = tpu.memref_slice %arg3[%dma_start3A_1063, %dma_start3A_1064] : memref<1000000x128xf32, #tpu.memory_space<hbm>> -> memref<1000000x128xf32, #tpu.memory_space<hbm>>
      %dma_start3A_1066 = tpu.memref_slice %arg7[%dma_start3A_1056] : memref<8x!tpu.dma_semaphore, #tpu.memory_space<semaphore_mem>> -> memref<1x!tpu.dma_semaphore, #tpu.memory_space<semaphore_mem>>
      %dma_start3A_1067 = tpu.memref_squeeze %dma_start3A_1066 : memref<1x!tpu.dma_semaphore, #tpu.memory_space<semaphore_mem>> -> memref<!tpu.dma_semaphore, #tpu.memory_space<semaphore_mem>>
      tpu.enqueue_indirect_dma source(%dma_start3A_1065 : memref<1000000x128xf32, #tpu.memory_space<hbm>>) target(%dma_start3A_1060 : memref<40x128xf32, #tpu.memory_space<vmem>>) offsets(%dma_start3A_1062 : memref<40xi32, #tpu.memory_space<vmem>>) semaphore(%dma_start3A_1067 : memref<!tpu.dma_semaphore, #tpu.memory_space<semaphore_mem>>)
      %mul3A_1068 = arith.constant 8 : i32
      %mul3A_1069 = arith.muli %add3A_601, %mul3A_1068 : i32
      %add3A_1070 = arith.constant 2 : i32
      %add3A_1071 = arith.addi %mul3A_1069, %add3A_1070 : i32
      %jit3A_1072 = arith.constant 5 : i32
      %div3A_1073 = arith.divsi %add3A_1071, %jit3A_1072 : i32
      %sign3A_1074 = arith.constant 0 : i32
      %sign3A_1075 = arith.cmpi sgt, %add3A_1071, %sign3A_1074 : i32
      %sign3A_1076 = arith.extui %sign3A_1075 : i1 to i32
      %sign3A_1077 = arith.constant 0 : i32
      %sign3A_1078 = arith.cmpi slt, %add3A_1071, %sign3A_1077 : i32
      %sign3A_1079 = arith.extui %sign3A_1078 : i1 to i32
      %sign3A_1080 = arith.subi %sign3A_1076, %sign3A_1079 : i32
      %sign3A_1081 = arith.constant 0 : i32
      %sign3A_1082 = arith.cmpi sgt, %jit3A_1072, %sign3A_1081 : i32
      %sign3A_1083 = arith.extui %sign3A_1082 : i1 to i32
      %sign3A_1084 = arith.constant 0 : i32
      %sign3A_1085 = arith.cmpi slt, %jit3A_1072, %sign3A_1084 : i32
      %sign3A_1086 = arith.extui %sign3A_1085 : i1 to i32
      %sign3A_1087 = arith.subi %sign3A_1083, %sign3A_1086 : i32
      %ne3A_1088 = arith.cmpi ne, %sign3A_1080, %sign3A_1087 : i32
      %rem3A_1089 = arith.remsi %add3A_1071, %jit3A_1072 : i32
      %ne3A_1090 = arith.constant 0 : i32
      %ne3A_1091 = arith.cmpi ne, %rem3A_1089, %ne3A_1090 : i32
      %and3A_1092 = arith.andi %ne3A_1088, %ne3A_1091 : i1
      %sub3A_1093 = arith.constant 1 : i32
      %sub3A_1094 = arith.subi %div3A_1073, %sub3A_1093 : i32
      %select_n3A_1095 = arith.select %and3A_1092, %sub3A_1094, %div3A_1073 : i32
      %jit3A_1096 = arith.constant 5 : i32
      %eq3A_1097 = arith.constant 0 : i32
      %eq3A_1098 = arith.cmpi eq, %jit3A_1096, %eq3A_1097 : i32
      %jit3A_1099 = arith.constant 1 : i32
      %select_n3A_1100 = arith.select %eq3A_1098, %jit3A_1099, %jit3A_1096 : i32
      %rem3A_1101 = arith.remsi %add3A_1071, %select_n3A_1100 : i32
      %ne3A_1102 = arith.constant 0 : i32
      %ne3A_1103 = arith.cmpi ne, %rem3A_1101, %ne3A_1102 : i32
      %lt3A_1104 = arith.constant 0 : i32
      %lt3A_1105 = arith.cmpi slt, %rem3A_1101, %lt3A_1104 : i32
      %lt3A_1106 = arith.constant 0 : i32
      %lt3A_1107 = arith.cmpi slt, %select_n3A_1100, %lt3A_1106 : i32
      %ne3A_1108 = arith.xori %lt3A_1105, %lt3A_1107 : i1
      %and3A_1109 = arith.andi %ne3A_1108, %ne3A_1103 : i1
      %add3A_1110 = arith.addi %rem3A_1101, %select_n3A_1100 : i32
      %select_n3A_1111 = arith.select %and3A_1109, %add3A_1110, %rem3A_1101 : i32
      %mul3A_1112 = arith.constant 40 : i32
      %mul3A_1113 = arith.muli %select_n3A_1111, %mul3A_1112 : i32
      %dma_wait3A_1114 = arith.constant 2 : i32
      %dma_wait3A_1115 = arith.constant 2 : i32
      %dma_wait3A_1116 = arith.constant 0 : i32
      %dma_wait3A_1117 = arith.constant 0 : i32
      %dma_wait3A_1118 = tpu.memref_slice %arg6[%dma_wait3A_1114, %dma_wait3A_1116, %dma_wait3A_1117] : memref<8x40x128xf32, #tpu.memory_space<vmem>> -> memref<1x40x128xf32, #tpu.memory_space<vmem>>
      %dma_wait3A_1119 = tpu.memref_squeeze %dma_wait3A_1118 : memref<1x40x128xf32, #tpu.memory_space<vmem>> -> memref<40x128xf32, #tpu.memory_space<vmem>>
      %dma_wait3A_1120 = tpu.memref_slice %arg5[%select_n3A_1095, %mul3A_1113] : memref<128x200xi32, #tpu.memory_space<vmem>> -> memref<1x40xi32, #tpu.memory_space<vmem>>
      %dma_wait3A_1121 = tpu.memref_squeeze %dma_wait3A_1120 : memref<1x40xi32, #tpu.memory_space<vmem>> -> memref<40xi32, #tpu.memory_space<vmem>>
      %dma_wait3A_1122 = arith.constant 0 : i32
      %dma_wait3A_1123 = arith.constant 0 : i32
      %dma_wait3A_1124 = tpu.memref_slice %arg3[%dma_wait3A_1122, %dma_wait3A_1123] : memref<1000000x128xf32, #tpu.memory_space<hbm>> -> memref<1000000x128xf32, #tpu.memory_space<hbm>>
      %dma_wait3A_1125 = tpu.memref_slice %arg7[%dma_wait3A_1115] : memref<8x!tpu.dma_semaphore, #tpu.memory_space<semaphore_mem>> -> memref<1x!tpu.dma_semaphore, #tpu.memory_space<semaphore_mem>>
      %dma_wait3A_1126 = tpu.memref_squeeze %dma_wait3A_1125 : memref<1x!tpu.dma_semaphore, #tpu.memory_space<semaphore_mem>> -> memref<!tpu.dma_semaphore, #tpu.memory_space<semaphore_mem>>
      tpu.wait_indirect_dma semaphore(%dma_wait3A_1126 : memref<!tpu.dma_semaphore, #tpu.memory_space<semaphore_mem>>) src(%dma_wait3A_1124 : memref<1000000x128xf32, #tpu.memory_space<hbm>>) dst(%dma_wait3A_1119 : memref<40x128xf32, #tpu.memory_space<vmem>>)
      %jit3A_1127 = arith.constant 5 : i32
      %div3A_1128 = arith.divsi %add3A_1071, %jit3A_1127 : i32
      %sign3A_1129 = arith.constant 0 : i32
      %sign3A_1130 = arith.cmpi sgt, %add3A_1071, %sign3A_1129 : i32
      %sign3A_1131 = arith.extui %sign3A_1130 : i1 to i32
      %sign3A_1132 = arith.constant 0 : i32
      %sign3A_1133 = arith.cmpi slt, %add3A_1071, %sign3A_1132 : i32
      %sign3A_1134 = arith.extui %sign3A_1133 : i1 to i32
      %sign3A_1135 = arith.subi %sign3A_1131, %sign3A_1134 : i32
      %sign3A_1136 = arith.constant 0 : i32
      %sign3A_1137 = arith.cmpi sgt, %jit3A_1127, %sign3A_1136 : i32
      %sign3A_1138 = arith.extui %sign3A_1137 : i1 to i32
      %sign3A_1139 = arith.constant 0 : i32
      %sign3A_1140 = arith.cmpi slt, %jit3A_1127, %sign3A_1139 : i32
      %sign3A_1141 = arith.extui %sign3A_1140 : i1 to i32
      %sign3A_1142 = arith.subi %sign3A_1138, %sign3A_1141 : i32
      %ne3A_1143 = arith.cmpi ne, %sign3A_1135, %sign3A_1142 : i32
      %rem3A_1144 = arith.remsi %add3A_1071, %jit3A_1127 : i32
      %ne3A_1145 = arith.constant 0 : i32
      %ne3A_1146 = arith.cmpi ne, %rem3A_1144, %ne3A_1145 : i32
      %and3A_1147 = arith.andi %ne3A_1143, %ne3A_1146 : i1
      %sub3A_1148 = arith.constant 1 : i32
      %sub3A_1149 = arith.subi %div3A_1128, %sub3A_1148 : i32
      %select_n3A_1150 = arith.select %and3A_1147, %sub3A_1149, %div3A_1128 : i32
      %jit3A_1151 = arith.constant 5 : i32
      %eq3A_1152 = arith.constant 0 : i32
      %eq3A_1153 = arith.cmpi eq, %jit3A_1151, %eq3A_1152 : i32
      %jit3A_1154 = arith.constant 1 : i32
      %select_n3A_1155 = arith.select %eq3A_1153, %jit3A_1154, %jit3A_1151 : i32
      %rem3A_1156 = arith.remsi %add3A_1071, %select_n3A_1155 : i32
      %ne3A_1157 = arith.constant 0 : i32
      %ne3A_1158 = arith.cmpi ne, %rem3A_1156, %ne3A_1157 : i32
      %lt3A_1159 = arith.constant 0 : i32
      %lt3A_1160 = arith.cmpi slt, %rem3A_1156, %lt3A_1159 : i32
      %lt3A_1161 = arith.constant 0 : i32
      %lt3A_1162 = arith.cmpi slt, %select_n3A_1155, %lt3A_1161 : i32
      %ne3A_1163 = arith.xori %lt3A_1160, %lt3A_1162 : i1
      %and3A_1164 = arith.andi %ne3A_1163, %ne3A_1158 : i1
      %add3A_1165 = arith.addi %rem3A_1156, %select_n3A_1155 : i32
      %select_n3A_1166 = arith.select %and3A_1164, %add3A_1165, %rem3A_1156 : i32
      %add3A_1167 = arith.addi %mul3A_2, %select_n3A_1150 : i32
      %mul3A_1168 = arith.constant 40 : i32
      %mul3A_1169 = arith.muli %select_n3A_1166, %mul3A_1168 : i32
      %dma_start3A_1170 = arith.constant 2 : i32
      %dma_start3A_1171 = arith.constant 2 : i32
      %dma_start3A_1172 = arith.constant 0 : i32
      %dma_start3A_1173 = arith.constant 0 : i32
      %dma_start3A_1174 = tpu.memref_slice %arg6[%dma_start3A_1170, %dma_start3A_1172, %dma_start3A_1173] : memref<8x40x128xf32, #tpu.memory_space<vmem>> -> memref<1x40x64xf32, #tpu.memory_space<vmem>>
      %dma_start3A_1175 = tpu.memref_squeeze %dma_start3A_1174 : memref<1x40x64xf32, #tpu.memory_space<vmem>> -> memref<40x64xf32, #tpu.memory_space<vmem>>
      %dma_start3A_1176 = arith.constant 0 : i32
      %dma_start3A_1177 = tpu.memref_slice %arg4[%add3A_1167, %mul3A_1169, %dma_start3A_1176] : memref<4096x200x128xf32, #tpu.memory_space<hbm>> -> memref<1x40x64xf32, #tpu.memory_space<hbm>>
      %dma_start3A_1178 = tpu.memref_squeeze %dma_start3A_1177 : memref<1x40x64xf32, #tpu.memory_space<hbm>> -> memref<40x64xf32, #tpu.memory_space<hbm>>
      %dma_start3A_1179 = tpu.memref_slice %arg8[%dma_start3A_1171] : memref<8x!tpu.dma_semaphore, #tpu.memory_space<semaphore_mem>> -> memref<1x!tpu.dma_semaphore, #tpu.memory_space<semaphore_mem>>
      %dma_start3A_1180 = tpu.memref_squeeze %dma_start3A_1179 : memref<1x!tpu.dma_semaphore, #tpu.memory_space<semaphore_mem>> -> memref<!tpu.dma_semaphore, #tpu.memory_space<semaphore_mem>>
      %dma_start3A_1181 = arith.constant 0 : i32
      %dma_start3A_1182 = tpu.memref_slice %arg4[%add3A_1167, %mul3A_1169, %dma_start3A_1181] : memref<4096x200x128xf32, #tpu.memory_space<hbm>> -> memref<1x40x64xf32, #tpu.memory_space<hbm>>
      %dma_start3A_1183 = tpu.memref_squeeze %dma_start3A_1182 : memref<1x40x64xf32, #tpu.memory_space<hbm>> -> memref<40x64xf32, #tpu.memory_space<hbm>>
      %dma_start3A_1184 = arith.constant 0 : i32
      %dma_start3A_1185 = arith.constant 0 : i32
      %dma_start3A_1186 = tpu.memref_slice %arg6[%dma_start3A_1170, %dma_start3A_1184, %dma_start3A_1185] : memref<8x40x128xf32, #tpu.memory_space<vmem>> -> memref<1x40x64xf32, #tpu.memory_space<vmem>>
      %dma_start3A_1187 = tpu.memref_squeeze %dma_start3A_1186 : memref<1x40x64xf32, #tpu.memory_space<vmem>> -> memref<40x64xf32, #tpu.memory_space<vmem>>
      tpu.enqueue_dma source(%dma_start3A_1187 : memref<40x64xf32, #tpu.memory_space<vmem>>) target(%dma_start3A_1183 : memref<40x64xf32, #tpu.memory_space<hbm>>) target_semaphore(%dma_start3A_1180 : memref<!tpu.dma_semaphore, #tpu.memory_space<semaphore_mem>>)
      %jit3A_1188 = arith.constant 5 : i32
      %div3A_1189 = arith.divsi %add3A_1071, %jit3A_1188 : i32
      %sign3A_1190 = arith.constant 0 : i32
      %sign3A_1191 = arith.cmpi sgt, %add3A_1071, %sign3A_1190 : i32
      %sign3A_1192 = arith.extui %sign3A_1191 : i1 to i32
      %sign3A_1193 = arith.constant 0 : i32
      %sign3A_1194 = arith.cmpi slt, %add3A_1071, %sign3A_1193 : i32
      %sign3A_1195 = arith.extui %sign3A_1194 : i1 to i32
      %sign3A_1196 = arith.subi %sign3A_1192, %sign3A_1195 : i32
      %sign3A_1197 = arith.constant 0 : i32
      %sign3A_1198 = arith.cmpi sgt, %jit3A_1188, %sign3A_1197 : i32
      %sign3A_1199 = arith.extui %sign3A_1198 : i1 to i32
      %sign3A_1200 = arith.constant 0 : i32
      %sign3A_1201 = arith.cmpi slt, %jit3A_1188, %sign3A_1200 : i32
      %sign3A_1202 = arith.extui %sign3A_1201 : i1 to i32
      %sign3A_1203 = arith.subi %sign3A_1199, %sign3A_1202 : i32
      %ne3A_1204 = arith.cmpi ne, %sign3A_1196, %sign3A_1203 : i32
      %rem3A_1205 = arith.remsi %add3A_1071, %jit3A_1188 : i32
      %ne3A_1206 = arith.constant 0 : i32
      %ne3A_1207 = arith.cmpi ne, %rem3A_1205, %ne3A_1206 : i32
      %and3A_1208 = arith.andi %ne3A_1204, %ne3A_1207 : i1
      %sub3A_1209 = arith.constant 1 : i32
      %sub3A_1210 = arith.subi %div3A_1189, %sub3A_1209 : i32
      %select_n3A_1211 = arith.select %and3A_1208, %sub3A_1210, %div3A_1189 : i32
      %jit3A_1212 = arith.constant 5 : i32
      %eq3A_1213 = arith.constant 0 : i32
      %eq3A_1214 = arith.cmpi eq, %jit3A_1212, %eq3A_1213 : i32
      %jit3A_1215 = arith.constant 1 : i32
      %select_n3A_1216 = arith.select %eq3A_1214, %jit3A_1215, %jit3A_1212 : i32
      %rem3A_1217 = arith.remsi %add3A_1071, %select_n3A_1216 : i32
      %ne3A_1218 = arith.constant 0 : i32
      %ne3A_1219 = arith.cmpi ne, %rem3A_1217, %ne3A_1218 : i32
      %lt3A_1220 = arith.constant 0 : i32
      %lt3A_1221 = arith.cmpi slt, %rem3A_1217, %lt3A_1220 : i32
      %lt3A_1222 = arith.constant 0 : i32
      %lt3A_1223 = arith.cmpi slt, %select_n3A_1216, %lt3A_1222 : i32
      %ne3A_1224 = arith.xori %lt3A_1221, %lt3A_1223 : i1
      %and3A_1225 = arith.andi %ne3A_1224, %ne3A_1219 : i1
      %add3A_1226 = arith.addi %rem3A_1217, %select_n3A_1216 : i32
      %select_n3A_1227 = arith.select %and3A_1225, %add3A_1226, %rem3A_1217 : i32
      %add3A_1228 = arith.addi %mul3A_2, %select_n3A_1211 : i32
      %mul3A_1229 = arith.constant 40 : i32
      %mul3A_1230 = arith.muli %select_n3A_1227, %mul3A_1229 : i32
      %dma_wait3A_1231 = arith.constant 2 : i32
      %dma_wait3A_1232 = arith.constant 2 : i32
      %dma_wait3A_1233 = arith.constant 0 : i32
      %dma_wait3A_1234 = arith.constant 0 : i32
      %dma_wait3A_1235 = tpu.memref_slice %arg6[%dma_wait3A_1231, %dma_wait3A_1233, %dma_wait3A_1234] : memref<8x40x128xf32, #tpu.memory_space<vmem>> -> memref<1x40x64xf32, #tpu.memory_space<vmem>>
      %dma_wait3A_1236 = tpu.memref_squeeze %dma_wait3A_1235 : memref<1x40x64xf32, #tpu.memory_space<vmem>> -> memref<40x64xf32, #tpu.memory_space<vmem>>
      %dma_wait3A_1237 = arith.constant 0 : i32
      %dma_wait3A_1238 = tpu.memref_slice %arg4[%add3A_1228, %mul3A_1230, %dma_wait3A_1237] : memref<4096x200x128xf32, #tpu.memory_space<hbm>> -> memref<1x40x64xf32, #tpu.memory_space<hbm>>
      %dma_wait3A_1239 = tpu.memref_squeeze %dma_wait3A_1238 : memref<1x40x64xf32, #tpu.memory_space<hbm>> -> memref<40x64xf32, #tpu.memory_space<hbm>>
      %dma_wait3A_1240 = tpu.memref_slice %arg8[%dma_wait3A_1232] : memref<8x!tpu.dma_semaphore, #tpu.memory_space<semaphore_mem>> -> memref<1x!tpu.dma_semaphore, #tpu.memory_space<semaphore_mem>>
      %dma_wait3A_1241 = tpu.memref_squeeze %dma_wait3A_1240 : memref<1x!tpu.dma_semaphore, #tpu.memory_space<semaphore_mem>> -> memref<!tpu.dma_semaphore, #tpu.memory_space<semaphore_mem>>
      %dma_wait3A_1242 = arith.constant 0 : i32
      %dma_wait3A_1243 = tpu.memref_slice %arg4[%add3A_1228, %mul3A_1230, %dma_wait3A_1242] : memref<4096x200x128xf32, #tpu.memory_space<hbm>> -> memref<1x40x64xf32, #tpu.memory_space<hbm>>
      %dma_wait3A_1244 = tpu.memref_squeeze %dma_wait3A_1243 : memref<1x40x64xf32, #tpu.memory_space<hbm>> -> memref<40x64xf32, #tpu.memory_space<hbm>>
      %dma_wait3A_1245 = arith.constant 0 : i32
      %dma_wait3A_1246 = arith.constant 0 : i32
      %dma_wait3A_1247 = tpu.memref_slice %arg6[%dma_wait3A_1231, %dma_wait3A_1245, %dma_wait3A_1246] : memref<8x40x128xf32, #tpu.memory_space<vmem>> -> memref<1x40x64xf32, #tpu.memory_space<vmem>>
      %dma_wait3A_1248 = tpu.memref_squeeze %dma_wait3A_1247 : memref<1x40x64xf32, #tpu.memory_space<vmem>> -> memref<40x64xf32, #tpu.memory_space<vmem>>
      tpu.wait_dma2 semaphore(%dma_wait3A_1241 : memref<!tpu.dma_semaphore, #tpu.memory_space<semaphore_mem>>) src(%dma_wait3A_1248 : memref<40x64xf32, #tpu.memory_space<vmem>>) dst(%dma_wait3A_1244 : memref<40x64xf32, #tpu.memory_space<hbm>>)
      %add3A_1249 = arith.constant 8 : i32
      %add3A_1250 = arith.addi %add3A_1071, %add3A_1249 : i32
      %jit3A_1251 = arith.constant 5 : i32
      %div3A_1252 = arith.divsi %add3A_1250, %jit3A_1251 : i32
      %sign3A_1253 = arith.constant 0 : i32
      %sign3A_1254 = arith.cmpi sgt, %add3A_1250, %sign3A_1253 : i32
      %sign3A_1255 = arith.extui %sign3A_1254 : i1 to i32
      %sign3A_1256 = arith.constant 0 : i32
      %sign3A_1257 = arith.cmpi slt, %add3A_1250, %sign3A_1256 : i32
      %sign3A_1258 = arith.extui %sign3A_1257 : i1 to i32
      %sign3A_1259 = arith.subi %sign3A_1255, %sign3A_1258 : i32
      %sign3A_1260 = arith.constant 0 : i32
      %sign3A_1261 = arith.cmpi sgt, %jit3A_1251, %sign3A_1260 : i32
      %sign3A_1262 = arith.extui %sign3A_1261 : i1 to i32
      %sign3A_1263 = arith.constant 0 : i32
      %sign3A_1264 = arith.cmpi slt, %jit3A_1251, %sign3A_1263 : i32
      %sign3A_1265 = arith.extui %sign3A_1264 : i1 to i32
      %sign3A_1266 = arith.subi %sign3A_1262, %sign3A_1265 : i32
      %ne3A_1267 = arith.cmpi ne, %sign3A_1259, %sign3A_1266 : i32
      %rem3A_1268 = arith.remsi %add3A_1250, %jit3A_1251 : i32
      %ne3A_1269 = arith.constant 0 : i32
      %ne3A_1270 = arith.cmpi ne, %rem3A_1268, %ne3A_1269 : i32
      %and3A_1271 = arith.andi %ne3A_1267, %ne3A_1270 : i1
      %sub3A_1272 = arith.constant 1 : i32
      %sub3A_1273 = arith.subi %div3A_1252, %sub3A_1272 : i32
      %select_n3A_1274 = arith.select %and3A_1271, %sub3A_1273, %div3A_1252 : i32
      %jit3A_1275 = arith.constant 5 : i32
      %eq3A_1276 = arith.constant 0 : i32
      %eq3A_1277 = arith.cmpi eq, %jit3A_1275, %eq3A_1276 : i32
      %jit3A_1278 = arith.constant 1 : i32
      %select_n3A_1279 = arith.select %eq3A_1277, %jit3A_1278, %jit3A_1275 : i32
      %rem3A_1280 = arith.remsi %add3A_1250, %select_n3A_1279 : i32
      %ne3A_1281 = arith.constant 0 : i32
      %ne3A_1282 = arith.cmpi ne, %rem3A_1280, %ne3A_1281 : i32
      %lt3A_1283 = arith.constant 0 : i32
      %lt3A_1284 = arith.cmpi slt, %rem3A_1280, %lt3A_1283 : i32
      %lt3A_1285 = arith.constant 0 : i32
      %lt3A_1286 = arith.cmpi slt, %select_n3A_1279, %lt3A_1285 : i32
      %ne3A_1287 = arith.xori %lt3A_1284, %lt3A_1286 : i1
      %and3A_1288 = arith.andi %ne3A_1287, %ne3A_1282 : i1
      %add3A_1289 = arith.addi %rem3A_1280, %select_n3A_1279 : i32
      %select_n3A_1290 = arith.select %and3A_1288, %add3A_1289, %rem3A_1280 : i32
      %mul3A_1291 = arith.constant 40 : i32
      %mul3A_1292 = arith.muli %select_n3A_1290, %mul3A_1291 : i32
      %dma_start3A_1293 = arith.constant 2 : i32
      %dma_start3A_1294 = arith.constant 2 : i32
      %dma_start3A_1295 = arith.constant 0 : i32
      %dma_start3A_1296 = arith.constant 0 : i32
      %dma_start3A_1297 = tpu.memref_slice %arg6[%dma_start3A_1293, %dma_start3A_1295, %dma_start3A_1296] : memref<8x40x128xf32, #tpu.memory_space<vmem>> -> memref<1x40x128xf32, #tpu.memory_space<vmem>>
      %dma_start3A_1298 = tpu.memref_squeeze %dma_start3A_1297 : memref<1x40x128xf32, #tpu.memory_space<vmem>> -> memref<40x128xf32, #tpu.memory_space<vmem>>
      %dma_start3A_1299 = tpu.memref_slice %arg5[%select_n3A_1274, %mul3A_1292] : memref<128x200xi32, #tpu.memory_space<vmem>> -> memref<1x40xi32, #tpu.memory_space<vmem>>
      %dma_start3A_1300 = tpu.memref_squeeze %dma_start3A_1299 : memref<1x40xi32, #tpu.memory_space<vmem>> -> memref<40xi32, #tpu.memory_space<vmem>>
      %dma_start3A_1301 = arith.constant 0 : i32
      %dma_start3A_1302 = arith.constant 0 : i32
      %dma_start3A_1303 = tpu.memref_slice %arg3[%dma_start3A_1301, %dma_start3A_1302] : memref<1000000x128xf32, #tpu.memory_space<hbm>> -> memref<1000000x128xf32, #tpu.memory_space<hbm>>
      %dma_start3A_1304 = tpu.memref_slice %arg7[%dma_start3A_1294] : memref<8x!tpu.dma_semaphore, #tpu.memory_space<semaphore_mem>> -> memref<1x!tpu.dma_semaphore, #tpu.memory_space<semaphore_mem>>
      %dma_start3A_1305 = tpu.memref_squeeze %dma_start3A_1304 : memref<1x!tpu.dma_semaphore, #tpu.memory_space<semaphore_mem>> -> memref<!tpu.dma_semaphore, #tpu.memory_space<semaphore_mem>>
      tpu.enqueue_indirect_dma source(%dma_start3A_1303 : memref<1000000x128xf32, #tpu.memory_space<hbm>>) target(%dma_start3A_1298 : memref<40x128xf32, #tpu.memory_space<vmem>>) offsets(%dma_start3A_1300 : memref<40xi32, #tpu.memory_space<vmem>>) semaphore(%dma_start3A_1305 : memref<!tpu.dma_semaphore, #tpu.memory_space<semaphore_mem>>)
      %mul3A_1306 = arith.constant 8 : i32
      %mul3A_1307 = arith.muli %add3A_601, %mul3A_1306 : i32
      %add3A_1308 = arith.constant 3 : i32
      %add3A_1309 = arith.addi %mul3A_1307, %add3A_1308 : i32
      %jit3A_1310 = arith.constant 5 : i32
      %div3A_1311 = arith.divsi %add3A_1309, %jit3A_1310 : i32
      %sign3A_1312 = arith.constant 0 : i32
      %sign3A_1313 = arith.cmpi sgt, %add3A_1309, %sign3A_1312 : i32
      %sign3A_1314 = arith.extui %sign3A_1313 : i1 to i32
      %sign3A_1315 = arith.constant 0 : i32
      %sign3A_1316 = arith.cmpi slt, %add3A_1309, %sign3A_1315 : i32
      %sign3A_1317 = arith.extui %sign3A_1316 : i1 to i32
      %sign3A_1318 = arith.subi %sign3A_1314, %sign3A_1317 : i32
      %sign3A_1319 = arith.constant 0 : i32
      %sign3A_1320 = arith.cmpi sgt, %jit3A_1310, %sign3A_1319 : i32
      %sign3A_1321 = arith.extui %sign3A_1320 : i1 to i32
      %sign3A_1322 = arith.constant 0 : i32
      %sign3A_1323 = arith.cmpi slt, %jit3A_1310, %sign3A_1322 : i32
      %sign3A_1324 = arith.extui %sign3A_1323 : i1 to i32
      %sign3A_1325 = arith.subi %sign3A_1321, %sign3A_1324 : i32
      %ne3A_1326 = arith.cmpi ne, %sign3A_1318, %sign3A_1325 : i32
      %rem3A_1327 = arith.remsi %add3A_1309, %jit3A_1310 : i32
      %ne3A_1328 = arith.constant 0 : i32
      %ne3A_1329 = arith.cmpi ne, %rem3A_1327, %ne3A_1328 : i32
      %and3A_1330 = arith.andi %ne3A_1326, %ne3A_1329 : i1
      %sub3A_1331 = arith.constant 1 : i32
      %sub3A_1332 = arith.subi %div3A_1311, %sub3A_1331 : i32
      %select_n3A_1333 = arith.select %and3A_1330, %sub3A_1332, %div3A_1311 : i32
      %jit3A_1334 = arith.constant 5 : i32
      %eq3A_1335 = arith.constant 0 : i32
      %eq3A_1336 = arith.cmpi eq, %jit3A_1334, %eq3A_1335 : i32
      %jit3A_1337 = arith.constant 1 : i32
      %select_n3A_1338 = arith.select %eq3A_1336, %jit3A_1337, %jit3A_1334 : i32
      %rem3A_1339 = arith.remsi %add3A_1309, %select_n3A_1338 : i32
      %ne3A_1340 = arith.constant 0 : i32
      %ne3A_1341 = arith.cmpi ne, %rem3A_1339, %ne3A_1340 : i32
      %lt3A_1342 = arith.constant 0 : i32
      %lt3A_1343 = arith.cmpi slt, %rem3A_1339, %lt3A_1342 : i32
      %lt3A_1344 = arith.constant 0 : i32
      %lt3A_1345 = arith.cmpi slt, %select_n3A_1338, %lt3A_1344 : i32
      %ne3A_1346 = arith.xori %lt3A_1343, %lt3A_1345 : i1
      %and3A_1347 = arith.andi %ne3A_1346, %ne3A_1341 : i1
      %add3A_1348 = arith.addi %rem3A_1339, %select_n3A_1338 : i32
      %select_n3A_1349 = arith.select %and3A_1347, %add3A_1348, %rem3A_1339 : i32
      %mul3A_1350 = arith.constant 40 : i32
      %mul3A_1351 = arith.muli %select_n3A_1349, %mul3A_1350 : i32
      %dma_wait3A_1352 = arith.constant 3 : i32
      %dma_wait3A_1353 = arith.constant 3 : i32
      %dma_wait3A_1354 = arith.constant 0 : i32
      %dma_wait3A_1355 = arith.constant 0 : i32
      %dma_wait3A_1356 = tpu.memref_slice %arg6[%dma_wait3A_1352, %dma_wait3A_1354, %dma_wait3A_1355] : memref<8x40x128xf32, #tpu.memory_space<vmem>> -> memref<1x40x128xf32, #tpu.memory_space<vmem>>
      %dma_wait3A_1357 = tpu.memref_squeeze %dma_wait3A_1356 : memref<1x40x128xf32, #tpu.memory_space<vmem>> -> memref<40x128xf32, #tpu.memory_space<vmem>>
      %dma_wait3A_1358 = tpu.memref_slice %arg5[%select_n3A_1333, %mul3A_1351] : memref<128x200xi32, #tpu.memory_space<vmem>> -> memref<1x40xi32, #tpu.memory_space<vmem>>
      %dma_wait3A_1359 = tpu.memref_squeeze %dma_wait3A_1358 : memref<1x40xi32, #tpu.memory_space<vmem>> -> memref<40xi32, #tpu.memory_space<vmem>>
      %dma_wait3A_1360 = arith.constant 0 : i32
      %dma_wait3A_1361 = arith.constant 0 : i32
      %dma_wait3A_1362 = tpu.memref_slice %arg3[%dma_wait3A_1360, %dma_wait3A_1361] : memref<1000000x128xf32, #tpu.memory_space<hbm>> -> memref<1000000x128xf32, #tpu.memory_space<hbm>>
      %dma_wait3A_1363 = tpu.memref_slice %arg7[%dma_wait3A_1353] : memref<8x!tpu.dma_semaphore, #tpu.memory_space<semaphore_mem>> -> memref<1x!tpu.dma_semaphore, #tpu.memory_space<semaphore_mem>>
      %dma_wait3A_1364 = tpu.memref_squeeze %dma_wait3A_1363 : memref<1x!tpu.dma_semaphore, #tpu.memory_space<semaphore_mem>> -> memref<!tpu.dma_semaphore, #tpu.memory_space<semaphore_mem>>
      tpu.wait_indirect_dma semaphore(%dma_wait3A_1364 : memref<!tpu.dma_semaphore, #tpu.memory_space<semaphore_mem>>) src(%dma_wait3A_1362 : memref<1000000x128xf32, #tpu.memory_space<hbm>>) dst(%dma_wait3A_1357 : memref<40x128xf32, #tpu.memory_space<vmem>>)
      %jit3A_1365 = arith.constant 5 : i32
      %div3A_1366 = arith.divsi %add3A_1309, %jit3A_1365 : i32
      %sign3A_1367 = arith.constant 0 : i32
      %sign3A_1368 = arith.cmpi sgt, %add3A_1309, %sign3A_1367 : i32
      %sign3A_1369 = arith.extui %sign3A_1368 : i1 to i32
      %sign3A_1370 = arith.constant 0 : i32
      %sign3A_1371 = arith.cmpi slt, %add3A_1309, %sign3A_1370 : i32
      %sign3A_1372 = arith.extui %sign3A_1371 : i1 to i32
      %sign3A_1373 = arith.subi %sign3A_1369, %sign3A_1372 : i32
      %sign3A_1374 = arith.constant 0 : i32
      %sign3A_1375 = arith.cmpi sgt, %jit3A_1365, %sign3A_1374 : i32
      %sign3A_1376 = arith.extui %sign3A_1375 : i1 to i32
      %sign3A_1377 = arith.constant 0 : i32
      %sign3A_1378 = arith.cmpi slt, %jit3A_1365, %sign3A_1377 : i32
      %sign3A_1379 = arith.extui %sign3A_1378 : i1 to i32
      %sign3A_1380 = arith.subi %sign3A_1376, %sign3A_1379 : i32
      %ne3A_1381 = arith.cmpi ne, %sign3A_1373, %sign3A_1380 : i32
      %rem3A_1382 = arith.remsi %add3A_1309, %jit3A_1365 : i32
      %ne3A_1383 = arith.constant 0 : i32
      %ne3A_1384 = arith.cmpi ne, %rem3A_1382, %ne3A_1383 : i32
      %and3A_1385 = arith.andi %ne3A_1381, %ne3A_1384 : i1
      %sub3A_1386 = arith.constant 1 : i32
      %sub3A_1387 = arith.subi %div3A_1366, %sub3A_1386 : i32
      %select_n3A_1388 = arith.select %and3A_1385, %sub3A_1387, %div3A_1366 : i32
      %jit3A_1389 = arith.constant 5 : i32
      %eq3A_1390 = arith.constant 0 : i32
      %eq3A_1391 = arith.cmpi eq, %jit3A_1389, %eq3A_1390 : i32
      %jit3A_1392 = arith.constant 1 : i32
      %select_n3A_1393 = arith.select %eq3A_1391, %jit3A_1392, %jit3A_1389 : i32
      %rem3A_1394 = arith.remsi %add3A_1309, %select_n3A_1393 : i32
      %ne3A_1395 = arith.constant 0 : i32
      %ne3A_1396 = arith.cmpi ne, %rem3A_1394, %ne3A_1395 : i32
      %lt3A_1397 = arith.constant 0 : i32
      %lt3A_1398 = arith.cmpi slt, %rem3A_1394, %lt3A_1397 : i32
      %lt3A_1399 = arith.constant 0 : i32
      %lt3A_1400 = arith.cmpi slt, %select_n3A_1393, %lt3A_1399 : i32
      %ne3A_1401 = arith.xori %lt3A_1398, %lt3A_1400 : i1
      %and3A_1402 = arith.andi %ne3A_1401, %ne3A_1396 : i1
      %add3A_1403 = arith.addi %rem3A_1394, %select_n3A_1393 : i32
      %select_n3A_1404 = arith.select %and3A_1402, %add3A_1403, %rem3A_1394 : i32
      %add3A_1405 = arith.addi %mul3A_2, %select_n3A_1388 : i32
      %mul3A_1406 = arith.constant 40 : i32
      %mul3A_1407 = arith.muli %select_n3A_1404, %mul3A_1406 : i32
      %dma_start3A_1408 = arith.constant 3 : i32
      %dma_start3A_1409 = arith.constant 3 : i32
      %dma_start3A_1410 = arith.constant 0 : i32
      %dma_start3A_1411 = arith.constant 0 : i32
      %dma_start3A_1412 = tpu.memref_slice %arg6[%dma_start3A_1408, %dma_start3A_1410, %dma_start3A_1411] : memref<8x40x128xf32, #tpu.memory_space<vmem>> -> memref<1x40x64xf32, #tpu.memory_space<vmem>>
      %dma_start3A_1413 = tpu.memref_squeeze %dma_start3A_1412 : memref<1x40x64xf32, #tpu.memory_space<vmem>> -> memref<40x64xf32, #tpu.memory_space<vmem>>
      %dma_start3A_1414 = arith.constant 0 : i32
      %dma_start3A_1415 = tpu.memref_slice %arg4[%add3A_1405, %mul3A_1407, %dma_start3A_1414] : memref<4096x200x128xf32, #tpu.memory_space<hbm>> -> memref<1x40x64xf32, #tpu.memory_space<hbm>>
      %dma_start3A_1416 = tpu.memref_squeeze %dma_start3A_1415 : memref<1x40x64xf32, #tpu.memory_space<hbm>> -> memref<40x64xf32, #tpu.memory_space<hbm>>
      %dma_start3A_1417 = tpu.memref_slice %arg8[%dma_start3A_1409] : memref<8x!tpu.dma_semaphore, #tpu.memory_space<semaphore_mem>> -> memref<1x!tpu.dma_semaphore, #tpu.memory_space<semaphore_mem>>
      %dma_start3A_1418 = tpu.memref_squeeze %dma_start3A_1417 : memref<1x!tpu.dma_semaphore, #tpu.memory_space<semaphore_mem>> -> memref<!tpu.dma_semaphore, #tpu.memory_space<semaphore_mem>>
      %dma_start3A_1419 = arith.constant 0 : i32
      %dma_start3A_1420 = tpu.memref_slice %arg4[%add3A_1405, %mul3A_1407, %dma_start3A_1419] : memref<4096x200x128xf32, #tpu.memory_space<hbm>> -> memref<1x40x64xf32, #tpu.memory_space<hbm>>
      %dma_start3A_1421 = tpu.memref_squeeze %dma_start3A_1420 : memref<1x40x64xf32, #tpu.memory_space<hbm>> -> memref<40x64xf32, #tpu.memory_space<hbm>>
      %dma_start3A_1422 = arith.constant 0 : i32
      %dma_start3A_1423 = arith.constant 0 : i32
      %dma_start3A_1424 = tpu.memref_slice %arg6[%dma_start3A_1408, %dma_start3A_1422, %dma_start3A_1423] : memref<8x40x128xf32, #tpu.memory_space<vmem>> -> memref<1x40x64xf32, #tpu.memory_space<vmem>>
      %dma_start3A_1425 = tpu.memref_squeeze %dma_start3A_1424 : memref<1x40x64xf32, #tpu.memory_space<vmem>> -> memref<40x64xf32, #tpu.memory_space<vmem>>
      tpu.enqueue_dma source(%dma_start3A_1425 : memref<40x64xf32, #tpu.memory_space<vmem>>) target(%dma_start3A_1421 : memref<40x64xf32, #tpu.memory_space<hbm>>) target_semaphore(%dma_start3A_1418 : memref<!tpu.dma_semaphore, #tpu.memory_space<semaphore_mem>>)
      %jit3A_1426 = arith.constant 5 : i32
      %div3A_1427 = arith.divsi %add3A_1309, %jit3A_1426 : i32
      %sign3A_1428 = arith.constant 0 : i32
      %sign3A_1429 = arith.cmpi sgt, %add3A_1309, %sign3A_1428 : i32
      %sign3A_1430 = arith.extui %sign3A_1429 : i1 to i32
      %sign3A_1431 = arith.constant 0 : i32
      %sign3A_1432 = arith.cmpi slt, %add3A_1309, %sign3A_1431 : i32
      %sign3A_1433 = arith.extui %sign3A_1432 : i1 to i32
      %sign3A_1434 = arith.subi %sign3A_1430, %sign3A_1433 : i32
      %sign3A_1435 = arith.constant 0 : i32
      %sign3A_1436 = arith.cmpi sgt, %jit3A_1426, %sign3A_1435 : i32
      %sign3A_1437 = arith.extui %sign3A_1436 : i1 to i32
      %sign3A_1438 = arith.constant 0 : i32
      %sign3A_1439 = arith.cmpi slt, %jit3A_1426, %sign3A_1438 : i32
      %sign3A_1440 = arith.extui %sign3A_1439 : i1 to i32
      %sign3A_1441 = arith.subi %sign3A_1437, %sign3A_1440 : i32
      %ne3A_1442 = arith.cmpi ne, %sign3A_1434, %sign3A_1441 : i32
      %rem3A_1443 = arith.remsi %add3A_1309, %jit3A_1426 : i32
      %ne3A_1444 = arith.constant 0 : i32
      %ne3A_1445 = arith.cmpi ne, %rem3A_1443, %ne3A_1444 : i32
      %and3A_1446 = arith.andi %ne3A_1442, %ne3A_1445 : i1
      %sub3A_1447 = arith.constant 1 : i32
      %sub3A_1448 = arith.subi %div3A_1427, %sub3A_1447 : i32
      %select_n3A_1449 = arith.select %and3A_1446, %sub3A_1448, %div3A_1427 : i32
      %jit3A_1450 = arith.constant 5 : i32
      %eq3A_1451 = arith.constant 0 : i32
      %eq3A_1452 = arith.cmpi eq, %jit3A_1450, %eq3A_1451 : i32
      %jit3A_1453 = arith.constant 1 : i32
      %select_n3A_1454 = arith.select %eq3A_1452, %jit3A_1453, %jit3A_1450 : i32
      %rem3A_1455 = arith.remsi %add3A_1309, %select_n3A_1454 : i32
      %ne3A_1456 = arith.constant 0 : i32
      %ne3A_1457 = arith.cmpi ne, %rem3A_1455, %ne3A_1456 : i32
      %lt3A_1458 = arith.constant 0 : i32
      %lt3A_1459 = arith.cmpi slt, %rem3A_1455, %lt3A_1458 : i32
      %lt3A_1460 = arith.constant 0 : i32
      %lt3A_1461 = arith.cmpi slt, %select_n3A_1454, %lt3A_1460 : i32
      %ne3A_1462 = arith.xori %lt3A_1459, %lt3A_1461 : i1
      %and3A_1463 = arith.andi %ne3A_1462, %ne3A_1457 : i1
      %add3A_1464 = arith.addi %rem3A_1455, %select_n3A_1454 : i32
      %select_n3A_1465 = arith.select %and3A_1463, %add3A_1464, %rem3A_1455 : i32
      %add3A_1466 = arith.addi %mul3A_2, %select_n3A_1449 : i32
      %mul3A_1467 = arith.constant 40 : i32
      %mul3A_1468 = arith.muli %select_n3A_1465, %mul3A_1467 : i32
      %dma_wait3A_1469 = arith.constant 3 : i32
      %dma_wait3A_1470 = arith.constant 3 : i32
      %dma_wait3A_1471 = arith.constant 0 : i32
      %dma_wait3A_1472 = arith.constant 0 : i32
      %dma_wait3A_1473 = tpu.memref_slice %arg6[%dma_wait3A_1469, %dma_wait3A_1471, %dma_wait3A_1472] : memref<8x40x128xf32, #tpu.memory_space<vmem>> -> memref<1x40x64xf32, #tpu.memory_space<vmem>>
      %dma_wait3A_1474 = tpu.memref_squeeze %dma_wait3A_1473 : memref<1x40x64xf32, #tpu.memory_space<vmem>> -> memref<40x64xf32, #tpu.memory_space<vmem>>
      %dma_wait3A_1475 = arith.constant 0 : i32
      %dma_wait3A_1476 = tpu.memref_slice %arg4[%add3A_1466, %mul3A_1468, %dma_wait3A_1475] : memref<4096x200x128xf32, #tpu.memory_space<hbm>> -> memref<1x40x64xf32, #tpu.memory_space<hbm>>
      %dma_wait3A_1477 = tpu.memref_squeeze %dma_wait3A_1476 : memref<1x40x64xf32, #tpu.memory_space<hbm>> -> memref<40x64xf32, #tpu.memory_space<hbm>>
      %dma_wait3A_1478 = tpu.memref_slice %arg8[%dma_wait3A_1470] : memref<8x!tpu.dma_semaphore, #tpu.memory_space<semaphore_mem>> -> memref<1x!tpu.dma_semaphore, #tpu.memory_space<semaphore_mem>>
      %dma_wait3A_1479 = tpu.memref_squeeze %dma_wait3A_1478 : memref<1x!tpu.dma_semaphore, #tpu.memory_space<semaphore_mem>> -> memref<!tpu.dma_semaphore, #tpu.memory_space<semaphore_mem>>
      %dma_wait3A_1480 = arith.constant 0 : i32
      %dma_wait3A_1481 = tpu.memref_slice %arg4[%add3A_1466, %mul3A_1468, %dma_wait3A_1480] : memref<4096x200x128xf32, #tpu.memory_space<hbm>> -> memref<1x40x64xf32, #tpu.memory_space<hbm>>
      %dma_wait3A_1482 = tpu.memref_squeeze %dma_wait3A_1481 : memref<1x40x64xf32, #tpu.memory_space<hbm>> -> memref<40x64xf32, #tpu.memory_space<hbm>>
      %dma_wait3A_1483 = arith.constant 0 : i32
      %dma_wait3A_1484 = arith.constant 0 : i32
      %dma_wait3A_1485 = tpu.memref_slice %arg6[%dma_wait3A_1469, %dma_wait3A_1483, %dma_wait3A_1484] : memref<8x40x128xf32, #tpu.memory_space<vmem>> -> memref<1x40x64xf32, #tpu.memory_space<vmem>>
      %dma_wait3A_1486 = tpu.memref_squeeze %dma_wait3A_1485 : memref<1x40x64xf32, #tpu.memory_space<vmem>> -> memref<40x64xf32, #tpu.memory_space<vmem>>
      tpu.wait_dma2 semaphore(%dma_wait3A_1479 : memref<!tpu.dma_semaphore, #tpu.memory_space<semaphore_mem>>) src(%dma_wait3A_1486 : memref<40x64xf32, #tpu.memory_space<vmem>>) dst(%dma_wait3A_1482 : memref<40x64xf32, #tpu.memory_space<hbm>>)
      %add3A_1487 = arith.constant 8 : i32
      %add3A_1488 = arith.addi %add3A_1309, %add3A_1487 : i32
      %jit3A_1489 = arith.constant 5 : i32
      %div3A_1490 = arith.divsi %add3A_1488, %jit3A_1489 : i32
      %sign3A_1491 = arith.constant 0 : i32
      %sign3A_1492 = arith.cmpi sgt, %add3A_1488, %sign3A_1491 : i32
      %sign3A_1493 = arith.extui %sign3A_1492 : i1 to i32
      %sign3A_1494 = arith.constant 0 : i32
      %sign3A_1495 = arith.cmpi slt, %add3A_1488, %sign3A_1494 : i32
      %sign3A_1496 = arith.extui %sign3A_1495 : i1 to i32
      %sign3A_1497 = arith.subi %sign3A_1493, %sign3A_1496 : i32
      %sign3A_1498 = arith.constant 0 : i32
      %sign3A_1499 = arith.cmpi sgt, %jit3A_1489, %sign3A_1498 : i32
      %sign3A_1500 = arith.extui %sign3A_1499 : i1 to i32
      %sign3A_1501 = arith.constant 0 : i32
      %sign3A_1502 = arith.cmpi slt, %jit3A_1489, %sign3A_1501 : i32
      %sign3A_1503 = arith.extui %sign3A_1502 : i1 to i32
      %sign3A_1504 = arith.subi %sign3A_1500, %sign3A_1503 : i32
      %ne3A_1505 = arith.cmpi ne, %sign3A_1497, %sign3A_1504 : i32
      %rem3A_1506 = arith.remsi %add3A_1488, %jit3A_1489 : i32
      %ne3A_1507 = arith.constant 0 : i32
      %ne3A_1508 = arith.cmpi ne, %rem3A_1506, %ne3A_1507 : i32
      %and3A_1509 = arith.andi %ne3A_1505, %ne3A_1508 : i1
      %sub3A_1510 = arith.constant 1 : i32
      %sub3A_1511 = arith.subi %div3A_1490, %sub3A_1510 : i32
      %select_n3A_1512 = arith.select %and3A_1509, %sub3A_1511, %div3A_1490 : i32
      %jit3A_1513 = arith.constant 5 : i32
      %eq3A_1514 = arith.constant 0 : i32
      %eq3A_1515 = arith.cmpi eq, %jit3A_1513, %eq3A_1514 : i32
      %jit3A_1516 = arith.constant 1 : i32
      %select_n3A_1517 = arith.select %eq3A_1515, %jit3A_1516, %jit3A_1513 : i32
      %rem3A_1518 = arith.remsi %add3A_1488, %select_n3A_1517 : i32
      %ne3A_1519 = arith.constant 0 : i32
      %ne3A_1520 = arith.cmpi ne, %rem3A_1518, %ne3A_1519 : i32
      %lt3A_1521 = arith.constant 0 : i32
      %lt3A_1522 = arith.cmpi slt, %rem3A_1518, %lt3A_1521 : i32
      %lt3A_1523 = arith.constant 0 : i32
      %lt3A_1524 = arith.cmpi slt, %select_n3A_1517, %lt3A_1523 : i32
      %ne3A_1525 = arith.xori %lt3A_1522, %lt3A_1524 : i1
      %and3A_1526 = arith.andi %ne3A_1525, %ne3A_1520 : i1
      %add3A_1527 = arith.addi %rem3A_1518, %select_n3A_1517 : i32
      %select_n3A_1528 = arith.select %and3A_1526, %add3A_1527, %rem3A_1518 : i32
      %mul3A_1529 = arith.constant 40 : i32
      %mul3A_1530 = arith.muli %select_n3A_1528, %mul3A_1529 : i32
      %dma_start3A_1531 = arith.constant 3 : i32
      %dma_start3A_1532 = arith.constant 3 : i32
      %dma_start3A_1533 = arith.constant 0 : i32
      %dma_start3A_1534 = arith.constant 0 : i32
      %dma_start3A_1535 = tpu.memref_slice %arg6[%dma_start3A_1531, %dma_start3A_1533, %dma_start3A_1534] : memref<8x40x128xf32, #tpu.memory_space<vmem>> -> memref<1x40x128xf32, #tpu.memory_space<vmem>>
      %dma_start3A_1536 = tpu.memref_squeeze %dma_start3A_1535 : memref<1x40x128xf32, #tpu.memory_space<vmem>> -> memref<40x128xf32, #tpu.memory_space<vmem>>
      %dma_start3A_1537 = tpu.memref_slice %arg5[%select_n3A_1512, %mul3A_1530] : memref<128x200xi32, #tpu.memory_space<vmem>> -> memref<1x40xi32, #tpu.memory_space<vmem>>
      %dma_start3A_1538 = tpu.memref_squeeze %dma_start3A_1537 : memref<1x40xi32, #tpu.memory_space<vmem>> -> memref<40xi32, #tpu.memory_space<vmem>>
      %dma_start3A_1539 = arith.constant 0 : i32
      %dma_start3A_1540 = arith.constant 0 : i32
      %dma_start3A_1541 = tpu.memref_slice %arg3[%dma_start3A_1539, %dma_start3A_1540] : memref<1000000x128xf32, #tpu.memory_space<hbm>> -> memref<1000000x128xf32, #tpu.memory_space<hbm>>
      %dma_start3A_1542 = tpu.memref_slice %arg7[%dma_start3A_1532] : memref<8x!tpu.dma_semaphore, #tpu.memory_space<semaphore_mem>> -> memref<1x!tpu.dma_semaphore, #tpu.memory_space<semaphore_mem>>
      %dma_start3A_1543 = tpu.memref_squeeze %dma_start3A_1542 : memref<1x!tpu.dma_semaphore, #tpu.memory_space<semaphore_mem>> -> memref<!tpu.dma_semaphore, #tpu.memory_space<semaphore_mem>>
      tpu.enqueue_indirect_dma source(%dma_start3A_1541 : memref<1000000x128xf32, #tpu.memory_space<hbm>>) target(%dma_start3A_1536 : memref<40x128xf32, #tpu.memory_space<vmem>>) offsets(%dma_start3A_1538 : memref<40xi32, #tpu.memory_space<vmem>>) semaphore(%dma_start3A_1543 : memref<!tpu.dma_semaphore, #tpu.memory_space<semaphore_mem>>)
      %mul3A_1544 = arith.constant 8 : i32
      %mul3A_1545 = arith.muli %add3A_601, %mul3A_1544 : i32
      %add3A_1546 = arith.constant 4 : i32
      %add3A_1547 = arith.addi %mul3A_1545, %add3A_1546 : i32
      %jit3A_1548 = arith.constant 5 : i32
      %div3A_1549 = arith.divsi %add3A_1547, %jit3A_1548 : i32
      %sign3A_1550 = arith.constant 0 : i32
      %sign3A_1551 = arith.cmpi sgt, %add3A_1547, %sign3A_1550 : i32
      %sign3A_1552 = arith.extui %sign3A_1551 : i1 to i32
      %sign3A_1553 = arith.constant 0 : i32
      %sign3A_1554 = arith.cmpi slt, %add3A_1547, %sign3A_1553 : i32
      %sign3A_1555 = arith.extui %sign3A_1554 : i1 to i32
      %sign3A_1556 = arith.subi %sign3A_1552, %sign3A_1555 : i32
      %sign3A_1557 = arith.constant 0 : i32
      %sign3A_1558 = arith.cmpi sgt, %jit3A_1548, %sign3A_1557 : i32
      %sign3A_1559 = arith.extui %sign3A_1558 : i1 to i32
      %sign3A_1560 = arith.constant 0 : i32
      %sign3A_1561 = arith.cmpi slt, %jit3A_1548, %sign3A_1560 : i32
      %sign3A_1562 = arith.extui %sign3A_1561 : i1 to i32
      %sign3A_1563 = arith.subi %sign3A_1559, %sign3A_1562 : i32
      %ne3A_1564 = arith.cmpi ne, %sign3A_1556, %sign3A_1563 : i32
      %rem3A_1565 = arith.remsi %add3A_1547, %jit3A_1548 : i32
      %ne3A_1566 = arith.constant 0 : i32
      %ne3A_1567 = arith.cmpi ne, %rem3A_1565, %ne3A_1566 : i32
      %and3A_1568 = arith.andi %ne3A_1564, %ne3A_1567 : i1
      %sub3A_1569 = arith.constant 1 : i32
      %sub3A_1570 = arith.subi %div3A_1549, %sub3A_1569 : i32
      %select_n3A_1571 = arith.select %and3A_1568, %sub3A_1570, %div3A_1549 : i32
      %jit3A_1572 = arith.constant 5 : i32
      %eq3A_1573 = arith.constant 0 : i32
      %eq3A_1574 = arith.cmpi eq, %jit3A_1572, %eq3A_1573 : i32
      %jit3A_1575 = arith.constant 1 : i32
      %select_n3A_1576 = arith.select %eq3A_1574, %jit3A_1575, %jit3A_1572 : i32
      %rem3A_1577 = arith.remsi %add3A_1547, %select_n3A_1576 : i32
      %ne3A_1578 = arith.constant 0 : i32
      %ne3A_1579 = arith.cmpi ne, %rem3A_1577, %ne3A_1578 : i32
      %lt3A_1580 = arith.constant 0 : i32
      %lt3A_1581 = arith.cmpi slt, %rem3A_1577, %lt3A_1580 : i32
      %lt3A_1582 = arith.constant 0 : i32
      %lt3A_1583 = arith.cmpi slt, %select_n3A_1576, %lt3A_1582 : i32
      %ne3A_1584 = arith.xori %lt3A_1581, %lt3A_1583 : i1
      %and3A_1585 = arith.andi %ne3A_1584, %ne3A_1579 : i1
      %add3A_1586 = arith.addi %rem3A_1577, %select_n3A_1576 : i32
      %select_n3A_1587 = arith.select %and3A_1585, %add3A_1586, %rem3A_1577 : i32
      %mul3A_1588 = arith.constant 40 : i32
      %mul3A_1589 = arith.muli %select_n3A_1587, %mul3A_1588 : i32
      %dma_wait3A_1590 = arith.constant 4 : i32
      %dma_wait3A_1591 = arith.constant 4 : i32
      %dma_wait3A_1592 = arith.constant 0 : i32
      %dma_wait3A_1593 = arith.constant 0 : i32
      %dma_wait3A_1594 = tpu.memref_slice %arg6[%dma_wait3A_1590, %dma_wait3A_1592, %dma_wait3A_1593] : memref<8x40x128xf32, #tpu.memory_space<vmem>> -> memref<1x40x128xf32, #tpu.memory_space<vmem>>
      %dma_wait3A_1595 = tpu.memref_squeeze %dma_wait3A_1594 : memref<1x40x128xf32, #tpu.memory_space<vmem>> -> memref<40x128xf32, #tpu.memory_space<vmem>>
      %dma_wait3A_1596 = tpu.memref_slice %arg5[%select_n3A_1571, %mul3A_1589] : memref<128x200xi32, #tpu.memory_space<vmem>> -> memref<1x40xi32, #tpu.memory_space<vmem>>
      %dma_wait3A_1597 = tpu.memref_squeeze %dma_wait3A_1596 : memref<1x40xi32, #tpu.memory_space<vmem>> -> memref<40xi32, #tpu.memory_space<vmem>>
      %dma_wait3A_1598 = arith.constant 0 : i32
      %dma_wait3A_1599 = arith.constant 0 : i32
      %dma_wait3A_1600 = tpu.memref_slice %arg3[%dma_wait3A_1598, %dma_wait3A_1599] : memref<1000000x128xf32, #tpu.memory_space<hbm>> -> memref<1000000x128xf32, #tpu.memory_space<hbm>>
      %dma_wait3A_1601 = tpu.memref_slice %arg7[%dma_wait3A_1591] : memref<8x!tpu.dma_semaphore, #tpu.memory_space<semaphore_mem>> -> memref<1x!tpu.dma_semaphore, #tpu.memory_space<semaphore_mem>>
      %dma_wait3A_1602 = tpu.memref_squeeze %dma_wait3A_1601 : memref<1x!tpu.dma_semaphore, #tpu.memory_space<semaphore_mem>> -> memref<!tpu.dma_semaphore, #tpu.memory_space<semaphore_mem>>
      tpu.wait_indirect_dma semaphore(%dma_wait3A_1602 : memref<!tpu.dma_semaphore, #tpu.memory_space<semaphore_mem>>) src(%dma_wait3A_1600 : memref<1000000x128xf32, #tpu.memory_space<hbm>>) dst(%dma_wait3A_1595 : memref<40x128xf32, #tpu.memory_space<vmem>>)
      %jit3A_1603 = arith.constant 5 : i32
      %div3A_1604 = arith.divsi %add3A_1547, %jit3A_1603 : i32
      %sign3A_1605 = arith.constant 0 : i32
      %sign3A_1606 = arith.cmpi sgt, %add3A_1547, %sign3A_1605 : i32
      %sign3A_1607 = arith.extui %sign3A_1606 : i1 to i32
      %sign3A_1608 = arith.constant 0 : i32
      %sign3A_1609 = arith.cmpi slt, %add3A_1547, %sign3A_1608 : i32
      %sign3A_1610 = arith.extui %sign3A_1609 : i1 to i32
      %sign3A_1611 = arith.subi %sign3A_1607, %sign3A_1610 : i32
      %sign3A_1612 = arith.constant 0 : i32
      %sign3A_1613 = arith.cmpi sgt, %jit3A_1603, %sign3A_1612 : i32
      %sign3A_1614 = arith.extui %sign3A_1613 : i1 to i32
      %sign3A_1615 = arith.constant 0 : i32
      %sign3A_1616 = arith.cmpi slt, %jit3A_1603, %sign3A_1615 : i32
      %sign3A_1617 = arith.extui %sign3A_1616 : i1 to i32
      %sign3A_1618 = arith.subi %sign3A_1614, %sign3A_1617 : i32
      %ne3A_1619 = arith.cmpi ne, %sign3A_1611, %sign3A_1618 : i32
      %rem3A_1620 = arith.remsi %add3A_1547, %jit3A_1603 : i32
      %ne3A_1621 = arith.constant 0 : i32
      %ne3A_1622 = arith.cmpi ne, %rem3A_1620, %ne3A_1621 : i32
      %and3A_1623 = arith.andi %ne3A_1619, %ne3A_1622 : i1
      %sub3A_1624 = arith.constant 1 : i32
      %sub3A_1625 = arith.subi %div3A_1604, %sub3A_1624 : i32
      %select_n3A_1626 = arith.select %and3A_1623, %sub3A_1625, %div3A_1604 : i32
      %jit3A_1627 = arith.constant 5 : i32
      %eq3A_1628 = arith.constant 0 : i32
      %eq3A_1629 = arith.cmpi eq, %jit3A_1627, %eq3A_1628 : i32
      %jit3A_1630 = arith.constant 1 : i32
      %select_n3A_1631 = arith.select %eq3A_1629, %jit3A_1630, %jit3A_1627 : i32
      %rem3A_1632 = arith.remsi %add3A_1547, %select_n3A_1631 : i32
      %ne3A_1633 = arith.constant 0 : i32
      %ne3A_1634 = arith.cmpi ne, %rem3A_1632, %ne3A_1633 : i32
      %lt3A_1635 = arith.constant 0 : i32
      %lt3A_1636 = arith.cmpi slt, %rem3A_1632, %lt3A_1635 : i32
      %lt3A_1637 = arith.constant 0 : i32
      %lt3A_1638 = arith.cmpi slt, %select_n3A_1631, %lt3A_1637 : i32
      %ne3A_1639 = arith.xori %lt3A_1636, %lt3A_1638 : i1
      %and3A_1640 = arith.andi %ne3A_1639, %ne3A_1634 : i1
      %add3A_1641 = arith.addi %rem3A_1632, %select_n3A_1631 : i32
      %select_n3A_1642 = arith.select %and3A_1640, %add3A_1641, %rem3A_1632 : i32
      %add3A_1643 = arith.addi %mul3A_2, %select_n3A_1626 : i32
      %mul3A_1644 = arith.constant 40 : i32
      %mul3A_1645 = arith.muli %select_n3A_1642, %mul3A_1644 : i32
      %dma_start3A_1646 = arith.constant 4 : i32
      %dma_start3A_1647 = arith.constant 4 : i32
      %dma_start3A_1648 = arith.constant 0 : i32
      %dma_start3A_1649 = arith.constant 0 : i32
      %dma_start3A_1650 = tpu.memref_slice %arg6[%dma_start3A_1646, %dma_start3A_1648, %dma_start3A_1649] : memref<8x40x128xf32, #tpu.memory_space<vmem>> -> memref<1x40x64xf32, #tpu.memory_space<vmem>>
      %dma_start3A_1651 = tpu.memref_squeeze %dma_start3A_1650 : memref<1x40x64xf32, #tpu.memory_space<vmem>> -> memref<40x64xf32, #tpu.memory_space<vmem>>
      %dma_start3A_1652 = arith.constant 0 : i32
      %dma_start3A_1653 = tpu.memref_slice %arg4[%add3A_1643, %mul3A_1645, %dma_start3A_1652] : memref<4096x200x128xf32, #tpu.memory_space<hbm>> -> memref<1x40x64xf32, #tpu.memory_space<hbm>>
      %dma_start3A_1654 = tpu.memref_squeeze %dma_start3A_1653 : memref<1x40x64xf32, #tpu.memory_space<hbm>> -> memref<40x64xf32, #tpu.memory_space<hbm>>
      %dma_start3A_1655 = tpu.memref_slice %arg8[%dma_start3A_1647] : memref<8x!tpu.dma_semaphore, #tpu.memory_space<semaphore_mem>> -> memref<1x!tpu.dma_semaphore, #tpu.memory_space<semaphore_mem>>
      %dma_start3A_1656 = tpu.memref_squeeze %dma_start3A_1655 : memref<1x!tpu.dma_semaphore, #tpu.memory_space<semaphore_mem>> -> memref<!tpu.dma_semaphore, #tpu.memory_space<semaphore_mem>>
      %dma_start3A_1657 = arith.constant 0 : i32
      %dma_start3A_1658 = tpu.memref_slice %arg4[%add3A_1643, %mul3A_1645, %dma_start3A_1657] : memref<4096x200x128xf32, #tpu.memory_space<hbm>> -> memref<1x40x64xf32, #tpu.memory_space<hbm>>
      %dma_start3A_1659 = tpu.memref_squeeze %dma_start3A_1658 : memref<1x40x64xf32, #tpu.memory_space<hbm>> -> memref<40x64xf32, #tpu.memory_space<hbm>>
      %dma_start3A_1660 = arith.constant 0 : i32
      %dma_start3A_1661 = arith.constant 0 : i32
      %dma_start3A_1662 = tpu.memref_slice %arg6[%dma_start3A_1646, %dma_start3A_1660, %dma_start3A_1661] : memref<8x40x128xf32, #tpu.memory_space<vmem>> -> memref<1x40x64xf32, #tpu.memory_space<vmem>>
      %dma_start3A_1663 = tpu.memref_squeeze %dma_start3A_1662 : memref<1x40x64xf32, #tpu.memory_space<vmem>> -> memref<40x64xf32, #tpu.memory_space<vmem>>
      tpu.enqueue_dma source(%dma_start3A_1663 : memref<40x64xf32, #tpu.memory_space<vmem>>) target(%dma_start3A_1659 : memref<40x64xf32, #tpu.memory_space<hbm>>) target_semaphore(%dma_start3A_1656 : memref<!tpu.dma_semaphore, #tpu.memory_space<semaphore_mem>>)
      %jit3A_1664 = arith.constant 5 : i32
      %div3A_1665 = arith.divsi %add3A_1547, %jit3A_1664 : i32
      %sign3A_1666 = arith.constant 0 : i32
      %sign3A_1667 = arith.cmpi sgt, %add3A_1547, %sign3A_1666 : i32
      %sign3A_1668 = arith.extui %sign3A_1667 : i1 to i32
      %sign3A_1669 = arith.constant 0 : i32
      %sign3A_1670 = arith.cmpi slt, %add3A_1547, %sign3A_1669 : i32
      %sign3A_1671 = arith.extui %sign3A_1670 : i1 to i32
      %sign3A_1672 = arith.subi %sign3A_1668, %sign3A_1671 : i32
      %sign3A_1673 = arith.constant 0 : i32
      %sign3A_1674 = arith.cmpi sgt, %jit3A_1664, %sign3A_1673 : i32
      %sign3A_1675 = arith.extui %sign3A_1674 : i1 to i32
      %sign3A_1676 = arith.constant 0 : i32
      %sign3A_1677 = arith.cmpi slt, %jit3A_1664, %sign3A_1676 : i32
      %sign3A_1678 = arith.extui %sign3A_1677 : i1 to i32
      %sign3A_1679 = arith.subi %sign3A_1675, %sign3A_1678 : i32
      %ne3A_1680 = arith.cmpi ne, %sign3A_1672, %sign3A_1679 : i32
      %rem3A_1681 = arith.remsi %add3A_1547, %jit3A_1664 : i32
      %ne3A_1682 = arith.constant 0 : i32
      %ne3A_1683 = arith.cmpi ne, %rem3A_1681, %ne3A_1682 : i32
      %and3A_1684 = arith.andi %ne3A_1680, %ne3A_1683 : i1
      %sub3A_1685 = arith.constant 1 : i32
      %sub3A_1686 = arith.subi %div3A_1665, %sub3A_1685 : i32
      %select_n3A_1687 = arith.select %and3A_1684, %sub3A_1686, %div3A_1665 : i32
      %jit3A_1688 = arith.constant 5 : i32
      %eq3A_1689 = arith.constant 0 : i32
      %eq3A_1690 = arith.cmpi eq, %jit3A_1688, %eq3A_1689 : i32
      %jit3A_1691 = arith.constant 1 : i32
      %select_n3A_1692 = arith.select %eq3A_1690, %jit3A_1691, %jit3A_1688 : i32
      %rem3A_1693 = arith.remsi %add3A_1547, %select_n3A_1692 : i32
      %ne3A_1694 = arith.constant 0 : i32
      %ne3A_1695 = arith.cmpi ne, %rem3A_1693, %ne3A_1694 : i32
      %lt3A_1696 = arith.constant 0 : i32
      %lt3A_1697 = arith.cmpi slt, %rem3A_1693, %lt3A_1696 : i32
      %lt3A_1698 = arith.constant 0 : i32
      %lt3A_1699 = arith.cmpi slt, %select_n3A_1692, %lt3A_1698 : i32
      %ne3A_1700 = arith.xori %lt3A_1697, %lt3A_1699 : i1
      %and3A_1701 = arith.andi %ne3A_1700, %ne3A_1695 : i1
      %add3A_1702 = arith.addi %rem3A_1693, %select_n3A_1692 : i32
      %select_n3A_1703 = arith.select %and3A_1701, %add3A_1702, %rem3A_1693 : i32
      %add3A_1704 = arith.addi %mul3A_2, %select_n3A_1687 : i32
      %mul3A_1705 = arith.constant 40 : i32
      %mul3A_1706 = arith.muli %select_n3A_1703, %mul3A_1705 : i32
      %dma_wait3A_1707 = arith.constant 4 : i32
      %dma_wait3A_1708 = arith.constant 4 : i32
      %dma_wait3A_1709 = arith.constant 0 : i32
      %dma_wait3A_1710 = arith.constant 0 : i32
      %dma_wait3A_1711 = tpu.memref_slice %arg6[%dma_wait3A_1707, %dma_wait3A_1709, %dma_wait3A_1710] : memref<8x40x128xf32, #tpu.memory_space<vmem>> -> memref<1x40x64xf32, #tpu.memory_space<vmem>>
      %dma_wait3A_1712 = tpu.memref_squeeze %dma_wait3A_1711 : memref<1x40x64xf32, #tpu.memory_space<vmem>> -> memref<40x64xf32, #tpu.memory_space<vmem>>
      %dma_wait3A_1713 = arith.constant 0 : i32
      %dma_wait3A_1714 = tpu.memref_slice %arg4[%add3A_1704, %mul3A_1706, %dma_wait3A_1713] : memref<4096x200x128xf32, #tpu.memory_space<hbm>> -> memref<1x40x64xf32, #tpu.memory_space<hbm>>
      %dma_wait3A_1715 = tpu.memref_squeeze %dma_wait3A_1714 : memref<1x40x64xf32, #tpu.memory_space<hbm>> -> memref<40x64xf32, #tpu.memory_space<hbm>>
      %dma_wait3A_1716 = tpu.memref_slice %arg8[%dma_wait3A_1708] : memref<8x!tpu.dma_semaphore, #tpu.memory_space<semaphore_mem>> -> memref<1x!tpu.dma_semaphore, #tpu.memory_space<semaphore_mem>>
      %dma_wait3A_1717 = tpu.memref_squeeze %dma_wait3A_1716 : memref<1x!tpu.dma_semaphore, #tpu.memory_space<semaphore_mem>> -> memref<!tpu.dma_semaphore, #tpu.memory_space<semaphore_mem>>
      %dma_wait3A_1718 = arith.constant 0 : i32
      %dma_wait3A_1719 = tpu.memref_slice %arg4[%add3A_1704, %mul3A_1706, %dma_wait3A_1718] : memref<4096x200x128xf32, #tpu.memory_space<hbm>> -> memref<1x40x64xf32, #tpu.memory_space<hbm>>
      %dma_wait3A_1720 = tpu.memref_squeeze %dma_wait3A_1719 : memref<1x40x64xf32, #tpu.memory_space<hbm>> -> memref<40x64xf32, #tpu.memory_space<hbm>>
      %dma_wait3A_1721 = arith.constant 0 : i32
      %dma_wait3A_1722 = arith.constant 0 : i32
      %dma_wait3A_1723 = tpu.memref_slice %arg6[%dma_wait3A_1707, %dma_wait3A_1721, %dma_wait3A_1722] : memref<8x40x128xf32, #tpu.memory_space<vmem>> -> memref<1x40x64xf32, #tpu.memory_space<vmem>>
      %dma_wait3A_1724 = tpu.memref_squeeze %dma_wait3A_1723 : memref<1x40x64xf32, #tpu.memory_space<vmem>> -> memref<40x64xf32, #tpu.memory_space<vmem>>
      tpu.wait_dma2 semaphore(%dma_wait3A_1717 : memref<!tpu.dma_semaphore, #tpu.memory_space<semaphore_mem>>) src(%dma_wait3A_1724 : memref<40x64xf32, #tpu.memory_space<vmem>>) dst(%dma_wait3A_1720 : memref<40x64xf32, #tpu.memory_space<hbm>>)
      %add3A_1725 = arith.constant 8 : i32
      %add3A_1726 = arith.addi %add3A_1547, %add3A_1725 : i32
      %jit3A_1727 = arith.constant 5 : i32
      %div3A_1728 = arith.divsi %add3A_1726, %jit3A_1727 : i32
      %sign3A_1729 = arith.constant 0 : i32
      %sign3A_1730 = arith.cmpi sgt, %add3A_1726, %sign3A_1729 : i32
      %sign3A_1731 = arith.extui %sign3A_1730 : i1 to i32
      %sign3A_1732 = arith.constant 0 : i32
      %sign3A_1733 = arith.cmpi slt, %add3A_1726, %sign3A_1732 : i32
      %sign3A_1734 = arith.extui %sign3A_1733 : i1 to i32
      %sign3A_1735 = arith.subi %sign3A_1731, %sign3A_1734 : i32
      %sign3A_1736 = arith.constant 0 : i32
      %sign3A_1737 = arith.cmpi sgt, %jit3A_1727, %sign3A_1736 : i32
      %sign3A_1738 = arith.extui %sign3A_1737 : i1 to i32
      %sign3A_1739 = arith.constant 0 : i32
      %sign3A_1740 = arith.cmpi slt, %jit3A_1727, %sign3A_1739 : i32
      %sign3A_1741 = arith.extui %sign3A_1740 : i1 to i32
      %sign3A_1742 = arith.subi %sign3A_1738, %sign3A_1741 : i32
      %ne3A_1743 = arith.cmpi ne, %sign3A_1735, %sign3A_1742 : i32
      %rem3A_1744 = arith.remsi %add3A_1726, %jit3A_1727 : i32
      %ne3A_1745 = arith.constant 0 : i32
      %ne3A_1746 = arith.cmpi ne, %rem3A_1744, %ne3A_1745 : i32
      %and3A_1747 = arith.andi %ne3A_1743, %ne3A_1746 : i1
      %sub3A_1748 = arith.constant 1 : i32
      %sub3A_1749 = arith.subi %div3A_1728, %sub3A_1748 : i32
      %select_n3A_1750 = arith.select %and3A_1747, %sub3A_1749, %div3A_1728 : i32
      %jit3A_1751 = arith.constant 5 : i32
      %eq3A_1752 = arith.constant 0 : i32
      %eq3A_1753 = arith.cmpi eq, %jit3A_1751, %eq3A_1752 : i32
      %jit3A_1754 = arith.constant 1 : i32
      %select_n3A_1755 = arith.select %eq3A_1753, %jit3A_1754, %jit3A_1751 : i32
      %rem3A_1756 = arith.remsi %add3A_1726, %select_n3A_1755 : i32
      %ne3A_1757 = arith.constant 0 : i32
      %ne3A_1758 = arith.cmpi ne, %rem3A_1756, %ne3A_1757 : i32
      %lt3A_1759 = arith.constant 0 : i32
      %lt3A_1760 = arith.cmpi slt, %rem3A_1756, %lt3A_1759 : i32
      %lt3A_1761 = arith.constant 0 : i32
      %lt3A_1762 = arith.cmpi slt, %select_n3A_1755, %lt3A_1761 : i32
      %ne3A_1763 = arith.xori %lt3A_1760, %lt3A_1762 : i1
      %and3A_1764 = arith.andi %ne3A_1763, %ne3A_1758 : i1
      %add3A_1765 = arith.addi %rem3A_1756, %select_n3A_1755 : i32
      %select_n3A_1766 = arith.select %and3A_1764, %add3A_1765, %rem3A_1756 : i32
      %mul3A_1767 = arith.constant 40 : i32
      %mul3A_1768 = arith.muli %select_n3A_1766, %mul3A_1767 : i32
      %dma_start3A_1769 = arith.constant 4 : i32
      %dma_start3A_1770 = arith.constant 4 : i32
      %dma_start3A_1771 = arith.constant 0 : i32
      %dma_start3A_1772 = arith.constant 0 : i32
      %dma_start3A_1773 = tpu.memref_slice %arg6[%dma_start3A_1769, %dma_start3A_1771, %dma_start3A_1772] : memref<8x40x128xf32, #tpu.memory_space<vmem>> -> memref<1x40x128xf32, #tpu.memory_space<vmem>>
      %dma_start3A_1774 = tpu.memref_squeeze %dma_start3A_1773 : memref<1x40x128xf32, #tpu.memory_space<vmem>> -> memref<40x128xf32, #tpu.memory_space<vmem>>
      %dma_start3A_1775 = tpu.memref_slice %arg5[%select_n3A_1750, %mul3A_1768] : memref<128x200xi32, #tpu.memory_space<vmem>> -> memref<1x40xi32, #tpu.memory_space<vmem>>
      %dma_start3A_1776 = tpu.memref_squeeze %dma_start3A_1775 : memref<1x40xi32, #tpu.memory_space<vmem>> -> memref<40xi32, #tpu.memory_space<vmem>>
      %dma_start3A_1777 = arith.constant 0 : i32
      %dma_start3A_1778 = arith.constant 0 : i32
      %dma_start3A_1779 = tpu.memref_slice %arg3[%dma_start3A_1777, %dma_start3A_1778] : memref<1000000x128xf32, #tpu.memory_space<hbm>> -> memref<1000000x128xf32, #tpu.memory_space<hbm>>
      %dma_start3A_1780 = tpu.memref_slice %arg7[%dma_start3A_1770] : memref<8x!tpu.dma_semaphore, #tpu.memory_space<semaphore_mem>> -> memref<1x!tpu.dma_semaphore, #tpu.memory_space<semaphore_mem>>
      %dma_start3A_1781 = tpu.memref_squeeze %dma_start3A_1780 : memref<1x!tpu.dma_semaphore, #tpu.memory_space<semaphore_mem>> -> memref<!tpu.dma_semaphore, #tpu.memory_space<semaphore_mem>>
      tpu.enqueue_indirect_dma source(%dma_start3A_1779 : memref<1000000x128xf32, #tpu.memory_space<hbm>>) target(%dma_start3A_1774 : memref<40x128xf32, #tpu.memory_space<vmem>>) offsets(%dma_start3A_1776 : memref<40xi32, #tpu.memory_space<vmem>>) semaphore(%dma_start3A_1781 : memref<!tpu.dma_semaphore, #tpu.memory_space<semaphore_mem>>)
      %mul3A_1782 = arith.constant 8 : i32
      %mul3A_1783 = arith.muli %add3A_601, %mul3A_1782 : i32
      %add3A_1784 = arith.constant 5 : i32
      %add3A_1785 = arith.addi %mul3A_1783, %add3A_1784 : i32
      %jit3A_1786 = arith.constant 5 : i32
      %div3A_1787 = arith.divsi %add3A_1785, %jit3A_1786 : i32
      %sign3A_1788 = arith.constant 0 : i32
      %sign3A_1789 = arith.cmpi sgt, %add3A_1785, %sign3A_1788 : i32
      %sign3A_1790 = arith.extui %sign3A_1789 : i1 to i32
      %sign3A_1791 = arith.constant 0 : i32
      %sign3A_1792 = arith.cmpi slt, %add3A_1785, %sign3A_1791 : i32
      %sign3A_1793 = arith.extui %sign3A_1792 : i1 to i32
      %sign3A_1794 = arith.subi %sign3A_1790, %sign3A_1793 : i32
      %sign3A_1795 = arith.constant 0 : i32
      %sign3A_1796 = arith.cmpi sgt, %jit3A_1786, %sign3A_1795 : i32
      %sign3A_1797 = arith.extui %sign3A_1796 : i1 to i32
      %sign3A_1798 = arith.constant 0 : i32
      %sign3A_1799 = arith.cmpi slt, %jit3A_1786, %sign3A_1798 : i32
      %sign3A_1800 = arith.extui %sign3A_1799 : i1 to i32
      %sign3A_1801 = arith.subi %sign3A_1797, %sign3A_1800 : i32
      %ne3A_1802 = arith.cmpi ne, %sign3A_1794, %sign3A_1801 : i32
      %rem3A_1803 = arith.remsi %add3A_1785, %jit3A_1786 : i32
      %ne3A_1804 = arith.constant 0 : i32
      %ne3A_1805 = arith.cmpi ne, %rem3A_1803, %ne3A_1804 : i32
      %and3A_1806 = arith.andi %ne3A_1802, %ne3A_1805 : i1
      %sub3A_1807 = arith.constant 1 : i32
      %sub3A_1808 = arith.subi %div3A_1787, %sub3A_1807 : i32
      %select_n3A_1809 = arith.select %and3A_1806, %sub3A_1808, %div3A_1787 : i32
      %jit3A_1810 = arith.constant 5 : i32
      %eq3A_1811 = arith.constant 0 : i32
      %eq3A_1812 = arith.cmpi eq, %jit3A_1810, %eq3A_1811 : i32
      %jit3A_1813 = arith.constant 1 : i32
      %select_n3A_1814 = arith.select %eq3A_1812, %jit3A_1813, %jit3A_1810 : i32
      %rem3A_1815 = arith.remsi %add3A_1785, %select_n3A_1814 : i32
      %ne3A_1816 = arith.constant 0 : i32
      %ne3A_1817 = arith.cmpi ne, %rem3A_1815, %ne3A_1816 : i32
      %lt3A_1818 = arith.constant 0 : i32
      %lt3A_1819 = arith.cmpi slt, %rem3A_1815, %lt3A_1818 : i32
      %lt3A_1820 = arith.constant 0 : i32
      %lt3A_1821 = arith.cmpi slt, %select_n3A_1814, %lt3A_1820 : i32
      %ne3A_1822 = arith.xori %lt3A_1819, %lt3A_1821 : i1
      %and3A_1823 = arith.andi %ne3A_1822, %ne3A_1817 : i1
      %add3A_1824 = arith.addi %rem3A_1815, %select_n3A_1814 : i32
      %select_n3A_1825 = arith.select %and3A_1823, %add3A_1824, %rem3A_1815 : i32
      %mul3A_1826 = arith.constant 40 : i32
      %mul3A_1827 = arith.muli %select_n3A_1825, %mul3A_1826 : i32
      %dma_wait3A_1828 = arith.constant 5 : i32
      %dma_wait3A_1829 = arith.constant 5 : i32
      %dma_wait3A_1830 = arith.constant 0 : i32
      %dma_wait3A_1831 = arith.constant 0 : i32
      %dma_wait3A_1832 = tpu.memref_slice %arg6[%dma_wait3A_1828, %dma_wait3A_1830, %dma_wait3A_1831] : memref<8x40x128xf32, #tpu.memory_space<vmem>> -> memref<1x40x128xf32, #tpu.memory_space<vmem>>
      %dma_wait3A_1833 = tpu.memref_squeeze %dma_wait3A_1832 : memref<1x40x128xf32, #tpu.memory_space<vmem>> -> memref<40x128xf32, #tpu.memory_space<vmem>>
      %dma_wait3A_1834 = tpu.memref_slice %arg5[%select_n3A_1809, %mul3A_1827] : memref<128x200xi32, #tpu.memory_space<vmem>> -> memref<1x40xi32, #tpu.memory_space<vmem>>
      %dma_wait3A_1835 = tpu.memref_squeeze %dma_wait3A_1834 : memref<1x40xi32, #tpu.memory_space<vmem>> -> memref<40xi32, #tpu.memory_space<vmem>>
      %dma_wait3A_1836 = arith.constant 0 : i32
      %dma_wait3A_1837 = arith.constant 0 : i32
      %dma_wait3A_1838 = tpu.memref_slice %arg3[%dma_wait3A_1836, %dma_wait3A_1837] : memref<1000000x128xf32, #tpu.memory_space<hbm>> -> memref<1000000x128xf32, #tpu.memory_space<hbm>>
      %dma_wait3A_1839 = tpu.memref_slice %arg7[%dma_wait3A_1829] : memref<8x!tpu.dma_semaphore, #tpu.memory_space<semaphore_mem>> -> memref<1x!tpu.dma_semaphore, #tpu.memory_space<semaphore_mem>>
      %dma_wait3A_1840 = tpu.memref_squeeze %dma_wait3A_1839 : memref<1x!tpu.dma_semaphore, #tpu.memory_space<semaphore_mem>> -> memref<!tpu.dma_semaphore, #tpu.memory_space<semaphore_mem>>
      tpu.wait_indirect_dma semaphore(%dma_wait3A_1840 : memref<!tpu.dma_semaphore, #tpu.memory_space<semaphore_mem>>) src(%dma_wait3A_1838 : memref<1000000x128xf32, #tpu.memory_space<hbm>>) dst(%dma_wait3A_1833 : memref<40x128xf32, #tpu.memory_space<vmem>>)
      %jit3A_1841 = arith.constant 5 : i32
      %div3A_1842 = arith.divsi %add3A_1785, %jit3A_1841 : i32
      %sign3A_1843 = arith.constant 0 : i32
      %sign3A_1844 = arith.cmpi sgt, %add3A_1785, %sign3A_1843 : i32
      %sign3A_1845 = arith.extui %sign3A_1844 : i1 to i32
      %sign3A_1846 = arith.constant 0 : i32
      %sign3A_1847 = arith.cmpi slt, %add3A_1785, %sign3A_1846 : i32
      %sign3A_1848 = arith.extui %sign3A_1847 : i1 to i32
      %sign3A_1849 = arith.subi %sign3A_1845, %sign3A_1848 : i32
      %sign3A_1850 = arith.constant 0 : i32
      %sign3A_1851 = arith.cmpi sgt, %jit3A_1841, %sign3A_1850 : i32
      %sign3A_1852 = arith.extui %sign3A_1851 : i1 to i32
      %sign3A_1853 = arith.constant 0 : i32
      %sign3A_1854 = arith.cmpi slt, %jit3A_1841, %sign3A_1853 : i32
      %sign3A_1855 = arith.extui %sign3A_1854 : i1 to i32
      %sign3A_1856 = arith.subi %sign3A_1852, %sign3A_1855 : i32
      %ne3A_1857 = arith.cmpi ne, %sign3A_1849, %sign3A_1856 : i32
      %rem3A_1858 = arith.remsi %add3A_1785, %jit3A_1841 : i32
      %ne3A_1859 = arith.constant 0 : i32
      %ne3A_1860 = arith.cmpi ne, %rem3A_1858, %ne3A_1859 : i32
      %and3A_1861 = arith.andi %ne3A_1857, %ne3A_1860 : i1
      %sub3A_1862 = arith.constant 1 : i32
      %sub3A_1863 = arith.subi %div3A_1842, %sub3A_1862 : i32
      %select_n3A_1864 = arith.select %and3A_1861, %sub3A_1863, %div3A_1842 : i32
      %jit3A_1865 = arith.constant 5 : i32
      %eq3A_1866 = arith.constant 0 : i32
      %eq3A_1867 = arith.cmpi eq, %jit3A_1865, %eq3A_1866 : i32
      %jit3A_1868 = arith.constant 1 : i32
      %select_n3A_1869 = arith.select %eq3A_1867, %jit3A_1868, %jit3A_1865 : i32
      %rem3A_1870 = arith.remsi %add3A_1785, %select_n3A_1869 : i32
      %ne3A_1871 = arith.constant 0 : i32
      %ne3A_1872 = arith.cmpi ne, %rem3A_1870, %ne3A_1871 : i32
      %lt3A_1873 = arith.constant 0 : i32
      %lt3A_1874 = arith.cmpi slt, %rem3A_1870, %lt3A_1873 : i32
      %lt3A_1875 = arith.constant 0 : i32
      %lt3A_1876 = arith.cmpi slt, %select_n3A_1869, %lt3A_1875 : i32
      %ne3A_1877 = arith.xori %lt3A_1874, %lt3A_1876 : i1
      %and3A_1878 = arith.andi %ne3A_1877, %ne3A_1872 : i1
      %add3A_1879 = arith.addi %rem3A_1870, %select_n3A_1869 : i32
      %select_n3A_1880 = arith.select %and3A_1878, %add3A_1879, %rem3A_1870 : i32
      %add3A_1881 = arith.addi %mul3A_2, %select_n3A_1864 : i32
      %mul3A_1882 = arith.constant 40 : i32
      %mul3A_1883 = arith.muli %select_n3A_1880, %mul3A_1882 : i32
      %dma_start3A_1884 = arith.constant 5 : i32
      %dma_start3A_1885 = arith.constant 5 : i32
      %dma_start3A_1886 = arith.constant 0 : i32
      %dma_start3A_1887 = arith.constant 0 : i32
      %dma_start3A_1888 = tpu.memref_slice %arg6[%dma_start3A_1884, %dma_start3A_1886, %dma_start3A_1887] : memref<8x40x128xf32, #tpu.memory_space<vmem>> -> memref<1x40x64xf32, #tpu.memory_space<vmem>>
      %dma_start3A_1889 = tpu.memref_squeeze %dma_start3A_1888 : memref<1x40x64xf32, #tpu.memory_space<vmem>> -> memref<40x64xf32, #tpu.memory_space<vmem>>
      %dma_start3A_1890 = arith.constant 0 : i32
      %dma_start3A_1891 = tpu.memref_slice %arg4[%add3A_1881, %mul3A_1883, %dma_start3A_1890] : memref<4096x200x128xf32, #tpu.memory_space<hbm>> -> memref<1x40x64xf32, #tpu.memory_space<hbm>>
      %dma_start3A_1892 = tpu.memref_squeeze %dma_start3A_1891 : memref<1x40x64xf32, #tpu.memory_space<hbm>> -> memref<40x64xf32, #tpu.memory_space<hbm>>
      %dma_start3A_1893 = tpu.memref_slice %arg8[%dma_start3A_1885] : memref<8x!tpu.dma_semaphore, #tpu.memory_space<semaphore_mem>> -> memref<1x!tpu.dma_semaphore, #tpu.memory_space<semaphore_mem>>
      %dma_start3A_1894 = tpu.memref_squeeze %dma_start3A_1893 : memref<1x!tpu.dma_semaphore, #tpu.memory_space<semaphore_mem>> -> memref<!tpu.dma_semaphore, #tpu.memory_space<semaphore_mem>>
      %dma_start3A_1895 = arith.constant 0 : i32
      %dma_start3A_1896 = tpu.memref_slice %arg4[%add3A_1881, %mul3A_1883, %dma_start3A_1895] : memref<4096x200x128xf32, #tpu.memory_space<hbm>> -> memref<1x40x64xf32, #tpu.memory_space<hbm>>
      %dma_start3A_1897 = tpu.memref_squeeze %dma_start3A_1896 : memref<1x40x64xf32, #tpu.memory_space<hbm>> -> memref<40x64xf32, #tpu.memory_space<hbm>>
      %dma_start3A_1898 = arith.constant 0 : i32
      %dma_start3A_1899 = arith.constant 0 : i32
      %dma_start3A_1900 = tpu.memref_slice %arg6[%dma_start3A_1884, %dma_start3A_1898, %dma_start3A_1899] : memref<8x40x128xf32, #tpu.memory_space<vmem>> -> memref<1x40x64xf32, #tpu.memory_space<vmem>>
      %dma_start3A_1901 = tpu.memref_squeeze %dma_start3A_1900 : memref<1x40x64xf32, #tpu.memory_space<vmem>> -> memref<40x64xf32, #tpu.memory_space<vmem>>
      tpu.enqueue_dma source(%dma_start3A_1901 : memref<40x64xf32, #tpu.memory_space<vmem>>) target(%dma_start3A_1897 : memref<40x64xf32, #tpu.memory_space<hbm>>) target_semaphore(%dma_start3A_1894 : memref<!tpu.dma_semaphore, #tpu.memory_space<semaphore_mem>>)
      %jit3A_1902 = arith.constant 5 : i32
      %div3A_1903 = arith.divsi %add3A_1785, %jit3A_1902 : i32
      %sign3A_1904 = arith.constant 0 : i32
      %sign3A_1905 = arith.cmpi sgt, %add3A_1785, %sign3A_1904 : i32
      %sign3A_1906 = arith.extui %sign3A_1905 : i1 to i32
      %sign3A_1907 = arith.constant 0 : i32
      %sign3A_1908 = arith.cmpi slt, %add3A_1785, %sign3A_1907 : i32
      %sign3A_1909 = arith.extui %sign3A_1908 : i1 to i32
      %sign3A_1910 = arith.subi %sign3A_1906, %sign3A_1909 : i32
      %sign3A_1911 = arith.constant 0 : i32
      %sign3A_1912 = arith.cmpi sgt, %jit3A_1902, %sign3A_1911 : i32
      %sign3A_1913 = arith.extui %sign3A_1912 : i1 to i32
      %sign3A_1914 = arith.constant 0 : i32
      %sign3A_1915 = arith.cmpi slt, %jit3A_1902, %sign3A_1914 : i32
      %sign3A_1916 = arith.extui %sign3A_1915 : i1 to i32
      %sign3A_1917 = arith.subi %sign3A_1913, %sign3A_1916 : i32
      %ne3A_1918 = arith.cmpi ne, %sign3A_1910, %sign3A_1917 : i32
      %rem3A_1919 = arith.remsi %add3A_1785, %jit3A_1902 : i32
      %ne3A_1920 = arith.constant 0 : i32
      %ne3A_1921 = arith.cmpi ne, %rem3A_1919, %ne3A_1920 : i32
      %and3A_1922 = arith.andi %ne3A_1918, %ne3A_1921 : i1
      %sub3A_1923 = arith.constant 1 : i32
      %sub3A_1924 = arith.subi %div3A_1903, %sub3A_1923 : i32
      %select_n3A_1925 = arith.select %and3A_1922, %sub3A_1924, %div3A_1903 : i32
      %jit3A_1926 = arith.constant 5 : i32
      %eq3A_1927 = arith.constant 0 : i32
      %eq3A_1928 = arith.cmpi eq, %jit3A_1926, %eq3A_1927 : i32
      %jit3A_1929 = arith.constant 1 : i32
      %select_n3A_1930 = arith.select %eq3A_1928, %jit3A_1929, %jit3A_1926 : i32
      %rem3A_1931 = arith.remsi %add3A_1785, %select_n3A_1930 : i32
      %ne3A_1932 = arith.constant 0 : i32
      %ne3A_1933 = arith.cmpi ne, %rem3A_1931, %ne3A_1932 : i32
      %lt3A_1934 = arith.constant 0 : i32
      %lt3A_1935 = arith.cmpi slt, %rem3A_1931, %lt3A_1934 : i32
      %lt3A_1936 = arith.constant 0 : i32
      %lt3A_1937 = arith.cmpi slt, %select_n3A_1930, %lt3A_1936 : i32
      %ne3A_1938 = arith.xori %lt3A_1935, %lt3A_1937 : i1
      %and3A_1939 = arith.andi %ne3A_1938, %ne3A_1933 : i1
      %add3A_1940 = arith.addi %rem3A_1931, %select_n3A_1930 : i32
      %select_n3A_1941 = arith.select %and3A_1939, %add3A_1940, %rem3A_1931 : i32
      %add3A_1942 = arith.addi %mul3A_2, %select_n3A_1925 : i32
      %mul3A_1943 = arith.constant 40 : i32
      %mul3A_1944 = arith.muli %select_n3A_1941, %mul3A_1943 : i32
      %dma_wait3A_1945 = arith.constant 5 : i32
      %dma_wait3A_1946 = arith.constant 5 : i32
      %dma_wait3A_1947 = arith.constant 0 : i32
      %dma_wait3A_1948 = arith.constant 0 : i32
      %dma_wait3A_1949 = tpu.memref_slice %arg6[%dma_wait3A_1945, %dma_wait3A_1947, %dma_wait3A_1948] : memref<8x40x128xf32, #tpu.memory_space<vmem>> -> memref<1x40x64xf32, #tpu.memory_space<vmem>>
      %dma_wait3A_1950 = tpu.memref_squeeze %dma_wait3A_1949 : memref<1x40x64xf32, #tpu.memory_space<vmem>> -> memref<40x64xf32, #tpu.memory_space<vmem>>
      %dma_wait3A_1951 = arith.constant 0 : i32
      %dma_wait3A_1952 = tpu.memref_slice %arg4[%add3A_1942, %mul3A_1944, %dma_wait3A_1951] : memref<4096x200x128xf32, #tpu.memory_space<hbm>> -> memref<1x40x64xf32, #tpu.memory_space<hbm>>
      %dma_wait3A_1953 = tpu.memref_squeeze %dma_wait3A_1952 : memref<1x40x64xf32, #tpu.memory_space<hbm>> -> memref<40x64xf32, #tpu.memory_space<hbm>>
      %dma_wait3A_1954 = tpu.memref_slice %arg8[%dma_wait3A_1946] : memref<8x!tpu.dma_semaphore, #tpu.memory_space<semaphore_mem>> -> memref<1x!tpu.dma_semaphore, #tpu.memory_space<semaphore_mem>>
      %dma_wait3A_1955 = tpu.memref_squeeze %dma_wait3A_1954 : memref<1x!tpu.dma_semaphore, #tpu.memory_space<semaphore_mem>> -> memref<!tpu.dma_semaphore, #tpu.memory_space<semaphore_mem>>
      %dma_wait3A_1956 = arith.constant 0 : i32
      %dma_wait3A_1957 = tpu.memref_slice %arg4[%add3A_1942, %mul3A_1944, %dma_wait3A_1956] : memref<4096x200x128xf32, #tpu.memory_space<hbm>> -> memref<1x40x64xf32, #tpu.memory_space<hbm>>
      %dma_wait3A_1958 = tpu.memref_squeeze %dma_wait3A_1957 : memref<1x40x64xf32, #tpu.memory_space<hbm>> -> memref<40x64xf32, #tpu.memory_space<hbm>>
      %dma_wait3A_1959 = arith.constant 0 : i32
      %dma_wait3A_1960 = arith.constant 0 : i32
      %dma_wait3A_1961 = tpu.memref_slice %arg6[%dma_wait3A_1945, %dma_wait3A_1959, %dma_wait3A_1960] : memref<8x40x128xf32, #tpu.memory_space<vmem>> -> memref<1x40x64xf32, #tpu.memory_space<vmem>>
      %dma_wait3A_1962 = tpu.memref_squeeze %dma_wait3A_1961 : memref<1x40x64xf32, #tpu.memory_space<vmem>> -> memref<40x64xf32, #tpu.memory_space<vmem>>
      tpu.wait_dma2 semaphore(%dma_wait3A_1955 : memref<!tpu.dma_semaphore, #tpu.memory_space<semaphore_mem>>) src(%dma_wait3A_1962 : memref<40x64xf32, #tpu.memory_space<vmem>>) dst(%dma_wait3A_1958 : memref<40x64xf32, #tpu.memory_space<hbm>>)
      %add3A_1963 = arith.constant 8 : i32
      %add3A_1964 = arith.addi %add3A_1785, %add3A_1963 : i32
      %jit3A_1965 = arith.constant 5 : i32
      %div3A_1966 = arith.divsi %add3A_1964, %jit3A_1965 : i32
      %sign3A_1967 = arith.constant 0 : i32
      %sign3A_1968 = arith.cmpi sgt, %add3A_1964, %sign3A_1967 : i32
      %sign3A_1969 = arith.extui %sign3A_1968 : i1 to i32
      %sign3A_1970 = arith.constant 0 : i32
      %sign3A_1971 = arith.cmpi slt, %add3A_1964, %sign3A_1970 : i32
      %sign3A_1972 = arith.extui %sign3A_1971 : i1 to i32
      %sign3A_1973 = arith.subi %sign3A_1969, %sign3A_1972 : i32
      %sign3A_1974 = arith.constant 0 : i32
      %sign3A_1975 = arith.cmpi sgt, %jit3A_1965, %sign3A_1974 : i32
      %sign3A_1976 = arith.extui %sign3A_1975 : i1 to i32
      %sign3A_1977 = arith.constant 0 : i32
      %sign3A_1978 = arith.cmpi slt, %jit3A_1965, %sign3A_1977 : i32
      %sign3A_1979 = arith.extui %sign3A_1978 : i1 to i32
      %sign3A_1980 = arith.subi %sign3A_1976, %sign3A_1979 : i32
      %ne3A_1981 = arith.cmpi ne, %sign3A_1973, %sign3A_1980 : i32
      %rem3A_1982 = arith.remsi %add3A_1964, %jit3A_1965 : i32
      %ne3A_1983 = arith.constant 0 : i32
      %ne3A_1984 = arith.cmpi ne, %rem3A_1982, %ne3A_1983 : i32
      %and3A_1985 = arith.andi %ne3A_1981, %ne3A_1984 : i1
      %sub3A_1986 = arith.constant 1 : i32
      %sub3A_1987 = arith.subi %div3A_1966, %sub3A_1986 : i32
      %select_n3A_1988 = arith.select %and3A_1985, %sub3A_1987, %div3A_1966 : i32
      %jit3A_1989 = arith.constant 5 : i32
      %eq3A_1990 = arith.constant 0 : i32
      %eq3A_1991 = arith.cmpi eq, %jit3A_1989, %eq3A_1990 : i32
      %jit3A_1992 = arith.constant 1 : i32
      %select_n3A_1993 = arith.select %eq3A_1991, %jit3A_1992, %jit3A_1989 : i32
      %rem3A_1994 = arith.remsi %add3A_1964, %select_n3A_1993 : i32
      %ne3A_1995 = arith.constant 0 : i32
      %ne3A_1996 = arith.cmpi ne, %rem3A_1994, %ne3A_1995 : i32
      %lt3A_1997 = arith.constant 0 : i32
      %lt3A_1998 = arith.cmpi slt, %rem3A_1994, %lt3A_1997 : i32
      %lt3A_1999 = arith.constant 0 : i32
      %lt3A_2000 = arith.cmpi slt, %select_n3A_1993, %lt3A_1999 : i32
      %ne3A_2001 = arith.xori %lt3A_1998, %lt3A_2000 : i1
      %and3A_2002 = arith.andi %ne3A_2001, %ne3A_1996 : i1
      %add3A_2003 = arith.addi %rem3A_1994, %select_n3A_1993 : i32
      %select_n3A_2004 = arith.select %and3A_2002, %add3A_2003, %rem3A_1994 : i32
      %mul3A_2005 = arith.constant 40 : i32
      %mul3A_2006 = arith.muli %select_n3A_2004, %mul3A_2005 : i32
      %dma_start3A_2007 = arith.constant 5 : i32
      %dma_start3A_2008 = arith.constant 5 : i32
      %dma_start3A_2009 = arith.constant 0 : i32
      %dma_start3A_2010 = arith.constant 0 : i32
      %dma_start3A_2011 = tpu.memref_slice %arg6[%dma_start3A_2007, %dma_start3A_2009, %dma_start3A_2010] : memref<8x40x128xf32, #tpu.memory_space<vmem>> -> memref<1x40x128xf32, #tpu.memory_space<vmem>>
      %dma_start3A_2012 = tpu.memref_squeeze %dma_start3A_2011 : memref<1x40x128xf32, #tpu.memory_space<vmem>> -> memref<40x128xf32, #tpu.memory_space<vmem>>
      %dma_start3A_2013 = tpu.memref_slice %arg5[%select_n3A_1988, %mul3A_2006] : memref<128x200xi32, #tpu.memory_space<vmem>> -> memref<1x40xi32, #tpu.memory_space<vmem>>
      %dma_start3A_2014 = tpu.memref_squeeze %dma_start3A_2013 : memref<1x40xi32, #tpu.memory_space<vmem>> -> memref<40xi32, #tpu.memory_space<vmem>>
      %dma_start3A_2015 = arith.constant 0 : i32
      %dma_start3A_2016 = arith.constant 0 : i32
      %dma_start3A_2017 = tpu.memref_slice %arg3[%dma_start3A_2015, %dma_start3A_2016] : memref<1000000x128xf32, #tpu.memory_space<hbm>> -> memref<1000000x128xf32, #tpu.memory_space<hbm>>
      %dma_start3A_2018 = tpu.memref_slice %arg7[%dma_start3A_2008] : memref<8x!tpu.dma_semaphore, #tpu.memory_space<semaphore_mem>> -> memref<1x!tpu.dma_semaphore, #tpu.memory_space<semaphore_mem>>
      %dma_start3A_2019 = tpu.memref_squeeze %dma_start3A_2018 : memref<1x!tpu.dma_semaphore, #tpu.memory_space<semaphore_mem>> -> memref<!tpu.dma_semaphore, #tpu.memory_space<semaphore_mem>>
      tpu.enqueue_indirect_dma source(%dma_start3A_2017 : memref<1000000x128xf32, #tpu.memory_space<hbm>>) target(%dma_start3A_2012 : memref<40x128xf32, #tpu.memory_space<vmem>>) offsets(%dma_start3A_2014 : memref<40xi32, #tpu.memory_space<vmem>>) semaphore(%dma_start3A_2019 : memref<!tpu.dma_semaphore, #tpu.memory_space<semaphore_mem>>)
      %mul3A_2020 = arith.constant 8 : i32
      %mul3A_2021 = arith.muli %add3A_601, %mul3A_2020 : i32
      %add3A_2022 = arith.constant 6 : i32
      %add3A_2023 = arith.addi %mul3A_2021, %add3A_2022 : i32
      %jit3A_2024 = arith.constant 5 : i32
      %div3A_2025 = arith.divsi %add3A_2023, %jit3A_2024 : i32
      %sign3A_2026 = arith.constant 0 : i32
      %sign3A_2027 = arith.cmpi sgt, %add3A_2023, %sign3A_2026 : i32
      %sign3A_2028 = arith.extui %sign3A_2027 : i1 to i32
      %sign3A_2029 = arith.constant 0 : i32
      %sign3A_2030 = arith.cmpi slt, %add3A_2023, %sign3A_2029 : i32
      %sign3A_2031 = arith.extui %sign3A_2030 : i1 to i32
      %sign3A_2032 = arith.subi %sign3A_2028, %sign3A_2031 : i32
      %sign3A_2033 = arith.constant 0 : i32
      %sign3A_2034 = arith.cmpi sgt, %jit3A_2024, %sign3A_2033 : i32
      %sign3A_2035 = arith.extui %sign3A_2034 : i1 to i32
      %sign3A_2036 = arith.constant 0 : i32
      %sign3A_2037 = arith.cmpi slt, %jit3A_2024, %sign3A_2036 : i32
      %sign3A_2038 = arith.extui %sign3A_2037 : i1 to i32
      %sign3A_2039 = arith.subi %sign3A_2035, %sign3A_2038 : i32
      %ne3A_2040 = arith.cmpi ne, %sign3A_2032, %sign3A_2039 : i32
      %rem3A_2041 = arith.remsi %add3A_2023, %jit3A_2024 : i32
      %ne3A_2042 = arith.constant 0 : i32
      %ne3A_2043 = arith.cmpi ne, %rem3A_2041, %ne3A_2042 : i32
      %and3A_2044 = arith.andi %ne3A_2040, %ne3A_2043 : i1
      %sub3A_2045 = arith.constant 1 : i32
      %sub3A_2046 = arith.subi %div3A_2025, %sub3A_2045 : i32
      %select_n3A_2047 = arith.select %and3A_2044, %sub3A_2046, %div3A_2025 : i32
      %jit3A_2048 = arith.constant 5 : i32
      %eq3A_2049 = arith.constant 0 : i32
      %eq3A_2050 = arith.cmpi eq, %jit3A_2048, %eq3A_2049 : i32
      %jit3A_2051 = arith.constant 1 : i32
      %select_n3A_2052 = arith.select %eq3A_2050, %jit3A_2051, %jit3A_2048 : i32
      %rem3A_2053 = arith.remsi %add3A_2023, %select_n3A_2052 : i32
      %ne3A_2054 = arith.constant 0 : i32
      %ne3A_2055 = arith.cmpi ne, %rem3A_2053, %ne3A_2054 : i32
      %lt3A_2056 = arith.constant 0 : i32
      %lt3A_2057 = arith.cmpi slt, %rem3A_2053, %lt3A_2056 : i32
      %lt3A_2058 = arith.constant 0 : i32
      %lt3A_2059 = arith.cmpi slt, %select_n3A_2052, %lt3A_2058 : i32
      %ne3A_2060 = arith.xori %lt3A_2057, %lt3A_2059 : i1
      %and3A_2061 = arith.andi %ne3A_2060, %ne3A_2055 : i1
      %add3A_2062 = arith.addi %rem3A_2053, %select_n3A_2052 : i32
      %select_n3A_2063 = arith.select %and3A_2061, %add3A_2062, %rem3A_2053 : i32
      %mul3A_2064 = arith.constant 40 : i32
      %mul3A_2065 = arith.muli %select_n3A_2063, %mul3A_2064 : i32
      %dma_wait3A_2066 = arith.constant 6 : i32
      %dma_wait3A_2067 = arith.constant 6 : i32
      %dma_wait3A_2068 = arith.constant 0 : i32
      %dma_wait3A_2069 = arith.constant 0 : i32
      %dma_wait3A_2070 = tpu.memref_slice %arg6[%dma_wait3A_2066, %dma_wait3A_2068, %dma_wait3A_2069] : memref<8x40x128xf32, #tpu.memory_space<vmem>> -> memref<1x40x128xf32, #tpu.memory_space<vmem>>
      %dma_wait3A_2071 = tpu.memref_squeeze %dma_wait3A_2070 : memref<1x40x128xf32, #tpu.memory_space<vmem>> -> memref<40x128xf32, #tpu.memory_space<vmem>>
      %dma_wait3A_2072 = tpu.memref_slice %arg5[%select_n3A_2047, %mul3A_2065] : memref<128x200xi32, #tpu.memory_space<vmem>> -> memref<1x40xi32, #tpu.memory_space<vmem>>
      %dma_wait3A_2073 = tpu.memref_squeeze %dma_wait3A_2072 : memref<1x40xi32, #tpu.memory_space<vmem>> -> memref<40xi32, #tpu.memory_space<vmem>>
      %dma_wait3A_2074 = arith.constant 0 : i32
      %dma_wait3A_2075 = arith.constant 0 : i32
      %dma_wait3A_2076 = tpu.memref_slice %arg3[%dma_wait3A_2074, %dma_wait3A_2075] : memref<1000000x128xf32, #tpu.memory_space<hbm>> -> memref<1000000x128xf32, #tpu.memory_space<hbm>>
      %dma_wait3A_2077 = tpu.memref_slice %arg7[%dma_wait3A_2067] : memref<8x!tpu.dma_semaphore, #tpu.memory_space<semaphore_mem>> -> memref<1x!tpu.dma_semaphore, #tpu.memory_space<semaphore_mem>>
      %dma_wait3A_2078 = tpu.memref_squeeze %dma_wait3A_2077 : memref<1x!tpu.dma_semaphore, #tpu.memory_space<semaphore_mem>> -> memref<!tpu.dma_semaphore, #tpu.memory_space<semaphore_mem>>
      tpu.wait_indirect_dma semaphore(%dma_wait3A_2078 : memref<!tpu.dma_semaphore, #tpu.memory_space<semaphore_mem>>) src(%dma_wait3A_2076 : memref<1000000x128xf32, #tpu.memory_space<hbm>>) dst(%dma_wait3A_2071 : memref<40x128xf32, #tpu.memory_space<vmem>>)
      %jit3A_2079 = arith.constant 5 : i32
      %div3A_2080 = arith.divsi %add3A_2023, %jit3A_2079 : i32
      %sign3A_2081 = arith.constant 0 : i32
      %sign3A_2082 = arith.cmpi sgt, %add3A_2023, %sign3A_2081 : i32
      %sign3A_2083 = arith.extui %sign3A_2082 : i1 to i32
      %sign3A_2084 = arith.constant 0 : i32
      %sign3A_2085 = arith.cmpi slt, %add3A_2023, %sign3A_2084 : i32
      %sign3A_2086 = arith.extui %sign3A_2085 : i1 to i32
      %sign3A_2087 = arith.subi %sign3A_2083, %sign3A_2086 : i32
      %sign3A_2088 = arith.constant 0 : i32
      %sign3A_2089 = arith.cmpi sgt, %jit3A_2079, %sign3A_2088 : i32
      %sign3A_2090 = arith.extui %sign3A_2089 : i1 to i32
      %sign3A_2091 = arith.constant 0 : i32
      %sign3A_2092 = arith.cmpi slt, %jit3A_2079, %sign3A_2091 : i32
      %sign3A_2093 = arith.extui %sign3A_2092 : i1 to i32
      %sign3A_2094 = arith.subi %sign3A_2090, %sign3A_2093 : i32
      %ne3A_2095 = arith.cmpi ne, %sign3A_2087, %sign3A_2094 : i32
      %rem3A_2096 = arith.remsi %add3A_2023, %jit3A_2079 : i32
      %ne3A_2097 = arith.constant 0 : i32
      %ne3A_2098 = arith.cmpi ne, %rem3A_2096, %ne3A_2097 : i32
      %and3A_2099 = arith.andi %ne3A_2095, %ne3A_2098 : i1
      %sub3A_2100 = arith.constant 1 : i32
      %sub3A_2101 = arith.subi %div3A_2080, %sub3A_2100 : i32
      %select_n3A_2102 = arith.select %and3A_2099, %sub3A_2101, %div3A_2080 : i32
      %jit3A_2103 = arith.constant 5 : i32
      %eq3A_2104 = arith.constant 0 : i32
      %eq3A_2105 = arith.cmpi eq, %jit3A_2103, %eq3A_2104 : i32
      %jit3A_2106 = arith.constant 1 : i32
      %select_n3A_2107 = arith.select %eq3A_2105, %jit3A_2106, %jit3A_2103 : i32
      %rem3A_2108 = arith.remsi %add3A_2023, %select_n3A_2107 : i32
      %ne3A_2109 = arith.constant 0 : i32
      %ne3A_2110 = arith.cmpi ne, %rem3A_2108, %ne3A_2109 : i32
      %lt3A_2111 = arith.constant 0 : i32
      %lt3A_2112 = arith.cmpi slt, %rem3A_2108, %lt3A_2111 : i32
      %lt3A_2113 = arith.constant 0 : i32
      %lt3A_2114 = arith.cmpi slt, %select_n3A_2107, %lt3A_2113 : i32
      %ne3A_2115 = arith.xori %lt3A_2112, %lt3A_2114 : i1
      %and3A_2116 = arith.andi %ne3A_2115, %ne3A_2110 : i1
      %add3A_2117 = arith.addi %rem3A_2108, %select_n3A_2107 : i32
      %select_n3A_2118 = arith.select %and3A_2116, %add3A_2117, %rem3A_2108 : i32
      %add3A_2119 = arith.addi %mul3A_2, %select_n3A_2102 : i32
      %mul3A_2120 = arith.constant 40 : i32
      %mul3A_2121 = arith.muli %select_n3A_2118, %mul3A_2120 : i32
      %dma_start3A_2122 = arith.constant 6 : i32
      %dma_start3A_2123 = arith.constant 6 : i32
      %dma_start3A_2124 = arith.constant 0 : i32
      %dma_start3A_2125 = arith.constant 0 : i32
      %dma_start3A_2126 = tpu.memref_slice %arg6[%dma_start3A_2122, %dma_start3A_2124, %dma_start3A_2125] : memref<8x40x128xf32, #tpu.memory_space<vmem>> -> memref<1x40x64xf32, #tpu.memory_space<vmem>>
      %dma_start3A_2127 = tpu.memref_squeeze %dma_start3A_2126 : memref<1x40x64xf32, #tpu.memory_space<vmem>> -> memref<40x64xf32, #tpu.memory_space<vmem>>
      %dma_start3A_2128 = arith.constant 0 : i32
      %dma_start3A_2129 = tpu.memref_slice %arg4[%add3A_2119, %mul3A_2121, %dma_start3A_2128] : memref<4096x200x128xf32, #tpu.memory_space<hbm>> -> memref<1x40x64xf32, #tpu.memory_space<hbm>>
      %dma_start3A_2130 = tpu.memref_squeeze %dma_start3A_2129 : memref<1x40x64xf32, #tpu.memory_space<hbm>> -> memref<40x64xf32, #tpu.memory_space<hbm>>
      %dma_start3A_2131 = tpu.memref_slice %arg8[%dma_start3A_2123] : memref<8x!tpu.dma_semaphore, #tpu.memory_space<semaphore_mem>> -> memref<1x!tpu.dma_semaphore, #tpu.memory_space<semaphore_mem>>
      %dma_start3A_2132 = tpu.memref_squeeze %dma_start3A_2131 : memref<1x!tpu.dma_semaphore, #tpu.memory_space<semaphore_mem>> -> memref<!tpu.dma_semaphore, #tpu.memory_space<semaphore_mem>>
      %dma_start3A_2133 = arith.constant 0 : i32
      %dma_start3A_2134 = tpu.memref_slice %arg4[%add3A_2119, %mul3A_2121, %dma_start3A_2133] : memref<4096x200x128xf32, #tpu.memory_space<hbm>> -> memref<1x40x64xf32, #tpu.memory_space<hbm>>
      %dma_start3A_2135 = tpu.memref_squeeze %dma_start3A_2134 : memref<1x40x64xf32, #tpu.memory_space<hbm>> -> memref<40x64xf32, #tpu.memory_space<hbm>>
      %dma_start3A_2136 = arith.constant 0 : i32
      %dma_start3A_2137 = arith.constant 0 : i32
      %dma_start3A_2138 = tpu.memref_slice %arg6[%dma_start3A_2122, %dma_start3A_2136, %dma_start3A_2137] : memref<8x40x128xf32, #tpu.memory_space<vmem>> -> memref<1x40x64xf32, #tpu.memory_space<vmem>>
      %dma_start3A_2139 = tpu.memref_squeeze %dma_start3A_2138 : memref<1x40x64xf32, #tpu.memory_space<vmem>> -> memref<40x64xf32, #tpu.memory_space<vmem>>
      tpu.enqueue_dma source(%dma_start3A_2139 : memref<40x64xf32, #tpu.memory_space<vmem>>) target(%dma_start3A_2135 : memref<40x64xf32, #tpu.memory_space<hbm>>) target_semaphore(%dma_start3A_2132 : memref<!tpu.dma_semaphore, #tpu.memory_space<semaphore_mem>>)
      %jit3A_2140 = arith.constant 5 : i32
      %div3A_2141 = arith.divsi %add3A_2023, %jit3A_2140 : i32
      %sign3A_2142 = arith.constant 0 : i32
      %sign3A_2143 = arith.cmpi sgt, %add3A_2023, %sign3A_2142 : i32
      %sign3A_2144 = arith.extui %sign3A_2143 : i1 to i32
      %sign3A_2145 = arith.constant 0 : i32
      %sign3A_2146 = arith.cmpi slt, %add3A_2023, %sign3A_2145 : i32
      %sign3A_2147 = arith.extui %sign3A_2146 : i1 to i32
      %sign3A_2148 = arith.subi %sign3A_2144, %sign3A_2147 : i32
      %sign3A_2149 = arith.constant 0 : i32
      %sign3A_2150 = arith.cmpi sgt, %jit3A_2140, %sign3A_2149 : i32
      %sign3A_2151 = arith.extui %sign3A_2150 : i1 to i32
      %sign3A_2152 = arith.constant 0 : i32
      %sign3A_2153 = arith.cmpi slt, %jit3A_2140, %sign3A_2152 : i32
      %sign3A_2154 = arith.extui %sign3A_2153 : i1 to i32
      %sign3A_2155 = arith.subi %sign3A_2151, %sign3A_2154 : i32
      %ne3A_2156 = arith.cmpi ne, %sign3A_2148, %sign3A_2155 : i32
      %rem3A_2157 = arith.remsi %add3A_2023, %jit3A_2140 : i32
      %ne3A_2158 = arith.constant 0 : i32
      %ne3A_2159 = arith.cmpi ne, %rem3A_2157, %ne3A_2158 : i32
      %and3A_2160 = arith.andi %ne3A_2156, %ne3A_2159 : i1
      %sub3A_2161 = arith.constant 1 : i32
      %sub3A_2162 = arith.subi %div3A_2141, %sub3A_2161 : i32
      %select_n3A_2163 = arith.select %and3A_2160, %sub3A_2162, %div3A_2141 : i32
      %jit3A_2164 = arith.constant 5 : i32
      %eq3A_2165 = arith.constant 0 : i32
      %eq3A_2166 = arith.cmpi eq, %jit3A_2164, %eq3A_2165 : i32
      %jit3A_2167 = arith.constant 1 : i32
      %select_n3A_2168 = arith.select %eq3A_2166, %jit3A_2167, %jit3A_2164 : i32
      %rem3A_2169 = arith.remsi %add3A_2023, %select_n3A_2168 : i32
      %ne3A_2170 = arith.constant 0 : i32
      %ne3A_2171 = arith.cmpi ne, %rem3A_2169, %ne3A_2170 : i32
      %lt3A_2172 = arith.constant 0 : i32
      %lt3A_2173 = arith.cmpi slt, %rem3A_2169, %lt3A_2172 : i32
      %lt3A_2174 = arith.constant 0 : i32
      %lt3A_2175 = arith.cmpi slt, %select_n3A_2168, %lt3A_2174 : i32
      %ne3A_2176 = arith.xori %lt3A_2173, %lt3A_2175 : i1
      %and3A_2177 = arith.andi %ne3A_2176, %ne3A_2171 : i1
      %add3A_2178 = arith.addi %rem3A_2169, %select_n3A_2168 : i32
      %select_n3A_2179 = arith.select %and3A_2177, %add3A_2178, %rem3A_2169 : i32
      %add3A_2180 = arith.addi %mul3A_2, %select_n3A_2163 : i32
      %mul3A_2181 = arith.constant 40 : i32
      %mul3A_2182 = arith.muli %select_n3A_2179, %mul3A_2181 : i32
      %dma_wait3A_2183 = arith.constant 6 : i32
      %dma_wait3A_2184 = arith.constant 6 : i32
      %dma_wait3A_2185 = arith.constant 0 : i32
      %dma_wait3A_2186 = arith.constant 0 : i32
      %dma_wait3A_2187 = tpu.memref_slice %arg6[%dma_wait3A_2183, %dma_wait3A_2185, %dma_wait3A_2186] : memref<8x40x128xf32, #tpu.memory_space<vmem>> -> memref<1x40x64xf32, #tpu.memory_space<vmem>>
      %dma_wait3A_2188 = tpu.memref_squeeze %dma_wait3A_2187 : memref<1x40x64xf32, #tpu.memory_space<vmem>> -> memref<40x64xf32, #tpu.memory_space<vmem>>
      %dma_wait3A_2189 = arith.constant 0 : i32
      %dma_wait3A_2190 = tpu.memref_slice %arg4[%add3A_2180, %mul3A_2182, %dma_wait3A_2189] : memref<4096x200x128xf32, #tpu.memory_space<hbm>> -> memref<1x40x64xf32, #tpu.memory_space<hbm>>
      %dma_wait3A_2191 = tpu.memref_squeeze %dma_wait3A_2190 : memref<1x40x64xf32, #tpu.memory_space<hbm>> -> memref<40x64xf32, #tpu.memory_space<hbm>>
      %dma_wait3A_2192 = tpu.memref_slice %arg8[%dma_wait3A_2184] : memref<8x!tpu.dma_semaphore, #tpu.memory_space<semaphore_mem>> -> memref<1x!tpu.dma_semaphore, #tpu.memory_space<semaphore_mem>>
      %dma_wait3A_2193 = tpu.memref_squeeze %dma_wait3A_2192 : memref<1x!tpu.dma_semaphore, #tpu.memory_space<semaphore_mem>> -> memref<!tpu.dma_semaphore, #tpu.memory_space<semaphore_mem>>
      %dma_wait3A_2194 = arith.constant 0 : i32
      %dma_wait3A_2195 = tpu.memref_slice %arg4[%add3A_2180, %mul3A_2182, %dma_wait3A_2194] : memref<4096x200x128xf32, #tpu.memory_space<hbm>> -> memref<1x40x64xf32, #tpu.memory_space<hbm>>
      %dma_wait3A_2196 = tpu.memref_squeeze %dma_wait3A_2195 : memref<1x40x64xf32, #tpu.memory_space<hbm>> -> memref<40x64xf32, #tpu.memory_space<hbm>>
      %dma_wait3A_2197 = arith.constant 0 : i32
      %dma_wait3A_2198 = arith.constant 0 : i32
      %dma_wait3A_2199 = tpu.memref_slice %arg6[%dma_wait3A_2183, %dma_wait3A_2197, %dma_wait3A_2198] : memref<8x40x128xf32, #tpu.memory_space<vmem>> -> memref<1x40x64xf32, #tpu.memory_space<vmem>>
      %dma_wait3A_2200 = tpu.memref_squeeze %dma_wait3A_2199 : memref<1x40x64xf32, #tpu.memory_space<vmem>> -> memref<40x64xf32, #tpu.memory_space<vmem>>
      tpu.wait_dma2 semaphore(%dma_wait3A_2193 : memref<!tpu.dma_semaphore, #tpu.memory_space<semaphore_mem>>) src(%dma_wait3A_2200 : memref<40x64xf32, #tpu.memory_space<vmem>>) dst(%dma_wait3A_2196 : memref<40x64xf32, #tpu.memory_space<hbm>>)
      %add3A_2201 = arith.constant 8 : i32
      %add3A_2202 = arith.addi %add3A_2023, %add3A_2201 : i32
      %jit3A_2203 = arith.constant 5 : i32
      %div3A_2204 = arith.divsi %add3A_2202, %jit3A_2203 : i32
      %sign3A_2205 = arith.constant 0 : i32
      %sign3A_2206 = arith.cmpi sgt, %add3A_2202, %sign3A_2205 : i32
      %sign3A_2207 = arith.extui %sign3A_2206 : i1 to i32
      %sign3A_2208 = arith.constant 0 : i32
      %sign3A_2209 = arith.cmpi slt, %add3A_2202, %sign3A_2208 : i32
      %sign3A_2210 = arith.extui %sign3A_2209 : i1 to i32
      %sign3A_2211 = arith.subi %sign3A_2207, %sign3A_2210 : i32
      %sign3A_2212 = arith.constant 0 : i32
      %sign3A_2213 = arith.cmpi sgt, %jit3A_2203, %sign3A_2212 : i32
      %sign3A_2214 = arith.extui %sign3A_2213 : i1 to i32
      %sign3A_2215 = arith.constant 0 : i32
      %sign3A_2216 = arith.cmpi slt, %jit3A_2203, %sign3A_2215 : i32
      %sign3A_2217 = arith.extui %sign3A_2216 : i1 to i32
      %sign3A_2218 = arith.subi %sign3A_2214, %sign3A_2217 : i32
      %ne3A_2219 = arith.cmpi ne, %sign3A_2211, %sign3A_2218 : i32
      %rem3A_2220 = arith.remsi %add3A_2202, %jit3A_2203 : i32
      %ne3A_2221 = arith.constant 0 : i32
      %ne3A_2222 = arith.cmpi ne, %rem3A_2220, %ne3A_2221 : i32
      %and3A_2223 = arith.andi %ne3A_2219, %ne3A_2222 : i1
      %sub3A_2224 = arith.constant 1 : i32
      %sub3A_2225 = arith.subi %div3A_2204, %sub3A_2224 : i32
      %select_n3A_2226 = arith.select %and3A_2223, %sub3A_2225, %div3A_2204 : i32
      %jit3A_2227 = arith.constant 5 : i32
      %eq3A_2228 = arith.constant 0 : i32
      %eq3A_2229 = arith.cmpi eq, %jit3A_2227, %eq3A_2228 : i32
      %jit3A_2230 = arith.constant 1 : i32
      %select_n3A_2231 = arith.select %eq3A_2229, %jit3A_2230, %jit3A_2227 : i32
      %rem3A_2232 = arith.remsi %add3A_2202, %select_n3A_2231 : i32
      %ne3A_2233 = arith.constant 0 : i32
      %ne3A_2234 = arith.cmpi ne, %rem3A_2232, %ne3A_2233 : i32
      %lt3A_2235 = arith.constant 0 : i32
      %lt3A_2236 = arith.cmpi slt, %rem3A_2232, %lt3A_2235 : i32
      %lt3A_2237 = arith.constant 0 : i32
      %lt3A_2238 = arith.cmpi slt, %select_n3A_2231, %lt3A_2237 : i32
      %ne3A_2239 = arith.xori %lt3A_2236, %lt3A_2238 : i1
      %and3A_2240 = arith.andi %ne3A_2239, %ne3A_2234 : i1
      %add3A_2241 = arith.addi %rem3A_2232, %select_n3A_2231 : i32
      %select_n3A_2242 = arith.select %and3A_2240, %add3A_2241, %rem3A_2232 : i32
      %mul3A_2243 = arith.constant 40 : i32
      %mul3A_2244 = arith.muli %select_n3A_2242, %mul3A_2243 : i32
      %dma_start3A_2245 = arith.constant 6 : i32
      %dma_start3A_2246 = arith.constant 6 : i32
      %dma_start3A_2247 = arith.constant 0 : i32
      %dma_start3A_2248 = arith.constant 0 : i32
      %dma_start3A_2249 = tpu.memref_slice %arg6[%dma_start3A_2245, %dma_start3A_2247, %dma_start3A_2248] : memref<8x40x128xf32, #tpu.memory_space<vmem>> -> memref<1x40x128xf32, #tpu.memory_space<vmem>>
      %dma_start3A_2250 = tpu.memref_squeeze %dma_start3A_2249 : memref<1x40x128xf32, #tpu.memory_space<vmem>> -> memref<40x128xf32, #tpu.memory_space<vmem>>
      %dma_start3A_2251 = tpu.memref_slice %arg5[%select_n3A_2226, %mul3A_2244] : memref<128x200xi32, #tpu.memory_space<vmem>> -> memref<1x40xi32, #tpu.memory_space<vmem>>
      %dma_start3A_2252 = tpu.memref_squeeze %dma_start3A_2251 : memref<1x40xi32, #tpu.memory_space<vmem>> -> memref<40xi32, #tpu.memory_space<vmem>>
      %dma_start3A_2253 = arith.constant 0 : i32
      %dma_start3A_2254 = arith.constant 0 : i32
      %dma_start3A_2255 = tpu.memref_slice %arg3[%dma_start3A_2253, %dma_start3A_2254] : memref<1000000x128xf32, #tpu.memory_space<hbm>> -> memref<1000000x128xf32, #tpu.memory_space<hbm>>
      %dma_start3A_2256 = tpu.memref_slice %arg7[%dma_start3A_2246] : memref<8x!tpu.dma_semaphore, #tpu.memory_space<semaphore_mem>> -> memref<1x!tpu.dma_semaphore, #tpu.memory_space<semaphore_mem>>
      %dma_start3A_2257 = tpu.memref_squeeze %dma_start3A_2256 : memref<1x!tpu.dma_semaphore, #tpu.memory_space<semaphore_mem>> -> memref<!tpu.dma_semaphore, #tpu.memory_space<semaphore_mem>>
      tpu.enqueue_indirect_dma source(%dma_start3A_2255 : memref<1000000x128xf32, #tpu.memory_space<hbm>>) target(%dma_start3A_2250 : memref<40x128xf32, #tpu.memory_space<vmem>>) offsets(%dma_start3A_2252 : memref<40xi32, #tpu.memory_space<vmem>>) semaphore(%dma_start3A_2257 : memref<!tpu.dma_semaphore, #tpu.memory_space<semaphore_mem>>)
      %mul3A_2258 = arith.constant 8 : i32
      %mul3A_2259 = arith.muli %add3A_601, %mul3A_2258 : i32
      %add3A_2260 = arith.constant 7 : i32
      %add3A_2261 = arith.addi %mul3A_2259, %add3A_2260 : i32
      %jit3A_2262 = arith.constant 5 : i32
      %div3A_2263 = arith.divsi %add3A_2261, %jit3A_2262 : i32
      %sign3A_2264 = arith.constant 0 : i32
      %sign3A_2265 = arith.cmpi sgt, %add3A_2261, %sign3A_2264 : i32
      %sign3A_2266 = arith.extui %sign3A_2265 : i1 to i32
      %sign3A_2267 = arith.constant 0 : i32
      %sign3A_2268 = arith.cmpi slt, %add3A_2261, %sign3A_2267 : i32
      %sign3A_2269 = arith.extui %sign3A_2268 : i1 to i32
      %sign3A_2270 = arith.subi %sign3A_2266, %sign3A_2269 : i32
      %sign3A_2271 = arith.constant 0 : i32
      %sign3A_2272 = arith.cmpi sgt, %jit3A_2262, %sign3A_2271 : i32
      %sign3A_2273 = arith.extui %sign3A_2272 : i1 to i32
      %sign3A_2274 = arith.constant 0 : i32
      %sign3A_2275 = arith.cmpi slt, %jit3A_2262, %sign3A_2274 : i32
      %sign3A_2276 = arith.extui %sign3A_2275 : i1 to i32
      %sign3A_2277 = arith.subi %sign3A_2273, %sign3A_2276 : i32
      %ne3A_2278 = arith.cmpi ne, %sign3A_2270, %sign3A_2277 : i32
      %rem3A_2279 = arith.remsi %add3A_2261, %jit3A_2262 : i32
      %ne3A_2280 = arith.constant 0 : i32
      %ne3A_2281 = arith.cmpi ne, %rem3A_2279, %ne3A_2280 : i32
      %and3A_2282 = arith.andi %ne3A_2278, %ne3A_2281 : i1
      %sub3A_2283 = arith.constant 1 : i32
      %sub3A_2284 = arith.subi %div3A_2263, %sub3A_2283 : i32
      %select_n3A_2285 = arith.select %and3A_2282, %sub3A_2284, %div3A_2263 : i32
      %jit3A_2286 = arith.constant 5 : i32
      %eq3A_2287 = arith.constant 0 : i32
      %eq3A_2288 = arith.cmpi eq, %jit3A_2286, %eq3A_2287 : i32
      %jit3A_2289 = arith.constant 1 : i32
      %select_n3A_2290 = arith.select %eq3A_2288, %jit3A_2289, %jit3A_2286 : i32
      %rem3A_2291 = arith.remsi %add3A_2261, %select_n3A_2290 : i32
      %ne3A_2292 = arith.constant 0 : i32
      %ne3A_2293 = arith.cmpi ne, %rem3A_2291, %ne3A_2292 : i32
      %lt3A_2294 = arith.constant 0 : i32
      %lt3A_2295 = arith.cmpi slt, %rem3A_2291, %lt3A_2294 : i32
      %lt3A_2296 = arith.constant 0 : i32
      %lt3A_2297 = arith.cmpi slt, %select_n3A_2290, %lt3A_2296 : i32
      %ne3A_2298 = arith.xori %lt3A_2295, %lt3A_2297 : i1
      %and3A_2299 = arith.andi %ne3A_2298, %ne3A_2293 : i1
      %add3A_2300 = arith.addi %rem3A_2291, %select_n3A_2290 : i32
      %select_n3A_2301 = arith.select %and3A_2299, %add3A_2300, %rem3A_2291 : i32
      %mul3A_2302 = arith.constant 40 : i32
      %mul3A_2303 = arith.muli %select_n3A_2301, %mul3A_2302 : i32
      %dma_wait3A_2304 = arith.constant 7 : i32
      %dma_wait3A_2305 = arith.constant 7 : i32
      %dma_wait3A_2306 = arith.constant 0 : i32
      %dma_wait3A_2307 = arith.constant 0 : i32
      %dma_wait3A_2308 = tpu.memref_slice %arg6[%dma_wait3A_2304, %dma_wait3A_2306, %dma_wait3A_2307] : memref<8x40x128xf32, #tpu.memory_space<vmem>> -> memref<1x40x128xf32, #tpu.memory_space<vmem>>
      %dma_wait3A_2309 = tpu.memref_squeeze %dma_wait3A_2308 : memref<1x40x128xf32, #tpu.memory_space<vmem>> -> memref<40x128xf32, #tpu.memory_space<vmem>>
      %dma_wait3A_2310 = tpu.memref_slice %arg5[%select_n3A_2285, %mul3A_2303] : memref<128x200xi32, #tpu.memory_space<vmem>> -> memref<1x40xi32, #tpu.memory_space<vmem>>
      %dma_wait3A_2311 = tpu.memref_squeeze %dma_wait3A_2310 : memref<1x40xi32, #tpu.memory_space<vmem>> -> memref<40xi32, #tpu.memory_space<vmem>>
      %dma_wait3A_2312 = arith.constant 0 : i32
      %dma_wait3A_2313 = arith.constant 0 : i32
      %dma_wait3A_2314 = tpu.memref_slice %arg3[%dma_wait3A_2312, %dma_wait3A_2313] : memref<1000000x128xf32, #tpu.memory_space<hbm>> -> memref<1000000x128xf32, #tpu.memory_space<hbm>>
      %dma_wait3A_2315 = tpu.memref_slice %arg7[%dma_wait3A_2305] : memref<8x!tpu.dma_semaphore, #tpu.memory_space<semaphore_mem>> -> memref<1x!tpu.dma_semaphore, #tpu.memory_space<semaphore_mem>>
      %dma_wait3A_2316 = tpu.memref_squeeze %dma_wait3A_2315 : memref<1x!tpu.dma_semaphore, #tpu.memory_space<semaphore_mem>> -> memref<!tpu.dma_semaphore, #tpu.memory_space<semaphore_mem>>
      tpu.wait_indirect_dma semaphore(%dma_wait3A_2316 : memref<!tpu.dma_semaphore, #tpu.memory_space<semaphore_mem>>) src(%dma_wait3A_2314 : memref<1000000x128xf32, #tpu.memory_space<hbm>>) dst(%dma_wait3A_2309 : memref<40x128xf32, #tpu.memory_space<vmem>>)
      %jit3A_2317 = arith.constant 5 : i32
      %div3A_2318 = arith.divsi %add3A_2261, %jit3A_2317 : i32
      %sign3A_2319 = arith.constant 0 : i32
      %sign3A_2320 = arith.cmpi sgt, %add3A_2261, %sign3A_2319 : i32
      %sign3A_2321 = arith.extui %sign3A_2320 : i1 to i32
      %sign3A_2322 = arith.constant 0 : i32
      %sign3A_2323 = arith.cmpi slt, %add3A_2261, %sign3A_2322 : i32
      %sign3A_2324 = arith.extui %sign3A_2323 : i1 to i32
      %sign3A_2325 = arith.subi %sign3A_2321, %sign3A_2324 : i32
      %sign3A_2326 = arith.constant 0 : i32
      %sign3A_2327 = arith.cmpi sgt, %jit3A_2317, %sign3A_2326 : i32
      %sign3A_2328 = arith.extui %sign3A_2327 : i1 to i32
      %sign3A_2329 = arith.constant 0 : i32
      %sign3A_2330 = arith.cmpi slt, %jit3A_2317, %sign3A_2329 : i32
      %sign3A_2331 = arith.extui %sign3A_2330 : i1 to i32
      %sign3A_2332 = arith.subi %sign3A_2328, %sign3A_2331 : i32
      %ne3A_2333 = arith.cmpi ne, %sign3A_2325, %sign3A_2332 : i32
      %rem3A_2334 = arith.remsi %add3A_2261, %jit3A_2317 : i32
      %ne3A_2335 = arith.constant 0 : i32
      %ne3A_2336 = arith.cmpi ne, %rem3A_2334, %ne3A_2335 : i32
      %and3A_2337 = arith.andi %ne3A_2333, %ne3A_2336 : i1
      %sub3A_2338 = arith.constant 1 : i32
      %sub3A_2339 = arith.subi %div3A_2318, %sub3A_2338 : i32
      %select_n3A_2340 = arith.select %and3A_2337, %sub3A_2339, %div3A_2318 : i32
      %jit3A_2341 = arith.constant 5 : i32
      %eq3A_2342 = arith.constant 0 : i32
      %eq3A_2343 = arith.cmpi eq, %jit3A_2341, %eq3A_2342 : i32
      %jit3A_2344 = arith.constant 1 : i32
      %select_n3A_2345 = arith.select %eq3A_2343, %jit3A_2344, %jit3A_2341 : i32
      %rem3A_2346 = arith.remsi %add3A_2261, %select_n3A_2345 : i32
      %ne3A_2347 = arith.constant 0 : i32
      %ne3A_2348 = arith.cmpi ne, %rem3A_2346, %ne3A_2347 : i32
      %lt3A_2349 = arith.constant 0 : i32
      %lt3A_2350 = arith.cmpi slt, %rem3A_2346, %lt3A_2349 : i32
      %lt3A_2351 = arith.constant 0 : i32
      %lt3A_2352 = arith.cmpi slt, %select_n3A_2345, %lt3A_2351 : i32
      %ne3A_2353 = arith.xori %lt3A_2350, %lt3A_2352 : i1
      %and3A_2354 = arith.andi %ne3A_2353, %ne3A_2348 : i1
      %add3A_2355 = arith.addi %rem3A_2346, %select_n3A_2345 : i32
      %select_n3A_2356 = arith.select %and3A_2354, %add3A_2355, %rem3A_2346 : i32
      %add3A_2357 = arith.addi %mul3A_2, %select_n3A_2340 : i32
      %mul3A_2358 = arith.constant 40 : i32
      %mul3A_2359 = arith.muli %select_n3A_2356, %mul3A_2358 : i32
      %dma_start3A_2360 = arith.constant 7 : i32
      %dma_start3A_2361 = arith.constant 7 : i32
      %dma_start3A_2362 = arith.constant 0 : i32
      %dma_start3A_2363 = arith.constant 0 : i32
      %dma_start3A_2364 = tpu.memref_slice %arg6[%dma_start3A_2360, %dma_start3A_2362, %dma_start3A_2363] : memref<8x40x128xf32, #tpu.memory_space<vmem>> -> memref<1x40x64xf32, #tpu.memory_space<vmem>>
      %dma_start3A_2365 = tpu.memref_squeeze %dma_start3A_2364 : memref<1x40x64xf32, #tpu.memory_space<vmem>> -> memref<40x64xf32, #tpu.memory_space<vmem>>
      %dma_start3A_2366 = arith.constant 0 : i32
      %dma_start3A_2367 = tpu.memref_slice %arg4[%add3A_2357, %mul3A_2359, %dma_start3A_2366] : memref<4096x200x128xf32, #tpu.memory_space<hbm>> -> memref<1x40x64xf32, #tpu.memory_space<hbm>>
      %dma_start3A_2368 = tpu.memref_squeeze %dma_start3A_2367 : memref<1x40x64xf32, #tpu.memory_space<hbm>> -> memref<40x64xf32, #tpu.memory_space<hbm>>
      %dma_start3A_2369 = tpu.memref_slice %arg8[%dma_start3A_2361] : memref<8x!tpu.dma_semaphore, #tpu.memory_space<semaphore_mem>> -> memref<1x!tpu.dma_semaphore, #tpu.memory_space<semaphore_mem>>
      %dma_start3A_2370 = tpu.memref_squeeze %dma_start3A_2369 : memref<1x!tpu.dma_semaphore, #tpu.memory_space<semaphore_mem>> -> memref<!tpu.dma_semaphore, #tpu.memory_space<semaphore_mem>>
      %dma_start3A_2371 = arith.constant 0 : i32
      %dma_start3A_2372 = tpu.memref_slice %arg4[%add3A_2357, %mul3A_2359, %dma_start3A_2371] : memref<4096x200x128xf32, #tpu.memory_space<hbm>> -> memref<1x40x64xf32, #tpu.memory_space<hbm>>
      %dma_start3A_2373 = tpu.memref_squeeze %dma_start3A_2372 : memref<1x40x64xf32, #tpu.memory_space<hbm>> -> memref<40x64xf32, #tpu.memory_space<hbm>>
      %dma_start3A_2374 = arith.constant 0 : i32
      %dma_start3A_2375 = arith.constant 0 : i32
      %dma_start3A_2376 = tpu.memref_slice %arg6[%dma_start3A_2360, %dma_start3A_2374, %dma_start3A_2375] : memref<8x40x128xf32, #tpu.memory_space<vmem>> -> memref<1x40x64xf32, #tpu.memory_space<vmem>>
      %dma_start3A_2377 = tpu.memref_squeeze %dma_start3A_2376 : memref<1x40x64xf32, #tpu.memory_space<vmem>> -> memref<40x64xf32, #tpu.memory_space<vmem>>
      tpu.enqueue_dma source(%dma_start3A_2377 : memref<40x64xf32, #tpu.memory_space<vmem>>) target(%dma_start3A_2373 : memref<40x64xf32, #tpu.memory_space<hbm>>) target_semaphore(%dma_start3A_2370 : memref<!tpu.dma_semaphore, #tpu.memory_space<semaphore_mem>>)
      %jit3A_2378 = arith.constant 5 : i32
      %div3A_2379 = arith.divsi %add3A_2261, %jit3A_2378 : i32
      %sign3A_2380 = arith.constant 0 : i32
      %sign3A_2381 = arith.cmpi sgt, %add3A_2261, %sign3A_2380 : i32
      %sign3A_2382 = arith.extui %sign3A_2381 : i1 to i32
      %sign3A_2383 = arith.constant 0 : i32
      %sign3A_2384 = arith.cmpi slt, %add3A_2261, %sign3A_2383 : i32
      %sign3A_2385 = arith.extui %sign3A_2384 : i1 to i32
      %sign3A_2386 = arith.subi %sign3A_2382, %sign3A_2385 : i32
      %sign3A_2387 = arith.constant 0 : i32
      %sign3A_2388 = arith.cmpi sgt, %jit3A_2378, %sign3A_2387 : i32
      %sign3A_2389 = arith.extui %sign3A_2388 : i1 to i32
      %sign3A_2390 = arith.constant 0 : i32
      %sign3A_2391 = arith.cmpi slt, %jit3A_2378, %sign3A_2390 : i32
      %sign3A_2392 = arith.extui %sign3A_2391 : i1 to i32
      %sign3A_2393 = arith.subi %sign3A_2389, %sign3A_2392 : i32
      %ne3A_2394 = arith.cmpi ne, %sign3A_2386, %sign3A_2393 : i32
      %rem3A_2395 = arith.remsi %add3A_2261, %jit3A_2378 : i32
      %ne3A_2396 = arith.constant 0 : i32
      %ne3A_2397 = arith.cmpi ne, %rem3A_2395, %ne3A_2396 : i32
      %and3A_2398 = arith.andi %ne3A_2394, %ne3A_2397 : i1
      %sub3A_2399 = arith.constant 1 : i32
      %sub3A_2400 = arith.subi %div3A_2379, %sub3A_2399 : i32
      %select_n3A_2401 = arith.select %and3A_2398, %sub3A_2400, %div3A_2379 : i32
      %jit3A_2402 = arith.constant 5 : i32
      %eq3A_2403 = arith.constant 0 : i32
      %eq3A_2404 = arith.cmpi eq, %jit3A_2402, %eq3A_2403 : i32
      %jit3A_2405 = arith.constant 1 : i32
      %select_n3A_2406 = arith.select %eq3A_2404, %jit3A_2405, %jit3A_2402 : i32
      %rem3A_2407 = arith.remsi %add3A_2261, %select_n3A_2406 : i32
      %ne3A_2408 = arith.constant 0 : i32
      %ne3A_2409 = arith.cmpi ne, %rem3A_2407, %ne3A_2408 : i32
      %lt3A_2410 = arith.constant 0 : i32
      %lt3A_2411 = arith.cmpi slt, %rem3A_2407, %lt3A_2410 : i32
      %lt3A_2412 = arith.constant 0 : i32
      %lt3A_2413 = arith.cmpi slt, %select_n3A_2406, %lt3A_2412 : i32
      %ne3A_2414 = arith.xori %lt3A_2411, %lt3A_2413 : i1
      %and3A_2415 = arith.andi %ne3A_2414, %ne3A_2409 : i1
      %add3A_2416 = arith.addi %rem3A_2407, %select_n3A_2406 : i32
      %select_n3A_2417 = arith.select %and3A_2415, %add3A_2416, %rem3A_2407 : i32
      %add3A_2418 = arith.addi %mul3A_2, %select_n3A_2401 : i32
      %mul3A_2419 = arith.constant 40 : i32
      %mul3A_2420 = arith.muli %select_n3A_2417, %mul3A_2419 : i32
      %dma_wait3A_2421 = arith.constant 7 : i32
      %dma_wait3A_2422 = arith.constant 7 : i32
      %dma_wait3A_2423 = arith.constant 0 : i32
      %dma_wait3A_2424 = arith.constant 0 : i32
      %dma_wait3A_2425 = tpu.memref_slice %arg6[%dma_wait3A_2421, %dma_wait3A_2423, %dma_wait3A_2424] : memref<8x40x128xf32, #tpu.memory_space<vmem>> -> memref<1x40x64xf32, #tpu.memory_space<vmem>>
      %dma_wait3A_2426 = tpu.memref_squeeze %dma_wait3A_2425 : memref<1x40x64xf32, #tpu.memory_space<vmem>> -> memref<40x64xf32, #tpu.memory_space<vmem>>
      %dma_wait3A_2427 = arith.constant 0 : i32
      %dma_wait3A_2428 = tpu.memref_slice %arg4[%add3A_2418, %mul3A_2420, %dma_wait3A_2427] : memref<4096x200x128xf32, #tpu.memory_space<hbm>> -> memref<1x40x64xf32, #tpu.memory_space<hbm>>
      %dma_wait3A_2429 = tpu.memref_squeeze %dma_wait3A_2428 : memref<1x40x64xf32, #tpu.memory_space<hbm>> -> memref<40x64xf32, #tpu.memory_space<hbm>>
      %dma_wait3A_2430 = tpu.memref_slice %arg8[%dma_wait3A_2422] : memref<8x!tpu.dma_semaphore, #tpu.memory_space<semaphore_mem>> -> memref<1x!tpu.dma_semaphore, #tpu.memory_space<semaphore_mem>>
      %dma_wait3A_2431 = tpu.memref_squeeze %dma_wait3A_2430 : memref<1x!tpu.dma_semaphore, #tpu.memory_space<semaphore_mem>> -> memref<!tpu.dma_semaphore, #tpu.memory_space<semaphore_mem>>
      %dma_wait3A_2432 = arith.constant 0 : i32
      %dma_wait3A_2433 = tpu.memref_slice %arg4[%add3A_2418, %mul3A_2420, %dma_wait3A_2432] : memref<4096x200x128xf32, #tpu.memory_space<hbm>> -> memref<1x40x64xf32, #tpu.memory_space<hbm>>
      %dma_wait3A_2434 = tpu.memref_squeeze %dma_wait3A_2433 : memref<1x40x64xf32, #tpu.memory_space<hbm>> -> memref<40x64xf32, #tpu.memory_space<hbm>>
      %dma_wait3A_2435 = arith.constant 0 : i32
      %dma_wait3A_2436 = arith.constant 0 : i32
      %dma_wait3A_2437 = tpu.memref_slice %arg6[%dma_wait3A_2421, %dma_wait3A_2435, %dma_wait3A_2436] : memref<8x40x128xf32, #tpu.memory_space<vmem>> -> memref<1x40x64xf32, #tpu.memory_space<vmem>>
      %dma_wait3A_2438 = tpu.memref_squeeze %dma_wait3A_2437 : memref<1x40x64xf32, #tpu.memory_space<vmem>> -> memref<40x64xf32, #tpu.memory_space<vmem>>
      tpu.wait_dma2 semaphore(%dma_wait3A_2431 : memref<!tpu.dma_semaphore, #tpu.memory_space<semaphore_mem>>) src(%dma_wait3A_2438 : memref<40x64xf32, #tpu.memory_space<vmem>>) dst(%dma_wait3A_2434 : memref<40x64xf32, #tpu.memory_space<hbm>>)
      %add3A_2439 = arith.constant 8 : i32
      %add3A_2440 = arith.addi %add3A_2261, %add3A_2439 : i32
      %jit3A_2441 = arith.constant 5 : i32
      %div3A_2442 = arith.divsi %add3A_2440, %jit3A_2441 : i32
      %sign3A_2443 = arith.constant 0 : i32
      %sign3A_2444 = arith.cmpi sgt, %add3A_2440, %sign3A_2443 : i32
      %sign3A_2445 = arith.extui %sign3A_2444 : i1 to i32
      %sign3A_2446 = arith.constant 0 : i32
      %sign3A_2447 = arith.cmpi slt, %add3A_2440, %sign3A_2446 : i32
      %sign3A_2448 = arith.extui %sign3A_2447 : i1 to i32
      %sign3A_2449 = arith.subi %sign3A_2445, %sign3A_2448 : i32
      %sign3A_2450 = arith.constant 0 : i32
      %sign3A_2451 = arith.cmpi sgt, %jit3A_2441, %sign3A_2450 : i32
      %sign3A_2452 = arith.extui %sign3A_2451 : i1 to i32
      %sign3A_2453 = arith.constant 0 : i32
      %sign3A_2454 = arith.cmpi slt, %jit3A_2441, %sign3A_2453 : i32
      %sign3A_2455 = arith.extui %sign3A_2454 : i1 to i32
      %sign3A_2456 = arith.subi %sign3A_2452, %sign3A_2455 : i32
      %ne3A_2457 = arith.cmpi ne, %sign3A_2449, %sign3A_2456 : i32
      %rem3A_2458 = arith.remsi %add3A_2440, %jit3A_2441 : i32
      %ne3A_2459 = arith.constant 0 : i32
      %ne3A_2460 = arith.cmpi ne, %rem3A_2458, %ne3A_2459 : i32
      %and3A_2461 = arith.andi %ne3A_2457, %ne3A_2460 : i1
      %sub3A_2462 = arith.constant 1 : i32
      %sub3A_2463 = arith.subi %div3A_2442, %sub3A_2462 : i32
      %select_n3A_2464 = arith.select %and3A_2461, %sub3A_2463, %div3A_2442 : i32
      %jit3A_2465 = arith.constant 5 : i32
      %eq3A_2466 = arith.constant 0 : i32
      %eq3A_2467 = arith.cmpi eq, %jit3A_2465, %eq3A_2466 : i32
      %jit3A_2468 = arith.constant 1 : i32
      %select_n3A_2469 = arith.select %eq3A_2467, %jit3A_2468, %jit3A_2465 : i32
      %rem3A_2470 = arith.remsi %add3A_2440, %select_n3A_2469 : i32
      %ne3A_2471 = arith.constant 0 : i32
      %ne3A_2472 = arith.cmpi ne, %rem3A_2470, %ne3A_2471 : i32
      %lt3A_2473 = arith.constant 0 : i32
      %lt3A_2474 = arith.cmpi slt, %rem3A_2470, %lt3A_2473 : i32
      %lt3A_2475 = arith.constant 0 : i32
      %lt3A_2476 = arith.cmpi slt, %select_n3A_2469, %lt3A_2475 : i32
      %ne3A_2477 = arith.xori %lt3A_2474, %lt3A_2476 : i1
      %and3A_2478 = arith.andi %ne3A_2477, %ne3A_2472 : i1
      %add3A_2479 = arith.addi %rem3A_2470, %select_n3A_2469 : i32
      %select_n3A_2480 = arith.select %and3A_2478, %add3A_2479, %rem3A_2470 : i32
      %mul3A_2481 = arith.constant 40 : i32
      %mul3A_2482 = arith.muli %select_n3A_2480, %mul3A_2481 : i32
      %dma_start3A_2483 = arith.constant 7 : i32
      %dma_start3A_2484 = arith.constant 7 : i32
      %dma_start3A_2485 = arith.constant 0 : i32
      %dma_start3A_2486 = arith.constant 0 : i32
      %dma_start3A_2487 = tpu.memref_slice %arg6[%dma_start3A_2483, %dma_start3A_2485, %dma_start3A_2486] : memref<8x40x128xf32, #tpu.memory_space<vmem>> -> memref<1x40x128xf32, #tpu.memory_space<vmem>>
      %dma_start3A_2488 = tpu.memref_squeeze %dma_start3A_2487 : memref<1x40x128xf32, #tpu.memory_space<vmem>> -> memref<40x128xf32, #tpu.memory_space<vmem>>
      %dma_start3A_2489 = tpu.memref_slice %arg5[%select_n3A_2464, %mul3A_2482] : memref<128x200xi32, #tpu.memory_space<vmem>> -> memref<1x40xi32, #tpu.memory_space<vmem>>
      %dma_start3A_2490 = tpu.memref_squeeze %dma_start3A_2489 : memref<1x40xi32, #tpu.memory_space<vmem>> -> memref<40xi32, #tpu.memory_space<vmem>>
      %dma_start3A_2491 = arith.constant 0 : i32
      %dma_start3A_2492 = arith.constant 0 : i32
      %dma_start3A_2493 = tpu.memref_slice %arg3[%dma_start3A_2491, %dma_start3A_2492] : memref<1000000x128xf32, #tpu.memory_space<hbm>> -> memref<1000000x128xf32, #tpu.memory_space<hbm>>
      %dma_start3A_2494 = tpu.memref_slice %arg7[%dma_start3A_2484] : memref<8x!tpu.dma_semaphore, #tpu.memory_space<semaphore_mem>> -> memref<1x!tpu.dma_semaphore, #tpu.memory_space<semaphore_mem>>
      %dma_start3A_2495 = tpu.memref_squeeze %dma_start3A_2494 : memref<1x!tpu.dma_semaphore, #tpu.memory_space<semaphore_mem>> -> memref<!tpu.dma_semaphore, #tpu.memory_space<semaphore_mem>>
      tpu.enqueue_indirect_dma source(%dma_start3A_2493 : memref<1000000x128xf32, #tpu.memory_space<hbm>>) target(%dma_start3A_2488 : memref<40x128xf32, #tpu.memory_space<vmem>>) offsets(%dma_start3A_2490 : memref<40xi32, #tpu.memory_space<vmem>>) semaphore(%dma_start3A_2495 : memref<!tpu.dma_semaphore, #tpu.memory_space<semaphore_mem>>)
    }
    %scan3A_125 = arith.constant 79 : i32
    %dma_wait3A = arith.constant 126 : i32
    %dma_wait3A_126 = arith.constant 0 : i32
    %dma_wait3A_127 = arith.constant 0 : i32
    %dma_wait3A_128 = arith.constant 0 : i32
    %dma_wait3A_129 = arith.constant 0 : i32
    %dma_wait3A_130 = tpu.memref_slice %arg6[%dma_wait3A_126, %dma_wait3A_128, %dma_wait3A_129] : memref<8x40x128xf32, #tpu.memory_space<vmem>> -> memref<1x40x128xf32, #tpu.memory_space<vmem>>
    %dma_wait3A_131 = tpu.memref_squeeze %dma_wait3A_130 : memref<1x40x128xf32, #tpu.memory_space<vmem>> -> memref<40x128xf32, #tpu.memory_space<vmem>>
    %dma_wait3A_132 = arith.constant 80 : i32
    %dma_wait3A_133 = tpu.memref_slice %arg5[%dma_wait3A, %dma_wait3A_132] : memref<128x200xi32, #tpu.memory_space<vmem>> -> memref<1x40xi32, #tpu.memory_space<vmem>>
    %dma_wait3A_134 = tpu.memref_squeeze %dma_wait3A_133 : memref<1x40xi32, #tpu.memory_space<vmem>> -> memref<40xi32, #tpu.memory_space<vmem>>
    %dma_wait3A_135 = arith.constant 0 : i32
    %dma_wait3A_136 = arith.constant 0 : i32
    %dma_wait3A_137 = tpu.memref_slice %arg3[%dma_wait3A_135, %dma_wait3A_136] : memref<1000000x128xf32, #tpu.memory_space<hbm>> -> memref<1000000x128xf32, #tpu.memory_space<hbm>>
    %dma_wait3A_138 = tpu.memref_slice %arg7[%dma_wait3A_127] : memref<8x!tpu.dma_semaphore, #tpu.memory_space<semaphore_mem>> -> memref<1x!tpu.dma_semaphore, #tpu.memory_space<semaphore_mem>>
    %dma_wait3A_139 = tpu.memref_squeeze %dma_wait3A_138 : memref<1x!tpu.dma_semaphore, #tpu.memory_space<semaphore_mem>> -> memref<!tpu.dma_semaphore, #tpu.memory_space<semaphore_mem>>
    tpu.wait_indirect_dma semaphore(%dma_wait3A_139 : memref<!tpu.dma_semaphore, #tpu.memory_space<semaphore_mem>>) src(%dma_wait3A_137 : memref<1000000x128xf32, #tpu.memory_space<hbm>>) dst(%dma_wait3A_131 : memref<40x128xf32, #tpu.memory_space<vmem>>)
    %add3A_140 = arith.constant 126 : i32
    %add3A_141 = arith.addi %mul3A_2, %add3A_140 : i32
    %dma_start3A_142 = arith.constant 0 : i32
    %dma_start3A_143 = arith.constant 0 : i32
    %dma_start3A_144 = arith.constant 0 : i32
    %dma_start3A_145 = arith.constant 0 : i32
    %dma_start3A_146 = tpu.memref_slice %arg6[%dma_start3A_142, %dma_start3A_144, %dma_start3A_145] : memref<8x40x128xf32, #tpu.memory_space<vmem>> -> memref<1x40x64xf32, #tpu.memory_space<vmem>>
    %dma_start3A_147 = tpu.memref_squeeze %dma_start3A_146 : memref<1x40x64xf32, #tpu.memory_space<vmem>> -> memref<40x64xf32, #tpu.memory_space<vmem>>
    %dma_start3A_148 = arith.constant 80 : i32
    %dma_start3A_149 = arith.constant 0 : i32
    %dma_start3A_150 = tpu.memref_slice %arg4[%add3A_141, %dma_start3A_148, %dma_start3A_149] : memref<4096x200x128xf32, #tpu.memory_space<hbm>> -> memref<1x40x64xf32, #tpu.memory_space<hbm>>
    %dma_start3A_151 = tpu.memref_squeeze %dma_start3A_150 : memref<1x40x64xf32, #tpu.memory_space<hbm>> -> memref<40x64xf32, #tpu.memory_space<hbm>>
    %dma_start3A_152 = tpu.memref_slice %arg8[%dma_start3A_143] : memref<8x!tpu.dma_semaphore, #tpu.memory_space<semaphore_mem>> -> memref<1x!tpu.dma_semaphore, #tpu.memory_space<semaphore_mem>>
    %dma_start3A_153 = tpu.memref_squeeze %dma_start3A_152 : memref<1x!tpu.dma_semaphore, #tpu.memory_space<semaphore_mem>> -> memref<!tpu.dma_semaphore, #tpu.memory_space<semaphore_mem>>
    %dma_start3A_154 = arith.constant 80 : i32
    %dma_start3A_155 = arith.constant 0 : i32
    %dma_start3A_156 = tpu.memref_slice %arg4[%add3A_141, %dma_start3A_154, %dma_start3A_155] : memref<4096x200x128xf32, #tpu.memory_space<hbm>> -> memref<1x40x64xf32, #tpu.memory_space<hbm>>
    %dma_start3A_157 = tpu.memref_squeeze %dma_start3A_156 : memref<1x40x64xf32, #tpu.memory_space<hbm>> -> memref<40x64xf32, #tpu.memory_space<hbm>>
    %dma_start3A_158 = arith.constant 0 : i32
    %dma_start3A_159 = arith.constant 0 : i32
    %dma_start3A_160 = tpu.memref_slice %arg6[%dma_start3A_142, %dma_start3A_158, %dma_start3A_159] : memref<8x40x128xf32, #tpu.memory_space<vmem>> -> memref<1x40x64xf32, #tpu.memory_space<vmem>>
    %dma_start3A_161 = tpu.memref_squeeze %dma_start3A_160 : memref<1x40x64xf32, #tpu.memory_space<vmem>> -> memref<40x64xf32, #tpu.memory_space<vmem>>
    tpu.enqueue_dma source(%dma_start3A_161 : memref<40x64xf32, #tpu.memory_space<vmem>>) target(%dma_start3A_157 : memref<40x64xf32, #tpu.memory_space<hbm>>) target_semaphore(%dma_start3A_153 : memref<!tpu.dma_semaphore, #tpu.memory_space<semaphore_mem>>)
    %dma_wait3A_162 = arith.constant 126 : i32
    %dma_wait3A_163 = arith.constant 1 : i32
    %dma_wait3A_164 = arith.constant 1 : i32
    %dma_wait3A_165 = arith.constant 0 : i32
    %dma_wait3A_166 = arith.constant 0 : i32
    %dma_wait3A_167 = tpu.memref_slice %arg6[%dma_wait3A_163, %dma_wait3A_165, %dma_wait3A_166] : memref<8x40x128xf32, #tpu.memory_space<vmem>> -> memref<1x40x128xf32, #tpu.memory_space<vmem>>
    %dma_wait3A_168 = tpu.memref_squeeze %dma_wait3A_167 : memref<1x40x128xf32, #tpu.memory_space<vmem>> -> memref<40x128xf32, #tpu.memory_space<vmem>>
    %dma_wait3A_169 = arith.constant 120 : i32
    %dma_wait3A_170 = tpu.memref_slice %arg5[%dma_wait3A_162, %dma_wait3A_169] : memref<128x200xi32, #tpu.memory_space<vmem>> -> memref<1x40xi32, #tpu.memory_space<vmem>>
    %dma_wait3A_171 = tpu.memref_squeeze %dma_wait3A_170 : memref<1x40xi32, #tpu.memory_space<vmem>> -> memref<40xi32, #tpu.memory_space<vmem>>
    %dma_wait3A_172 = arith.constant 0 : i32
    %dma_wait3A_173 = arith.constant 0 : i32
    %dma_wait3A_174 = tpu.memref_slice %arg3[%dma_wait3A_172, %dma_wait3A_173] : memref<1000000x128xf32, #tpu.memory_space<hbm>> -> memref<1000000x128xf32, #tpu.memory_space<hbm>>
    %dma_wait3A_175 = tpu.memref_slice %arg7[%dma_wait3A_164] : memref<8x!tpu.dma_semaphore, #tpu.memory_space<semaphore_mem>> -> memref<1x!tpu.dma_semaphore, #tpu.memory_space<semaphore_mem>>
    %dma_wait3A_176 = tpu.memref_squeeze %dma_wait3A_175 : memref<1x!tpu.dma_semaphore, #tpu.memory_space<semaphore_mem>> -> memref<!tpu.dma_semaphore, #tpu.memory_space<semaphore_mem>>
    tpu.wait_indirect_dma semaphore(%dma_wait3A_176 : memref<!tpu.dma_semaphore, #tpu.memory_space<semaphore_mem>>) src(%dma_wait3A_174 : memref<1000000x128xf32, #tpu.memory_space<hbm>>) dst(%dma_wait3A_168 : memref<40x128xf32, #tpu.memory_space<vmem>>)
    %add3A_177 = arith.constant 126 : i32
    %add3A_178 = arith.addi %mul3A_2, %add3A_177 : i32
    %dma_start3A_179 = arith.constant 1 : i32
    %dma_start3A_180 = arith.constant 1 : i32
    %dma_start3A_181 = arith.constant 0 : i32
    %dma_start3A_182 = arith.constant 0 : i32
    %dma_start3A_183 = tpu.memref_slice %arg6[%dma_start3A_179, %dma_start3A_181, %dma_start3A_182] : memref<8x40x128xf32, #tpu.memory_space<vmem>> -> memref<1x40x64xf32, #tpu.memory_space<vmem>>
    %dma_start3A_184 = tpu.memref_squeeze %dma_start3A_183 : memref<1x40x64xf32, #tpu.memory_space<vmem>> -> memref<40x64xf32, #tpu.memory_space<vmem>>
    %dma_start3A_185 = arith.constant 120 : i32
    %dma_start3A_186 = arith.constant 0 : i32
    %dma_start3A_187 = tpu.memref_slice %arg4[%add3A_178, %dma_start3A_185, %dma_start3A_186] : memref<4096x200x128xf32, #tpu.memory_space<hbm>> -> memref<1x40x64xf32, #tpu.memory_space<hbm>>
    %dma_start3A_188 = tpu.memref_squeeze %dma_start3A_187 : memref<1x40x64xf32, #tpu.memory_space<hbm>> -> memref<40x64xf32, #tpu.memory_space<hbm>>
    %dma_start3A_189 = tpu.memref_slice %arg8[%dma_start3A_180] : memref<8x!tpu.dma_semaphore, #tpu.memory_space<semaphore_mem>> -> memref<1x!tpu.dma_semaphore, #tpu.memory_space<semaphore_mem>>
    %dma_start3A_190 = tpu.memref_squeeze %dma_start3A_189 : memref<1x!tpu.dma_semaphore, #tpu.memory_space<semaphore_mem>> -> memref<!tpu.dma_semaphore, #tpu.memory_space<semaphore_mem>>
    %dma_start3A_191 = arith.constant 120 : i32
    %dma_start3A_192 = arith.constant 0 : i32
    %dma_start3A_193 = tpu.memref_slice %arg4[%add3A_178, %dma_start3A_191, %dma_start3A_192] : memref<4096x200x128xf32, #tpu.memory_space<hbm>> -> memref<1x40x64xf32, #tpu.memory_space<hbm>>
    %dma_start3A_194 = tpu.memref_squeeze %dma_start3A_193 : memref<1x40x64xf32, #tpu.memory_space<hbm>> -> memref<40x64xf32, #tpu.memory_space<hbm>>
    %dma_start3A_195 = arith.constant 0 : i32
    %dma_start3A_196 = arith.constant 0 : i32
    %dma_start3A_197 = tpu.memref_slice %arg6[%dma_start3A_179, %dma_start3A_195, %dma_start3A_196] : memref<8x40x128xf32, #tpu.memory_space<vmem>> -> memref<1x40x64xf32, #tpu.memory_space<vmem>>
    %dma_start3A_198 = tpu.memref_squeeze %dma_start3A_197 : memref<1x40x64xf32, #tpu.memory_space<vmem>> -> memref<40x64xf32, #tpu.memory_space<vmem>>
    tpu.enqueue_dma source(%dma_start3A_198 : memref<40x64xf32, #tpu.memory_space<vmem>>) target(%dma_start3A_194 : memref<40x64xf32, #tpu.memory_space<hbm>>) target_semaphore(%dma_start3A_190 : memref<!tpu.dma_semaphore, #tpu.memory_space<semaphore_mem>>)
    %dma_wait3A_199 = arith.constant 126 : i32
    %dma_wait3A_200 = arith.constant 2 : i32
    %dma_wait3A_201 = arith.constant 2 : i32
    %dma_wait3A_202 = arith.constant 0 : i32
    %dma_wait3A_203 = arith.constant 0 : i32
    %dma_wait3A_204 = tpu.memref_slice %arg6[%dma_wait3A_200, %dma_wait3A_202, %dma_wait3A_203] : memref<8x40x128xf32, #tpu.memory_space<vmem>> -> memref<1x40x128xf32, #tpu.memory_space<vmem>>
    %dma_wait3A_205 = tpu.memref_squeeze %dma_wait3A_204 : memref<1x40x128xf32, #tpu.memory_space<vmem>> -> memref<40x128xf32, #tpu.memory_space<vmem>>
    %dma_wait3A_206 = arith.constant 160 : i32
    %dma_wait3A_207 = tpu.memref_slice %arg5[%dma_wait3A_199, %dma_wait3A_206] : memref<128x200xi32, #tpu.memory_space<vmem>> -> memref<1x40xi32, #tpu.memory_space<vmem>>
    %dma_wait3A_208 = tpu.memref_squeeze %dma_wait3A_207 : memref<1x40xi32, #tpu.memory_space<vmem>> -> memref<40xi32, #tpu.memory_space<vmem>>
    %dma_wait3A_209 = arith.constant 0 : i32
    %dma_wait3A_210 = arith.constant 0 : i32
    %dma_wait3A_211 = tpu.memref_slice %arg3[%dma_wait3A_209, %dma_wait3A_210] : memref<1000000x128xf32, #tpu.memory_space<hbm>> -> memref<1000000x128xf32, #tpu.memory_space<hbm>>
    %dma_wait3A_212 = tpu.memref_slice %arg7[%dma_wait3A_201] : memref<8x!tpu.dma_semaphore, #tpu.memory_space<semaphore_mem>> -> memref<1x!tpu.dma_semaphore, #tpu.memory_space<semaphore_mem>>
    %dma_wait3A_213 = tpu.memref_squeeze %dma_wait3A_212 : memref<1x!tpu.dma_semaphore, #tpu.memory_space<semaphore_mem>> -> memref<!tpu.dma_semaphore, #tpu.memory_space<semaphore_mem>>
    tpu.wait_indirect_dma semaphore(%dma_wait3A_213 : memref<!tpu.dma_semaphore, #tpu.memory_space<semaphore_mem>>) src(%dma_wait3A_211 : memref<1000000x128xf32, #tpu.memory_space<hbm>>) dst(%dma_wait3A_205 : memref<40x128xf32, #tpu.memory_space<vmem>>)
    %add3A_214 = arith.constant 126 : i32
    %add3A_215 = arith.addi %mul3A_2, %add3A_214 : i32
    %dma_start3A_216 = arith.constant 2 : i32
    %dma_start3A_217 = arith.constant 2 : i32
    %dma_start3A_218 = arith.constant 0 : i32
    %dma_start3A_219 = arith.constant 0 : i32
    %dma_start3A_220 = tpu.memref_slice %arg6[%dma_start3A_216, %dma_start3A_218, %dma_start3A_219] : memref<8x40x128xf32, #tpu.memory_space<vmem>> -> memref<1x40x64xf32, #tpu.memory_space<vmem>>
    %dma_start3A_221 = tpu.memref_squeeze %dma_start3A_220 : memref<1x40x64xf32, #tpu.memory_space<vmem>> -> memref<40x64xf32, #tpu.memory_space<vmem>>
    %dma_start3A_222 = arith.constant 160 : i32
    %dma_start3A_223 = arith.constant 0 : i32
    %dma_start3A_224 = tpu.memref_slice %arg4[%add3A_215, %dma_start3A_222, %dma_start3A_223] : memref<4096x200x128xf32, #tpu.memory_space<hbm>> -> memref<1x40x64xf32, #tpu.memory_space<hbm>>
    %dma_start3A_225 = tpu.memref_squeeze %dma_start3A_224 : memref<1x40x64xf32, #tpu.memory_space<hbm>> -> memref<40x64xf32, #tpu.memory_space<hbm>>
    %dma_start3A_226 = tpu.memref_slice %arg8[%dma_start3A_217] : memref<8x!tpu.dma_semaphore, #tpu.memory_space<semaphore_mem>> -> memref<1x!tpu.dma_semaphore, #tpu.memory_space<semaphore_mem>>
    %dma_start3A_227 = tpu.memref_squeeze %dma_start3A_226 : memref<1x!tpu.dma_semaphore, #tpu.memory_space<semaphore_mem>> -> memref<!tpu.dma_semaphore, #tpu.memory_space<semaphore_mem>>
    %dma_start3A_228 = arith.constant 160 : i32
    %dma_start3A_229 = arith.constant 0 : i32
    %dma_start3A_230 = tpu.memref_slice %arg4[%add3A_215, %dma_start3A_228, %dma_start3A_229] : memref<4096x200x128xf32, #tpu.memory_space<hbm>> -> memref<1x40x64xf32, #tpu.memory_space<hbm>>
    %dma_start3A_231 = tpu.memref_squeeze %dma_start3A_230 : memref<1x40x64xf32, #tpu.memory_space<hbm>> -> memref<40x64xf32, #tpu.memory_space<hbm>>
    %dma_start3A_232 = arith.constant 0 : i32
    %dma_start3A_233 = arith.constant 0 : i32
    %dma_start3A_234 = tpu.memref_slice %arg6[%dma_start3A_216, %dma_start3A_232, %dma_start3A_233] : memref<8x40x128xf32, #tpu.memory_space<vmem>> -> memref<1x40x64xf32, #tpu.memory_space<vmem>>
    %dma_start3A_235 = tpu.memref_squeeze %dma_start3A_234 : memref<1x40x64xf32, #tpu.memory_space<vmem>> -> memref<40x64xf32, #tpu.memory_space<vmem>>
    tpu.enqueue_dma source(%dma_start3A_235 : memref<40x64xf32, #tpu.memory_space<vmem>>) target(%dma_start3A_231 : memref<40x64xf32, #tpu.memory_space<hbm>>) target_semaphore(%dma_start3A_227 : memref<!tpu.dma_semaphore, #tpu.memory_space<semaphore_mem>>)
    %dma_wait3A_236 = arith.constant 127 : i32
    %dma_wait3A_237 = arith.constant 3 : i32
    %dma_wait3A_238 = arith.constant 3 : i32
    %dma_wait3A_239 = arith.constant 0 : i32
    %dma_wait3A_240 = arith.constant 0 : i32
    %dma_wait3A_241 = tpu.memref_slice %arg6[%dma_wait3A_237, %dma_wait3A_239, %dma_wait3A_240] : memref<8x40x128xf32, #tpu.memory_space<vmem>> -> memref<1x40x128xf32, #tpu.memory_space<vmem>>
    %dma_wait3A_242 = tpu.memref_squeeze %dma_wait3A_241 : memref<1x40x128xf32, #tpu.memory_space<vmem>> -> memref<40x128xf32, #tpu.memory_space<vmem>>
    %dma_wait3A_243 = arith.constant 0 : i32
    %dma_wait3A_244 = tpu.memref_slice %arg5[%dma_wait3A_236, %dma_wait3A_243] : memref<128x200xi32, #tpu.memory_space<vmem>> -> memref<1x40xi32, #tpu.memory_space<vmem>>
    %dma_wait3A_245 = tpu.memref_squeeze %dma_wait3A_244 : memref<1x40xi32, #tpu.memory_space<vmem>> -> memref<40xi32, #tpu.memory_space<vmem>>
    %dma_wait3A_246 = arith.constant 0 : i32
    %dma_wait3A_247 = arith.constant 0 : i32
    %dma_wait3A_248 = tpu.memref_slice %arg3[%dma_wait3A_246, %dma_wait3A_247] : memref<1000000x128xf32, #tpu.memory_space<hbm>> -> memref<1000000x128xf32, #tpu.memory_space<hbm>>
    %dma_wait3A_249 = tpu.memref_slice %arg7[%dma_wait3A_238] : memref<8x!tpu.dma_semaphore, #tpu.memory_space<semaphore_mem>> -> memref<1x!tpu.dma_semaphore, #tpu.memory_space<semaphore_mem>>
    %dma_wait3A_250 = tpu.memref_squeeze %dma_wait3A_249 : memref<1x!tpu.dma_semaphore, #tpu.memory_space<semaphore_mem>> -> memref<!tpu.dma_semaphore, #tpu.memory_space<semaphore_mem>>
    tpu.wait_indirect_dma semaphore(%dma_wait3A_250 : memref<!tpu.dma_semaphore, #tpu.memory_space<semaphore_mem>>) src(%dma_wait3A_248 : memref<1000000x128xf32, #tpu.memory_space<hbm>>) dst(%dma_wait3A_242 : memref<40x128xf32, #tpu.memory_space<vmem>>)
    %add3A_251 = arith.constant 127 : i32
    %add3A_252 = arith.addi %mul3A_2, %add3A_251 : i32
    %dma_start3A_253 = arith.constant 3 : i32
    %dma_start3A_254 = arith.constant 3 : i32
    %dma_start3A_255 = arith.constant 0 : i32
    %dma_start3A_256 = arith.constant 0 : i32
    %dma_start3A_257 = tpu.memref_slice %arg6[%dma_start3A_253, %dma_start3A_255, %dma_start3A_256] : memref<8x40x128xf32, #tpu.memory_space<vmem>> -> memref<1x40x64xf32, #tpu.memory_space<vmem>>
    %dma_start3A_258 = tpu.memref_squeeze %dma_start3A_257 : memref<1x40x64xf32, #tpu.memory_space<vmem>> -> memref<40x64xf32, #tpu.memory_space<vmem>>
    %dma_start3A_259 = arith.constant 0 : i32
    %dma_start3A_260 = arith.constant 0 : i32
    %dma_start3A_261 = tpu.memref_slice %arg4[%add3A_252, %dma_start3A_259, %dma_start3A_260] : memref<4096x200x128xf32, #tpu.memory_space<hbm>> -> memref<1x40x64xf32, #tpu.memory_space<hbm>>
    %dma_start3A_262 = tpu.memref_squeeze %dma_start3A_261 : memref<1x40x64xf32, #tpu.memory_space<hbm>> -> memref<40x64xf32, #tpu.memory_space<hbm>>
    %dma_start3A_263 = tpu.memref_slice %arg8[%dma_start3A_254] : memref<8x!tpu.dma_semaphore, #tpu.memory_space<semaphore_mem>> -> memref<1x!tpu.dma_semaphore, #tpu.memory_space<semaphore_mem>>
    %dma_start3A_264 = tpu.memref_squeeze %dma_start3A_263 : memref<1x!tpu.dma_semaphore, #tpu.memory_space<semaphore_mem>> -> memref<!tpu.dma_semaphore, #tpu.memory_space<semaphore_mem>>
    %dma_start3A_265 = arith.constant 0 : i32
    %dma_start3A_266 = arith.constant 0 : i32
    %dma_start3A_267 = tpu.memref_slice %arg4[%add3A_252, %dma_start3A_265, %dma_start3A_266] : memref<4096x200x128xf32, #tpu.memory_space<hbm>> -> memref<1x40x64xf32, #tpu.memory_space<hbm>>
    %dma_start3A_268 = tpu.memref_squeeze %dma_start3A_267 : memref<1x40x64xf32, #tpu.memory_space<hbm>> -> memref<40x64xf32, #tpu.memory_space<hbm>>
    %dma_start3A_269 = arith.constant 0 : i32
    %dma_start3A_270 = arith.constant 0 : i32
    %dma_start3A_271 = tpu.memref_slice %arg6[%dma_start3A_253, %dma_start3A_269, %dma_start3A_270] : memref<8x40x128xf32, #tpu.memory_space<vmem>> -> memref<1x40x64xf32, #tpu.memory_space<vmem>>
    %dma_start3A_272 = tpu.memref_squeeze %dma_start3A_271 : memref<1x40x64xf32, #tpu.memory_space<vmem>> -> memref<40x64xf32, #tpu.memory_space<vmem>>
    tpu.enqueue_dma source(%dma_start3A_272 : memref<40x64xf32, #tpu.memory_space<vmem>>) target(%dma_start3A_268 : memref<40x64xf32, #tpu.memory_space<hbm>>) target_semaphore(%dma_start3A_264 : memref<!tpu.dma_semaphore, #tpu.memory_space<semaphore_mem>>)
    %dma_wait3A_273 = arith.constant 127 : i32
    %dma_wait3A_274 = arith.constant 4 : i32
    %dma_wait3A_275 = arith.constant 4 : i32
    %dma_wait3A_276 = arith.constant 0 : i32
    %dma_wait3A_277 = arith.constant 0 : i32
    %dma_wait3A_278 = tpu.memref_slice %arg6[%dma_wait3A_274, %dma_wait3A_276, %dma_wait3A_277] : memref<8x40x128xf32, #tpu.memory_space<vmem>> -> memref<1x40x128xf32, #tpu.memory_space<vmem>>
    %dma_wait3A_279 = tpu.memref_squeeze %dma_wait3A_278 : memref<1x40x128xf32, #tpu.memory_space<vmem>> -> memref<40x128xf32, #tpu.memory_space<vmem>>
    %dma_wait3A_280 = arith.constant 40 : i32
    %dma_wait3A_281 = tpu.memref_slice %arg5[%dma_wait3A_273, %dma_wait3A_280] : memref<128x200xi32, #tpu.memory_space<vmem>> -> memref<1x40xi32, #tpu.memory_space<vmem>>
    %dma_wait3A_282 = tpu.memref_squeeze %dma_wait3A_281 : memref<1x40xi32, #tpu.memory_space<vmem>> -> memref<40xi32, #tpu.memory_space<vmem>>
    %dma_wait3A_283 = arith.constant 0 : i32
    %dma_wait3A_284 = arith.constant 0 : i32
    %dma_wait3A_285 = tpu.memref_slice %arg3[%dma_wait3A_283, %dma_wait3A_284] : memref<1000000x128xf32, #tpu.memory_space<hbm>> -> memref<1000000x128xf32, #tpu.memory_space<hbm>>
    %dma_wait3A_286 = tpu.memref_slice %arg7[%dma_wait3A_275] : memref<8x!tpu.dma_semaphore, #tpu.memory_space<semaphore_mem>> -> memref<1x!tpu.dma_semaphore, #tpu.memory_space<semaphore_mem>>
    %dma_wait3A_287 = tpu.memref_squeeze %dma_wait3A_286 : memref<1x!tpu.dma_semaphore, #tpu.memory_space<semaphore_mem>> -> memref<!tpu.dma_semaphore, #tpu.memory_space<semaphore_mem>>
    tpu.wait_indirect_dma semaphore(%dma_wait3A_287 : memref<!tpu.dma_semaphore, #tpu.memory_space<semaphore_mem>>) src(%dma_wait3A_285 : memref<1000000x128xf32, #tpu.memory_space<hbm>>) dst(%dma_wait3A_279 : memref<40x128xf32, #tpu.memory_space<vmem>>)
    %add3A_288 = arith.constant 127 : i32
    %add3A_289 = arith.addi %mul3A_2, %add3A_288 : i32
    %dma_start3A_290 = arith.constant 4 : i32
    %dma_start3A_291 = arith.constant 4 : i32
    %dma_start3A_292 = arith.constant 0 : i32
    %dma_start3A_293 = arith.constant 0 : i32
    %dma_start3A_294 = tpu.memref_slice %arg6[%dma_start3A_290, %dma_start3A_292, %dma_start3A_293] : memref<8x40x128xf32, #tpu.memory_space<vmem>> -> memref<1x40x64xf32, #tpu.memory_space<vmem>>
    %dma_start3A_295 = tpu.memref_squeeze %dma_start3A_294 : memref<1x40x64xf32, #tpu.memory_space<vmem>> -> memref<40x64xf32, #tpu.memory_space<vmem>>
    %dma_start3A_296 = arith.constant 40 : i32
    %dma_start3A_297 = arith.constant 0 : i32
    %dma_start3A_298 = tpu.memref_slice %arg4[%add3A_289, %dma_start3A_296, %dma_start3A_297] : memref<4096x200x128xf32, #tpu.memory_space<hbm>> -> memref<1x40x64xf32, #tpu.memory_space<hbm>>
    %dma_start3A_299 = tpu.memref_squeeze %dma_start3A_298 : memref<1x40x64xf32, #tpu.memory_space<hbm>> -> memref<40x64xf32, #tpu.memory_space<hbm>>
    %dma_start3A_300 = tpu.memref_slice %arg8[%dma_start3A_291] : memref<8x!tpu.dma_semaphore, #tpu.memory_space<semaphore_mem>> -> memref<1x!tpu.dma_semaphore, #tpu.memory_space<semaphore_mem>>
    %dma_start3A_301 = tpu.memref_squeeze %dma_start3A_300 : memref<1x!tpu.dma_semaphore, #tpu.memory_space<semaphore_mem>> -> memref<!tpu.dma_semaphore, #tpu.memory_space<semaphore_mem>>
    %dma_start3A_302 = arith.constant 40 : i32
    %dma_start3A_303 = arith.constant 0 : i32
    %dma_start3A_304 = tpu.memref_slice %arg4[%add3A_289, %dma_start3A_302, %dma_start3A_303] : memref<4096x200x128xf32, #tpu.memory_space<hbm>> -> memref<1x40x64xf32, #tpu.memory_space<hbm>>
    %dma_start3A_305 = tpu.memref_squeeze %dma_start3A_304 : memref<1x40x64xf32, #tpu.memory_space<hbm>> -> memref<40x64xf32, #tpu.memory_space<hbm>>
    %dma_start3A_306 = arith.constant 0 : i32
    %dma_start3A_307 = arith.constant 0 : i32
    %dma_start3A_308 = tpu.memref_slice %arg6[%dma_start3A_290, %dma_start3A_306, %dma_start3A_307] : memref<8x40x128xf32, #tpu.memory_space<vmem>> -> memref<1x40x64xf32, #tpu.memory_space<vmem>>
    %dma_start3A_309 = tpu.memref_squeeze %dma_start3A_308 : memref<1x40x64xf32, #tpu.memory_space<vmem>> -> memref<40x64xf32, #tpu.memory_space<vmem>>
    tpu.enqueue_dma source(%dma_start3A_309 : memref<40x64xf32, #tpu.memory_space<vmem>>) target(%dma_start3A_305 : memref<40x64xf32, #tpu.memory_space<hbm>>) target_semaphore(%dma_start3A_301 : memref<!tpu.dma_semaphore, #tpu.memory_space<semaphore_mem>>)
    %dma_wait3A_310 = arith.constant 127 : i32
    %dma_wait3A_311 = arith.constant 5 : i32
    %dma_wait3A_312 = arith.constant 5 : i32
    %dma_wait3A_313 = arith.constant 0 : i32
    %dma_wait3A_314 = arith.constant 0 : i32
    %dma_wait3A_315 = tpu.memref_slice %arg6[%dma_wait3A_311, %dma_wait3A_313, %dma_wait3A_314] : memref<8x40x128xf32, #tpu.memory_space<vmem>> -> memref<1x40x128xf32, #tpu.memory_space<vmem>>
    %dma_wait3A_316 = tpu.memref_squeeze %dma_wait3A_315 : memref<1x40x128xf32, #tpu.memory_space<vmem>> -> memref<40x128xf32, #tpu.memory_space<vmem>>
    %dma_wait3A_317 = arith.constant 80 : i32
    %dma_wait3A_318 = tpu.memref_slice %arg5[%dma_wait3A_310, %dma_wait3A_317] : memref<128x200xi32, #tpu.memory_space<vmem>> -> memref<1x40xi32, #tpu.memory_space<vmem>>
    %dma_wait3A_319 = tpu.memref_squeeze %dma_wait3A_318 : memref<1x40xi32, #tpu.memory_space<vmem>> -> memref<40xi32, #tpu.memory_space<vmem>>
    %dma_wait3A_320 = arith.constant 0 : i32
    %dma_wait3A_321 = arith.constant 0 : i32
    %dma_wait3A_322 = tpu.memref_slice %arg3[%dma_wait3A_320, %dma_wait3A_321] : memref<1000000x128xf32, #tpu.memory_space<hbm>> -> memref<1000000x128xf32, #tpu.memory_space<hbm>>
    %dma_wait3A_323 = tpu.memref_slice %arg7[%dma_wait3A_312] : memref<8x!tpu.dma_semaphore, #tpu.memory_space<semaphore_mem>> -> memref<1x!tpu.dma_semaphore, #tpu.memory_space<semaphore_mem>>
    %dma_wait3A_324 = tpu.memref_squeeze %dma_wait3A_323 : memref<1x!tpu.dma_semaphore, #tpu.memory_space<semaphore_mem>> -> memref<!tpu.dma_semaphore, #tpu.memory_space<semaphore_mem>>
    tpu.wait_indirect_dma semaphore(%dma_wait3A_324 : memref<!tpu.dma_semaphore, #tpu.memory_space<semaphore_mem>>) src(%dma_wait3A_322 : memref<1000000x128xf32, #tpu.memory_space<hbm>>) dst(%dma_wait3A_316 : memref<40x128xf32, #tpu.memory_space<vmem>>)
    %add3A_325 = arith.constant 127 : i32
    %add3A_326 = arith.addi %mul3A_2, %add3A_325 : i32
    %dma_start3A_327 = arith.constant 5 : i32
    %dma_start3A_328 = arith.constant 5 : i32
    %dma_start3A_329 = arith.constant 0 : i32
    %dma_start3A_330 = arith.constant 0 : i32
    %dma_start3A_331 = tpu.memref_slice %arg6[%dma_start3A_327, %dma_start3A_329, %dma_start3A_330] : memref<8x40x128xf32, #tpu.memory_space<vmem>> -> memref<1x40x64xf32, #tpu.memory_space<vmem>>
    %dma_start3A_332 = tpu.memref_squeeze %dma_start3A_331 : memref<1x40x64xf32, #tpu.memory_space<vmem>> -> memref<40x64xf32, #tpu.memory_space<vmem>>
    %dma_start3A_333 = arith.constant 80 : i32
    %dma_start3A_334 = arith.constant 0 : i32
    %dma_start3A_335 = tpu.memref_slice %arg4[%add3A_326, %dma_start3A_333, %dma_start3A_334] : memref<4096x200x128xf32, #tpu.memory_space<hbm>> -> memref<1x40x64xf32, #tpu.memory_space<hbm>>
    %dma_start3A_336 = tpu.memref_squeeze %dma_start3A_335 : memref<1x40x64xf32, #tpu.memory_space<hbm>> -> memref<40x64xf32, #tpu.memory_space<hbm>>
    %dma_start3A_337 = tpu.memref_slice %arg8[%dma_start3A_328] : memref<8x!tpu.dma_semaphore, #tpu.memory_space<semaphore_mem>> -> memref<1x!tpu.dma_semaphore, #tpu.memory_space<semaphore_mem>>
    %dma_start3A_338 = tpu.memref_squeeze %dma_start3A_337 : memref<1x!tpu.dma_semaphore, #tpu.memory_space<semaphore_mem>> -> memref<!tpu.dma_semaphore, #tpu.memory_space<semaphore_mem>>
    %dma_start3A_339 = arith.constant 80 : i32
    %dma_start3A_340 = arith.constant 0 : i32
    %dma_start3A_341 = tpu.memref_slice %arg4[%add3A_326, %dma_start3A_339, %dma_start3A_340] : memref<4096x200x128xf32, #tpu.memory_space<hbm>> -> memref<1x40x64xf32, #tpu.memory_space<hbm>>
    %dma_start3A_342 = tpu.memref_squeeze %dma_start3A_341 : memref<1x40x64xf32, #tpu.memory_space<hbm>> -> memref<40x64xf32, #tpu.memory_space<hbm>>
    %dma_start3A_343 = arith.constant 0 : i32
    %dma_start3A_344 = arith.constant 0 : i32
    %dma_start3A_345 = tpu.memref_slice %arg6[%dma_start3A_327, %dma_start3A_343, %dma_start3A_344] : memref<8x40x128xf32, #tpu.memory_space<vmem>> -> memref<1x40x64xf32, #tpu.memory_space<vmem>>
    %dma_start3A_346 = tpu.memref_squeeze %dma_start3A_345 : memref<1x40x64xf32, #tpu.memory_space<vmem>> -> memref<40x64xf32, #tpu.memory_space<vmem>>
    tpu.enqueue_dma source(%dma_start3A_346 : memref<40x64xf32, #tpu.memory_space<vmem>>) target(%dma_start3A_342 : memref<40x64xf32, #tpu.memory_space<hbm>>) target_semaphore(%dma_start3A_338 : memref<!tpu.dma_semaphore, #tpu.memory_space<semaphore_mem>>)
    %dma_wait3A_347 = arith.constant 127 : i32
    %dma_wait3A_348 = arith.constant 6 : i32
    %dma_wait3A_349 = arith.constant 6 : i32
    %dma_wait3A_350 = arith.constant 0 : i32
    %dma_wait3A_351 = arith.constant 0 : i32
    %dma_wait3A_352 = tpu.memref_slice %arg6[%dma_wait3A_348, %dma_wait3A_350, %dma_wait3A_351] : memref<8x40x128xf32, #tpu.memory_space<vmem>> -> memref<1x40x128xf32, #tpu.memory_space<vmem>>
    %dma_wait3A_353 = tpu.memref_squeeze %dma_wait3A_352 : memref<1x40x128xf32, #tpu.memory_space<vmem>> -> memref<40x128xf32, #tpu.memory_space<vmem>>
    %dma_wait3A_354 = arith.constant 120 : i32
    %dma_wait3A_355 = tpu.memref_slice %arg5[%dma_wait3A_347, %dma_wait3A_354] : memref<128x200xi32, #tpu.memory_space<vmem>> -> memref<1x40xi32, #tpu.memory_space<vmem>>
    %dma_wait3A_356 = tpu.memref_squeeze %dma_wait3A_355 : memref<1x40xi32, #tpu.memory_space<vmem>> -> memref<40xi32, #tpu.memory_space<vmem>>
    %dma_wait3A_357 = arith.constant 0 : i32
    %dma_wait3A_358 = arith.constant 0 : i32
    %dma_wait3A_359 = tpu.memref_slice %arg3[%dma_wait3A_357, %dma_wait3A_358] : memref<1000000x128xf32, #tpu.memory_space<hbm>> -> memref<1000000x128xf32, #tpu.memory_space<hbm>>
    %dma_wait3A_360 = tpu.memref_slice %arg7[%dma_wait3A_349] : memref<8x!tpu.dma_semaphore, #tpu.memory_space<semaphore_mem>> -> memref<1x!tpu.dma_semaphore, #tpu.memory_space<semaphore_mem>>
    %dma_wait3A_361 = tpu.memref_squeeze %dma_wait3A_360 : memref<1x!tpu.dma_semaphore, #tpu.memory_space<semaphore_mem>> -> memref<!tpu.dma_semaphore, #tpu.memory_space<semaphore_mem>>
    tpu.wait_indirect_dma semaphore(%dma_wait3A_361 : memref<!tpu.dma_semaphore, #tpu.memory_space<semaphore_mem>>) src(%dma_wait3A_359 : memref<1000000x128xf32, #tpu.memory_space<hbm>>) dst(%dma_wait3A_353 : memref<40x128xf32, #tpu.memory_space<vmem>>)
    %add3A_362 = arith.constant 127 : i32
    %add3A_363 = arith.addi %mul3A_2, %add3A_362 : i32
    %dma_start3A_364 = arith.constant 6 : i32
    %dma_start3A_365 = arith.constant 6 : i32
    %dma_start3A_366 = arith.constant 0 : i32
    %dma_start3A_367 = arith.constant 0 : i32
    %dma_start3A_368 = tpu.memref_slice %arg6[%dma_start3A_364, %dma_start3A_366, %dma_start3A_367] : memref<8x40x128xf32, #tpu.memory_space<vmem>> -> memref<1x40x64xf32, #tpu.memory_space<vmem>>
    %dma_start3A_369 = tpu.memref_squeeze %dma_start3A_368 : memref<1x40x64xf32, #tpu.memory_space<vmem>> -> memref<40x64xf32, #tpu.memory_space<vmem>>
    %dma_start3A_370 = arith.constant 120 : i32
    %dma_start3A_371 = arith.constant 0 : i32
    %dma_start3A_372 = tpu.memref_slice %arg4[%add3A_363, %dma_start3A_370, %dma_start3A_371] : memref<4096x200x128xf32, #tpu.memory_space<hbm>> -> memref<1x40x64xf32, #tpu.memory_space<hbm>>
    %dma_start3A_373 = tpu.memref_squeeze %dma_start3A_372 : memref<1x40x64xf32, #tpu.memory_space<hbm>> -> memref<40x64xf32, #tpu.memory_space<hbm>>
    %dma_start3A_374 = tpu.memref_slice %arg8[%dma_start3A_365] : memref<8x!tpu.dma_semaphore, #tpu.memory_space<semaphore_mem>> -> memref<1x!tpu.dma_semaphore, #tpu.memory_space<semaphore_mem>>
    %dma_start3A_375 = tpu.memref_squeeze %dma_start3A_374 : memref<1x!tpu.dma_semaphore, #tpu.memory_space<semaphore_mem>> -> memref<!tpu.dma_semaphore, #tpu.memory_space<semaphore_mem>>
    %dma_start3A_376 = arith.constant 120 : i32
    %dma_start3A_377 = arith.constant 0 : i32
    %dma_start3A_378 = tpu.memref_slice %arg4[%add3A_363, %dma_start3A_376, %dma_start3A_377] : memref<4096x200x128xf32, #tpu.memory_space<hbm>> -> memref<1x40x64xf32, #tpu.memory_space<hbm>>
    %dma_start3A_379 = tpu.memref_squeeze %dma_start3A_378 : memref<1x40x64xf32, #tpu.memory_space<hbm>> -> memref<40x64xf32, #tpu.memory_space<hbm>>
    %dma_start3A_380 = arith.constant 0 : i32
    %dma_start3A_381 = arith.constant 0 : i32
    %dma_start3A_382 = tpu.memref_slice %arg6[%dma_start3A_364, %dma_start3A_380, %dma_start3A_381] : memref<8x40x128xf32, #tpu.memory_space<vmem>> -> memref<1x40x64xf32, #tpu.memory_space<vmem>>
    %dma_start3A_383 = tpu.memref_squeeze %dma_start3A_382 : memref<1x40x64xf32, #tpu.memory_space<vmem>> -> memref<40x64xf32, #tpu.memory_space<vmem>>
    tpu.enqueue_dma source(%dma_start3A_383 : memref<40x64xf32, #tpu.memory_space<vmem>>) target(%dma_start3A_379 : memref<40x64xf32, #tpu.memory_space<hbm>>) target_semaphore(%dma_start3A_375 : memref<!tpu.dma_semaphore, #tpu.memory_space<semaphore_mem>>)
    %dma_wait3A_384 = arith.constant 127 : i32
    %dma_wait3A_385 = arith.constant 7 : i32
    %dma_wait3A_386 = arith.constant 7 : i32
    %dma_wait3A_387 = arith.constant 0 : i32
    %dma_wait3A_388 = arith.constant 0 : i32
    %dma_wait3A_389 = tpu.memref_slice %arg6[%dma_wait3A_385, %dma_wait3A_387, %dma_wait3A_388] : memref<8x40x128xf32, #tpu.memory_space<vmem>> -> memref<1x40x128xf32, #tpu.memory_space<vmem>>
    %dma_wait3A_390 = tpu.memref_squeeze %dma_wait3A_389 : memref<1x40x128xf32, #tpu.memory_space<vmem>> -> memref<40x128xf32, #tpu.memory_space<vmem>>
    %dma_wait3A_391 = arith.constant 160 : i32
    %dma_wait3A_392 = tpu.memref_slice %arg5[%dma_wait3A_384, %dma_wait3A_391] : memref<128x200xi32, #tpu.memory_space<vmem>> -> memref<1x40xi32, #tpu.memory_space<vmem>>
    %dma_wait3A_393 = tpu.memref_squeeze %dma_wait3A_392 : memref<1x40xi32, #tpu.memory_space<vmem>> -> memref<40xi32, #tpu.memory_space<vmem>>
    %dma_wait3A_394 = arith.constant 0 : i32
    %dma_wait3A_395 = arith.constant 0 : i32
    %dma_wait3A_396 = tpu.memref_slice %arg3[%dma_wait3A_394, %dma_wait3A_395] : memref<1000000x128xf32, #tpu.memory_space<hbm>> -> memref<1000000x128xf32, #tpu.memory_space<hbm>>
    %dma_wait3A_397 = tpu.memref_slice %arg7[%dma_wait3A_386] : memref<8x!tpu.dma_semaphore, #tpu.memory_space<semaphore_mem>> -> memref<1x!tpu.dma_semaphore, #tpu.memory_space<semaphore_mem>>
    %dma_wait3A_398 = tpu.memref_squeeze %dma_wait3A_397 : memref<1x!tpu.dma_semaphore, #tpu.memory_space<semaphore_mem>> -> memref<!tpu.dma_semaphore, #tpu.memory_space<semaphore_mem>>
    tpu.wait_indirect_dma semaphore(%dma_wait3A_398 : memref<!tpu.dma_semaphore, #tpu.memory_space<semaphore_mem>>) src(%dma_wait3A_396 : memref<1000000x128xf32, #tpu.memory_space<hbm>>) dst(%dma_wait3A_390 : memref<40x128xf32, #tpu.memory_space<vmem>>)
    %add3A_399 = arith.constant 127 : i32
    %add3A_400 = arith.addi %mul3A_2, %add3A_399 : i32
    %dma_start3A_401 = arith.constant 7 : i32
    %dma_start3A_402 = arith.constant 7 : i32
    %dma_start3A_403 = arith.constant 0 : i32
    %dma_start3A_404 = arith.constant 0 : i32
    %dma_start3A_405 = tpu.memref_slice %arg6[%dma_start3A_401, %dma_start3A_403, %dma_start3A_404] : memref<8x40x128xf32, #tpu.memory_space<vmem>> -> memref<1x40x64xf32, #tpu.memory_space<vmem>>
    %dma_start3A_406 = tpu.memref_squeeze %dma_start3A_405 : memref<1x40x64xf32, #tpu.memory_space<vmem>> -> memref<40x64xf32, #tpu.memory_space<vmem>>
    %dma_start3A_407 = arith.constant 160 : i32
    %dma_start3A_408 = arith.constant 0 : i32
    %dma_start3A_409 = tpu.memref_slice %arg4[%add3A_400, %dma_start3A_407, %dma_start3A_408] : memref<4096x200x128xf32, #tpu.memory_space<hbm>> -> memref<1x40x64xf32, #tpu.memory_space<hbm>>
    %dma_start3A_410 = tpu.memref_squeeze %dma_start3A_409 : memref<1x40x64xf32, #tpu.memory_space<hbm>> -> memref<40x64xf32, #tpu.memory_space<hbm>>
    %dma_start3A_411 = tpu.memref_slice %arg8[%dma_start3A_402] : memref<8x!tpu.dma_semaphore, #tpu.memory_space<semaphore_mem>> -> memref<1x!tpu.dma_semaphore, #tpu.memory_space<semaphore_mem>>
    %dma_start3A_412 = tpu.memref_squeeze %dma_start3A_411 : memref<1x!tpu.dma_semaphore, #tpu.memory_space<semaphore_mem>> -> memref<!tpu.dma_semaphore, #tpu.memory_space<semaphore_mem>>
    %dma_start3A_413 = arith.constant 160 : i32
    %dma_start3A_414 = arith.constant 0 : i32
    %dma_start3A_415 = tpu.memref_slice %arg4[%add3A_400, %dma_start3A_413, %dma_start3A_414] : memref<4096x200x128xf32, #tpu.memory_space<hbm>> -> memref<1x40x64xf32, #tpu.memory_space<hbm>>
    %dma_start3A_416 = tpu.memref_squeeze %dma_start3A_415 : memref<1x40x64xf32, #tpu.memory_space<hbm>> -> memref<40x64xf32, #tpu.memory_space<hbm>>
    %dma_start3A_417 = arith.constant 0 : i32
    %dma_start3A_418 = arith.constant 0 : i32
    %dma_start3A_419 = tpu.memref_slice %arg6[%dma_start3A_401, %dma_start3A_417, %dma_start3A_418] : memref<8x40x128xf32, #tpu.memory_space<vmem>> -> memref<1x40x64xf32, #tpu.memory_space<vmem>>
    %dma_start3A_420 = tpu.memref_squeeze %dma_start3A_419 : memref<1x40x64xf32, #tpu.memory_space<vmem>> -> memref<40x64xf32, #tpu.memory_space<vmem>>
    tpu.enqueue_dma source(%dma_start3A_420 : memref<40x64xf32, #tpu.memory_space<vmem>>) target(%dma_start3A_416 : memref<40x64xf32, #tpu.memory_space<hbm>>) target_semaphore(%dma_start3A_412 : memref<!tpu.dma_semaphore, #tpu.memory_space<semaphore_mem>>)
    %add3A_421 = arith.constant 126 : i32
    %add3A_422 = arith.addi %mul3A_2, %add3A_421 : i32
    %dma_wait3A_423 = arith.constant 0 : i32
    %dma_wait3A_424 = arith.constant 0 : i32
    %dma_wait3A_425 = arith.constant 0 : i32
    %dma_wait3A_426 = arith.constant 0 : i32
    %dma_wait3A_427 = tpu.memref_slice %arg6[%dma_wait3A_423, %dma_wait3A_425, %dma_wait3A_426] : memref<8x40x128xf32, #tpu.memory_space<vmem>> -> memref<1x40x64xf32, #tpu.memory_space<vmem>>
    %dma_wait3A_428 = tpu.memref_squeeze %dma_wait3A_427 : memref<1x40x64xf32, #tpu.memory_space<vmem>> -> memref<40x64xf32, #tpu.memory_space<vmem>>
    %dma_wait3A_429 = arith.constant 80 : i32
    %dma_wait3A_430 = arith.constant 0 : i32
    %dma_wait3A_431 = tpu.memref_slice %arg4[%add3A_422, %dma_wait3A_429, %dma_wait3A_430] : memref<4096x200x128xf32, #tpu.memory_space<hbm>> -> memref<1x40x64xf32, #tpu.memory_space<hbm>>
    %dma_wait3A_432 = tpu.memref_squeeze %dma_wait3A_431 : memref<1x40x64xf32, #tpu.memory_space<hbm>> -> memref<40x64xf32, #tpu.memory_space<hbm>>
    %dma_wait3A_433 = tpu.memref_slice %arg8[%dma_wait3A_424] : memref<8x!tpu.dma_semaphore, #tpu.memory_space<semaphore_mem>> -> memref<1x!tpu.dma_semaphore, #tpu.memory_space<semaphore_mem>>
    %dma_wait3A_434 = tpu.memref_squeeze %dma_wait3A_433 : memref<1x!tpu.dma_semaphore, #tpu.memory_space<semaphore_mem>> -> memref<!tpu.dma_semaphore, #tpu.memory_space<semaphore_mem>>
    %dma_wait3A_435 = arith.constant 80 : i32
    %dma_wait3A_436 = arith.constant 0 : i32
    %dma_wait3A_437 = tpu.memref_slice %arg4[%add3A_422, %dma_wait3A_435, %dma_wait3A_436] : memref<4096x200x128xf32, #tpu.memory_space<hbm>> -> memref<1x40x64xf32, #tpu.memory_space<hbm>>
    %dma_wait3A_438 = tpu.memref_squeeze %dma_wait3A_437 : memref<1x40x64xf32, #tpu.memory_space<hbm>> -> memref<40x64xf32, #tpu.memory_space<hbm>>
    %dma_wait3A_439 = arith.constant 0 : i32
    %dma_wait3A_440 = arith.constant 0 : i32
    %dma_wait3A_441 = tpu.memref_slice %arg6[%dma_wait3A_423, %dma_wait3A_439, %dma_wait3A_440] : memref<8x40x128xf32, #tpu.memory_space<vmem>> -> memref<1x40x64xf32, #tpu.memory_space<vmem>>
    %dma_wait3A_442 = tpu.memref_squeeze %dma_wait3A_441 : memref<1x40x64xf32, #tpu.memory_space<vmem>> -> memref<40x64xf32, #tpu.memory_space<vmem>>
    tpu.wait_dma2 semaphore(%dma_wait3A_434 : memref<!tpu.dma_semaphore, #tpu.memory_space<semaphore_mem>>) src(%dma_wait3A_442 : memref<40x64xf32, #tpu.memory_space<vmem>>) dst(%dma_wait3A_438 : memref<40x64xf32, #tpu.memory_space<hbm>>)
    %add3A_443 = arith.constant 126 : i32
    %add3A_444 = arith.addi %mul3A_2, %add3A_443 : i32
    %dma_wait3A_445 = arith.constant 1 : i32
    %dma_wait3A_446 = arith.constant 1 : i32
    %dma_wait3A_447 = arith.constant 0 : i32
    %dma_wait3A_448 = arith.constant 0 : i32
    %dma_wait3A_449 = tpu.memref_slice %arg6[%dma_wait3A_445, %dma_wait3A_447, %dma_wait3A_448] : memref<8x40x128xf32, #tpu.memory_space<vmem>> -> memref<1x40x64xf32, #tpu.memory_space<vmem>>
    %dma_wait3A_450 = tpu.memref_squeeze %dma_wait3A_449 : memref<1x40x64xf32, #tpu.memory_space<vmem>> -> memref<40x64xf32, #tpu.memory_space<vmem>>
    %dma_wait3A_451 = arith.constant 120 : i32
    %dma_wait3A_452 = arith.constant 0 : i32
    %dma_wait3A_453 = tpu.memref_slice %arg4[%add3A_444, %dma_wait3A_451, %dma_wait3A_452] : memref<4096x200x128xf32, #tpu.memory_space<hbm>> -> memref<1x40x64xf32, #tpu.memory_space<hbm>>
    %dma_wait3A_454 = tpu.memref_squeeze %dma_wait3A_453 : memref<1x40x64xf32, #tpu.memory_space<hbm>> -> memref<40x64xf32, #tpu.memory_space<hbm>>
    %dma_wait3A_455 = tpu.memref_slice %arg8[%dma_wait3A_446] : memref<8x!tpu.dma_semaphore, #tpu.memory_space<semaphore_mem>> -> memref<1x!tpu.dma_semaphore, #tpu.memory_space<semaphore_mem>>
    %dma_wait3A_456 = tpu.memref_squeeze %dma_wait3A_455 : memref<1x!tpu.dma_semaphore, #tpu.memory_space<semaphore_mem>> -> memref<!tpu.dma_semaphore, #tpu.memory_space<semaphore_mem>>
    %dma_wait3A_457 = arith.constant 120 : i32
    %dma_wait3A_458 = arith.constant 0 : i32
    %dma_wait3A_459 = tpu.memref_slice %arg4[%add3A_444, %dma_wait3A_457, %dma_wait3A_458] : memref<4096x200x128xf32, #tpu.memory_space<hbm>> -> memref<1x40x64xf32, #tpu.memory_space<hbm>>
    %dma_wait3A_460 = tpu.memref_squeeze %dma_wait3A_459 : memref<1x40x64xf32, #tpu.memory_space<hbm>> -> memref<40x64xf32, #tpu.memory_space<hbm>>
    %dma_wait3A_461 = arith.constant 0 : i32
    %dma_wait3A_462 = arith.constant 0 : i32
    %dma_wait3A_463 = tpu.memref_slice %arg6[%dma_wait3A_445, %dma_wait3A_461, %dma_wait3A_462] : memref<8x40x128xf32, #tpu.memory_space<vmem>> -> memref<1x40x64xf32, #tpu.memory_space<vmem>>
    %dma_wait3A_464 = tpu.memref_squeeze %dma_wait3A_463 : memref<1x40x64xf32, #tpu.memory_space<vmem>> -> memref<40x64xf32, #tpu.memory_space<vmem>>
    tpu.wait_dma2 semaphore(%dma_wait3A_456 : memref<!tpu.dma_semaphore, #tpu.memory_space<semaphore_mem>>) src(%dma_wait3A_464 : memref<40x64xf32, #tpu.memory_space<vmem>>) dst(%dma_wait3A_460 : memref<40x64xf32, #tpu.memory_space<hbm>>)
    %add3A_465 = arith.constant 126 : i32
    %add3A_466 = arith.addi %mul3A_2, %add3A_465 : i32
    %dma_wait3A_467 = arith.constant 2 : i32
    %dma_wait3A_468 = arith.constant 2 : i32
    %dma_wait3A_469 = arith.constant 0 : i32
    %dma_wait3A_470 = arith.constant 0 : i32
    %dma_wait3A_471 = tpu.memref_slice %arg6[%dma_wait3A_467, %dma_wait3A_469, %dma_wait3A_470] : memref<8x40x128xf32, #tpu.memory_space<vmem>> -> memref<1x40x64xf32, #tpu.memory_space<vmem>>
    %dma_wait3A_472 = tpu.memref_squeeze %dma_wait3A_471 : memref<1x40x64xf32, #tpu.memory_space<vmem>> -> memref<40x64xf32, #tpu.memory_space<vmem>>
    %dma_wait3A_473 = arith.constant 160 : i32
    %dma_wait3A_474 = arith.constant 0 : i32
    %dma_wait3A_475 = tpu.memref_slice %arg4[%add3A_466, %dma_wait3A_473, %dma_wait3A_474] : memref<4096x200x128xf32, #tpu.memory_space<hbm>> -> memref<1x40x64xf32, #tpu.memory_space<hbm>>
    %dma_wait3A_476 = tpu.memref_squeeze %dma_wait3A_475 : memref<1x40x64xf32, #tpu.memory_space<hbm>> -> memref<40x64xf32, #tpu.memory_space<hbm>>
    %dma_wait3A_477 = tpu.memref_slice %arg8[%dma_wait3A_468] : memref<8x!tpu.dma_semaphore, #tpu.memory_space<semaphore_mem>> -> memref<1x!tpu.dma_semaphore, #tpu.memory_space<semaphore_mem>>
    %dma_wait3A_478 = tpu.memref_squeeze %dma_wait3A_477 : memref<1x!tpu.dma_semaphore, #tpu.memory_space<semaphore_mem>> -> memref<!tpu.dma_semaphore, #tpu.memory_space<semaphore_mem>>
    %dma_wait3A_479 = arith.constant 160 : i32
    %dma_wait3A_480 = arith.constant 0 : i32
    %dma_wait3A_481 = tpu.memref_slice %arg4[%add3A_466, %dma_wait3A_479, %dma_wait3A_480] : memref<4096x200x128xf32, #tpu.memory_space<hbm>> -> memref<1x40x64xf32, #tpu.memory_space<hbm>>
    %dma_wait3A_482 = tpu.memref_squeeze %dma_wait3A_481 : memref<1x40x64xf32, #tpu.memory_space<hbm>> -> memref<40x64xf32, #tpu.memory_space<hbm>>
    %dma_wait3A_483 = arith.constant 0 : i32
    %dma_wait3A_484 = arith.constant 0 : i32
    %dma_wait3A_485 = tpu.memref_slice %arg6[%dma_wait3A_467, %dma_wait3A_483, %dma_wait3A_484] : memref<8x40x128xf32, #tpu.memory_space<vmem>> -> memref<1x40x64xf32, #tpu.memory_space<vmem>>
    %dma_wait3A_486 = tpu.memref_squeeze %dma_wait3A_485 : memref<1x40x64xf32, #tpu.memory_space<vmem>> -> memref<40x64xf32, #tpu.memory_space<vmem>>
    tpu.wait_dma2 semaphore(%dma_wait3A_478 : memref<!tpu.dma_semaphore, #tpu.memory_space<semaphore_mem>>) src(%dma_wait3A_486 : memref<40x64xf32, #tpu.memory_space<vmem>>) dst(%dma_wait3A_482 : memref<40x64xf32, #tpu.memory_space<hbm>>)
    %add3A_487 = arith.constant 127 : i32
    %add3A_488 = arith.addi %mul3A_2, %add3A_487 : i32
    %dma_wait3A_489 = arith.constant 3 : i32
    %dma_wait3A_490 = arith.constant 3 : i32
    %dma_wait3A_491 = arith.constant 0 : i32
    %dma_wait3A_492 = arith.constant 0 : i32
    %dma_wait3A_493 = tpu.memref_slice %arg6[%dma_wait3A_489, %dma_wait3A_491, %dma_wait3A_492] : memref<8x40x128xf32, #tpu.memory_space<vmem>> -> memref<1x40x64xf32, #tpu.memory_space<vmem>>
    %dma_wait3A_494 = tpu.memref_squeeze %dma_wait3A_493 : memref<1x40x64xf32, #tpu.memory_space<vmem>> -> memref<40x64xf32, #tpu.memory_space<vmem>>
    %dma_wait3A_495 = arith.constant 0 : i32
    %dma_wait3A_496 = arith.constant 0 : i32
    %dma_wait3A_497 = tpu.memref_slice %arg4[%add3A_488, %dma_wait3A_495, %dma_wait3A_496] : memref<4096x200x128xf32, #tpu.memory_space<hbm>> -> memref<1x40x64xf32, #tpu.memory_space<hbm>>
    %dma_wait3A_498 = tpu.memref_squeeze %dma_wait3A_497 : memref<1x40x64xf32, #tpu.memory_space<hbm>> -> memref<40x64xf32, #tpu.memory_space<hbm>>
    %dma_wait3A_499 = tpu.memref_slice %arg8[%dma_wait3A_490] : memref<8x!tpu.dma_semaphore, #tpu.memory_space<semaphore_mem>> -> memref<1x!tpu.dma_semaphore, #tpu.memory_space<semaphore_mem>>
    %dma_wait3A_500 = tpu.memref_squeeze %dma_wait3A_499 : memref<1x!tpu.dma_semaphore, #tpu.memory_space<semaphore_mem>> -> memref<!tpu.dma_semaphore, #tpu.memory_space<semaphore_mem>>
    %dma_wait3A_501 = arith.constant 0 : i32
    %dma_wait3A_502 = arith.constant 0 : i32
    %dma_wait3A_503 = tpu.memref_slice %arg4[%add3A_488, %dma_wait3A_501, %dma_wait3A_502] : memref<4096x200x128xf32, #tpu.memory_space<hbm>> -> memref<1x40x64xf32, #tpu.memory_space<hbm>>
    %dma_wait3A_504 = tpu.memref_squeeze %dma_wait3A_503 : memref<1x40x64xf32, #tpu.memory_space<hbm>> -> memref<40x64xf32, #tpu.memory_space<hbm>>
    %dma_wait3A_505 = arith.constant 0 : i32
    %dma_wait3A_506 = arith.constant 0 : i32
    %dma_wait3A_507 = tpu.memref_slice %arg6[%dma_wait3A_489, %dma_wait3A_505, %dma_wait3A_506] : memref<8x40x128xf32, #tpu.memory_space<vmem>> -> memref<1x40x64xf32, #tpu.memory_space<vmem>>
    %dma_wait3A_508 = tpu.memref_squeeze %dma_wait3A_507 : memref<1x40x64xf32, #tpu.memory_space<vmem>> -> memref<40x64xf32, #tpu.memory_space<vmem>>
    tpu.wait_dma2 semaphore(%dma_wait3A_500 : memref<!tpu.dma_semaphore, #tpu.memory_space<semaphore_mem>>) src(%dma_wait3A_508 : memref<40x64xf32, #tpu.memory_space<vmem>>) dst(%dma_wait3A_504 : memref<40x64xf32, #tpu.memory_space<hbm>>)
    %add3A_509 = arith.constant 127 : i32
    %add3A_510 = arith.addi %mul3A_2, %add3A_509 : i32
    %dma_wait3A_511 = arith.constant 4 : i32
    %dma_wait3A_512 = arith.constant 4 : i32
    %dma_wait3A_513 = arith.constant 0 : i32
    %dma_wait3A_514 = arith.constant 0 : i32
    %dma_wait3A_515 = tpu.memref_slice %arg6[%dma_wait3A_511, %dma_wait3A_513, %dma_wait3A_514] : memref<8x40x128xf32, #tpu.memory_space<vmem>> -> memref<1x40x64xf32, #tpu.memory_space<vmem>>
    %dma_wait3A_516 = tpu.memref_squeeze %dma_wait3A_515 : memref<1x40x64xf32, #tpu.memory_space<vmem>> -> memref<40x64xf32, #tpu.memory_space<vmem>>
    %dma_wait3A_517 = arith.constant 40 : i32
    %dma_wait3A_518 = arith.constant 0 : i32
    %dma_wait3A_519 = tpu.memref_slice %arg4[%add3A_510, %dma_wait3A_517, %dma_wait3A_518] : memref<4096x200x128xf32, #tpu.memory_space<hbm>> -> memref<1x40x64xf32, #tpu.memory_space<hbm>>
    %dma_wait3A_520 = tpu.memref_squeeze %dma_wait3A_519 : memref<1x40x64xf32, #tpu.memory_space<hbm>> -> memref<40x64xf32, #tpu.memory_space<hbm>>
    %dma_wait3A_521 = tpu.memref_slice %arg8[%dma_wait3A_512] : memref<8x!tpu.dma_semaphore, #tpu.memory_space<semaphore_mem>> -> memref<1x!tpu.dma_semaphore, #tpu.memory_space<semaphore_mem>>
    %dma_wait3A_522 = tpu.memref_squeeze %dma_wait3A_521 : memref<1x!tpu.dma_semaphore, #tpu.memory_space<semaphore_mem>> -> memref<!tpu.dma_semaphore, #tpu.memory_space<semaphore_mem>>
    %dma_wait3A_523 = arith.constant 40 : i32
    %dma_wait3A_524 = arith.constant 0 : i32
    %dma_wait3A_525 = tpu.memref_slice %arg4[%add3A_510, %dma_wait3A_523, %dma_wait3A_524] : memref<4096x200x128xf32, #tpu.memory_space<hbm>> -> memref<1x40x64xf32, #tpu.memory_space<hbm>>
    %dma_wait3A_526 = tpu.memref_squeeze %dma_wait3A_525 : memref<1x40x64xf32, #tpu.memory_space<hbm>> -> memref<40x64xf32, #tpu.memory_space<hbm>>
    %dma_wait3A_527 = arith.constant 0 : i32
    %dma_wait3A_528 = arith.constant 0 : i32
    %dma_wait3A_529 = tpu.memref_slice %arg6[%dma_wait3A_511, %dma_wait3A_527, %dma_wait3A_528] : memref<8x40x128xf32, #tpu.memory_space<vmem>> -> memref<1x40x64xf32, #tpu.memory_space<vmem>>
    %dma_wait3A_530 = tpu.memref_squeeze %dma_wait3A_529 : memref<1x40x64xf32, #tpu.memory_space<vmem>> -> memref<40x64xf32, #tpu.memory_space<vmem>>
    tpu.wait_dma2 semaphore(%dma_wait3A_522 : memref<!tpu.dma_semaphore, #tpu.memory_space<semaphore_mem>>) src(%dma_wait3A_530 : memref<40x64xf32, #tpu.memory_space<vmem>>) dst(%dma_wait3A_526 : memref<40x64xf32, #tpu.memory_space<hbm>>)
    %add3A_531 = arith.constant 127 : i32
    %add3A_532 = arith.addi %mul3A_2, %add3A_531 : i32
    %dma_wait3A_533 = arith.constant 5 : i32
    %dma_wait3A_534 = arith.constant 5 : i32
    %dma_wait3A_535 = arith.constant 0 : i32
    %dma_wait3A_536 = arith.constant 0 : i32
    %dma_wait3A_537 = tpu.memref_slice %arg6[%dma_wait3A_533, %dma_wait3A_535, %dma_wait3A_536] : memref<8x40x128xf32, #tpu.memory_space<vmem>> -> memref<1x40x64xf32, #tpu.memory_space<vmem>>
    %dma_wait3A_538 = tpu.memref_squeeze %dma_wait3A_537 : memref<1x40x64xf32, #tpu.memory_space<vmem>> -> memref<40x64xf32, #tpu.memory_space<vmem>>
    %dma_wait3A_539 = arith.constant 80 : i32
    %dma_wait3A_540 = arith.constant 0 : i32
    %dma_wait3A_541 = tpu.memref_slice %arg4[%add3A_532, %dma_wait3A_539, %dma_wait3A_540] : memref<4096x200x128xf32, #tpu.memory_space<hbm>> -> memref<1x40x64xf32, #tpu.memory_space<hbm>>
    %dma_wait3A_542 = tpu.memref_squeeze %dma_wait3A_541 : memref<1x40x64xf32, #tpu.memory_space<hbm>> -> memref<40x64xf32, #tpu.memory_space<hbm>>
    %dma_wait3A_543 = tpu.memref_slice %arg8[%dma_wait3A_534] : memref<8x!tpu.dma_semaphore, #tpu.memory_space<semaphore_mem>> -> memref<1x!tpu.dma_semaphore, #tpu.memory_space<semaphore_mem>>
    %dma_wait3A_544 = tpu.memref_squeeze %dma_wait3A_543 : memref<1x!tpu.dma_semaphore, #tpu.memory_space<semaphore_mem>> -> memref<!tpu.dma_semaphore, #tpu.memory_space<semaphore_mem>>
    %dma_wait3A_545 = arith.constant 80 : i32
    %dma_wait3A_546 = arith.constant 0 : i32
    %dma_wait3A_547 = tpu.memref_slice %arg4[%add3A_532, %dma_wait3A_545, %dma_wait3A_546] : memref<4096x200x128xf32, #tpu.memory_space<hbm>> -> memref<1x40x64xf32, #tpu.memory_space<hbm>>
    %dma_wait3A_548 = tpu.memref_squeeze %dma_wait3A_547 : memref<1x40x64xf32, #tpu.memory_space<hbm>> -> memref<40x64xf32, #tpu.memory_space<hbm>>
    %dma_wait3A_549 = arith.constant 0 : i32
    %dma_wait3A_550 = arith.constant 0 : i32
    %dma_wait3A_551 = tpu.memref_slice %arg6[%dma_wait3A_533, %dma_wait3A_549, %dma_wait3A_550] : memref<8x40x128xf32, #tpu.memory_space<vmem>> -> memref<1x40x64xf32, #tpu.memory_space<vmem>>
    %dma_wait3A_552 = tpu.memref_squeeze %dma_wait3A_551 : memref<1x40x64xf32, #tpu.memory_space<vmem>> -> memref<40x64xf32, #tpu.memory_space<vmem>>
    tpu.wait_dma2 semaphore(%dma_wait3A_544 : memref<!tpu.dma_semaphore, #tpu.memory_space<semaphore_mem>>) src(%dma_wait3A_552 : memref<40x64xf32, #tpu.memory_space<vmem>>) dst(%dma_wait3A_548 : memref<40x64xf32, #tpu.memory_space<hbm>>)
    %add3A_553 = arith.constant 127 : i32
    %add3A_554 = arith.addi %mul3A_2, %add3A_553 : i32
    %dma_wait3A_555 = arith.constant 6 : i32
    %dma_wait3A_556 = arith.constant 6 : i32
    %dma_wait3A_557 = arith.constant 0 : i32
    %dma_wait3A_558 = arith.constant 0 : i32
    %dma_wait3A_559 = tpu.memref_slice %arg6[%dma_wait3A_555, %dma_wait3A_557, %dma_wait3A_558] : memref<8x40x128xf32, #tpu.memory_space<vmem>> -> memref<1x40x64xf32, #tpu.memory_space<vmem>>
    %dma_wait3A_560 = tpu.memref_squeeze %dma_wait3A_559 : memref<1x40x64xf32, #tpu.memory_space<vmem>> -> memref<40x64xf32, #tpu.memory_space<vmem>>
    %dma_wait3A_561 = arith.constant 120 : i32
    %dma_wait3A_562 = arith.constant 0 : i32
    %dma_wait3A_563 = tpu.memref_slice %arg4[%add3A_554, %dma_wait3A_561, %dma_wait3A_562] : memref<4096x200x128xf32, #tpu.memory_space<hbm>> -> memref<1x40x64xf32, #tpu.memory_space<hbm>>
    %dma_wait3A_564 = tpu.memref_squeeze %dma_wait3A_563 : memref<1x40x64xf32, #tpu.memory_space<hbm>> -> memref<40x64xf32, #tpu.memory_space<hbm>>
    %dma_wait3A_565 = tpu.memref_slice %arg8[%dma_wait3A_556] : memref<8x!tpu.dma_semaphore, #tpu.memory_space<semaphore_mem>> -> memref<1x!tpu.dma_semaphore, #tpu.memory_space<semaphore_mem>>
    %dma_wait3A_566 = tpu.memref_squeeze %dma_wait3A_565 : memref<1x!tpu.dma_semaphore, #tpu.memory_space<semaphore_mem>> -> memref<!tpu.dma_semaphore, #tpu.memory_space<semaphore_mem>>
    %dma_wait3A_567 = arith.constant 120 : i32
    %dma_wait3A_568 = arith.constant 0 : i32
    %dma_wait3A_569 = tpu.memref_slice %arg4[%add3A_554, %dma_wait3A_567, %dma_wait3A_568] : memref<4096x200x128xf32, #tpu.memory_space<hbm>> -> memref<1x40x64xf32, #tpu.memory_space<hbm>>
    %dma_wait3A_570 = tpu.memref_squeeze %dma_wait3A_569 : memref<1x40x64xf32, #tpu.memory_space<hbm>> -> memref<40x64xf32, #tpu.memory_space<hbm>>
    %dma_wait3A_571 = arith.constant 0 : i32
    %dma_wait3A_572 = arith.constant 0 : i32
    %dma_wait3A_573 = tpu.memref_slice %arg6[%dma_wait3A_555, %dma_wait3A_571, %dma_wait3A_572] : memref<8x40x128xf32, #tpu.memory_space<vmem>> -> memref<1x40x64xf32, #tpu.memory_space<vmem>>
    %dma_wait3A_574 = tpu.memref_squeeze %dma_wait3A_573 : memref<1x40x64xf32, #tpu.memory_space<vmem>> -> memref<40x64xf32, #tpu.memory_space<vmem>>
    tpu.wait_dma2 semaphore(%dma_wait3A_566 : memref<!tpu.dma_semaphore, #tpu.memory_space<semaphore_mem>>) src(%dma_wait3A_574 : memref<40x64xf32, #tpu.memory_space<vmem>>) dst(%dma_wait3A_570 : memref<40x64xf32, #tpu.memory_space<hbm>>)
    %add3A_575 = arith.constant 127 : i32
    %add3A_576 = arith.addi %mul3A_2, %add3A_575 : i32
    %dma_wait3A_577 = arith.constant 7 : i32
    %dma_wait3A_578 = arith.constant 7 : i32
    %dma_wait3A_579 = arith.constant 0 : i32
    %dma_wait3A_580 = arith.constant 0 : i32
    %dma_wait3A_581 = tpu.memref_slice %arg6[%dma_wait3A_577, %dma_wait3A_579, %dma_wait3A_580] : memref<8x40x128xf32, #tpu.memory_space<vmem>> -> memref<1x40x64xf32, #tpu.memory_space<vmem>>
    %dma_wait3A_582 = tpu.memref_squeeze %dma_wait3A_581 : memref<1x40x64xf32, #tpu.memory_space<vmem>> -> memref<40x64xf32, #tpu.memory_space<vmem>>
    %dma_wait3A_583 = arith.constant 160 : i32
    %dma_wait3A_584 = arith.constant 0 : i32
    %dma_wait3A_585 = tpu.memref_slice %arg4[%add3A_576, %dma_wait3A_583, %dma_wait3A_584] : memref<4096x200x128xf32, #tpu.memory_space<hbm>> -> memref<1x40x64xf32, #tpu.memory_space<hbm>>
    %dma_wait3A_586 = tpu.memref_squeeze %dma_wait3A_585 : memref<1x40x64xf32, #tpu.memory_space<hbm>> -> memref<40x64xf32, #tpu.memory_space<hbm>>
    %dma_wait3A_587 = tpu.memref_slice %arg8[%dma_wait3A_578] : memref<8x!tpu.dma_semaphore, #tpu.memory_space<semaphore_mem>> -> memref<1x!tpu.dma_semaphore, #tpu.memory_space<semaphore_mem>>
    %dma_wait3A_588 = tpu.memref_squeeze %dma_wait3A_587 : memref<1x!tpu.dma_semaphore, #tpu.memory_space<semaphore_mem>> -> memref<!tpu.dma_semaphore, #tpu.memory_space<semaphore_mem>>
    %dma_wait3A_589 = arith.constant 160 : i32
    %dma_wait3A_590 = arith.constant 0 : i32
    %dma_wait3A_591 = tpu.memref_slice %arg4[%add3A_576, %dma_wait3A_589, %dma_wait3A_590] : memref<4096x200x128xf32, #tpu.memory_space<hbm>> -> memref<1x40x64xf32, #tpu.memory_space<hbm>>
    %dma_wait3A_592 = tpu.memref_squeeze %dma_wait3A_591 : memref<1x40x64xf32, #tpu.memory_space<hbm>> -> memref<40x64xf32, #tpu.memory_space<hbm>>
    %dma_wait3A_593 = arith.constant 0 : i32
    %dma_wait3A_594 = arith.constant 0 : i32
    %dma_wait3A_595 = tpu.memref_slice %arg6[%dma_wait3A_577, %dma_wait3A_593, %dma_wait3A_594] : memref<8x40x128xf32, #tpu.memory_space<vmem>> -> memref<1x40x64xf32, #tpu.memory_space<vmem>>
    %dma_wait3A_596 = tpu.memref_squeeze %dma_wait3A_595 : memref<1x40x64xf32, #tpu.memory_space<vmem>> -> memref<40x64xf32, #tpu.memory_space<vmem>>
    tpu.wait_dma2 semaphore(%dma_wait3A_588 : memref<!tpu.dma_semaphore, #tpu.memory_space<semaphore_mem>>) src(%dma_wait3A_596 : memref<40x64xf32, #tpu.memory_space<vmem>>) dst(%dma_wait3A_592 : memref<40x64xf32, #tpu.memory_space<hbm>>)
    return
  }
}

</mosaic_0001>

<sc_bundles>
// kernel: kernel.3.cloned.1.call-start
scs
__scs_entry_jumppad:
0x0: {  	(pc) =	sbr.rel $0x88, $3  }
0x1: {  	(tag) =	ssettag $0x0;
	lr =	simm.s32 $0x1  }
0x2: {  	[smem:$0x3F9F] =	sst lr;
	_ =	strace $0xD0000000  }
0x3: {  	_ = 	snop  }
0x4: {  	_ = 	snop  }
0x5: {  	_ = 	snop  }
0x6: {  	_ = 	snop  }
0x7: {  	_ = 	snop  }
__scs_overlays_trampoline_lowered:
0x8: {  	[smem:$0x3FAE] =	sst s0  }
0x9: {  	[smem:$0x3FAF] =	sst s1  }
0xa: {  	[smem:$0x3FB0] =	sst s2  }
0xb: {  	[smem:$0x3FB1] =	sst s3  }
0xc: {  	[smem:$0x3FB2] =	sst s4  }
0xd: {  	[smem:$0x3FB3] =	sst s5  }
0xe: {  	[smem:$0x3FB4] =	sst s6  }
0xf: {  	[smem:$0x3FB5] =	sst s7  }
0x10: {  	[smem:$0x3FB6] =	sst s8  }
0x11: {  	[smem:$0x3FB7] =	sst s9;
	s0 =	simm.s32 @!p0 $0x0  }
0x12: {  	s1 =	sld [smem:$0x3F9D];
	s0 =	simm.s32 @p0 $0x1  }
0x13: {  	[smem:$0x3FB8] =	sst s0;
	s0 =	simm.s32 @!p1 $0x0  }
0x14: {  	s2 =	sld [smem:$0x3F9C];
	s0 =	simm.s32 @p1 $0x1  }
0x15: {  	[smem:$0x3FB9] =	sst s0;
	s0 =	simm.s32 @!p2 $0x0  }
0x16: {  	s3 =	sld [smem:$0x3FDB];
	s0 =	simm.s32 @p2 $0x1  }
0x17: {  	s4 =	simm.s32 $0x1BF5;
	[smem:$0x3FBB] =	sst s0  }
0x18: {  	s0 =	sld [smem:$0x3F9E];
	_ =	swait.ge [sflag:s4], $0x0  }
0x19: {  	s7 =	sld [smem:$0x3F9F]  }
0x1a: {  	s8 =	sadd.s32 $0xFFFFE003, lr  }
0x1b: {  	s9 =	sadd.s32 $0xFFFFFEF7, lr;
	s5 =	simm.s32 $0xFFFFFFFF;
	p2 =	slt.u32 s8, $0xFFFFF086  }
0x1c: {  	p1 =	slt.u32 s9, $0xF7A;
	s5 =	simm.s32 @!p2 $0x0  }
0x1d: {  	s5 =	simm.s32 @p1 $0x1;
	p0 =	seq.s32 s7, s2  }
0x1e: {  	s7 =	smul.u32 @!p0 $0xF7A, s2;
	p2 =	seq.s32 @!p0 s5, $0x0  }
0x1f: {  	s9 =	smul.u32 $0xF7A, s1;
	s8 =	simm.s32 @!p0 $0x1BF5;
	p2 =	por !p2, p0  }
0x20: {  	[sflag:s8] =	ssyncset.s32 @!p0 $0xFFFFF086;
	s6 =	sadd.s32 @!p0 s3, s7;
	s7 =	simm.s32 @!p0 $0x108  }
0x21: {  	s3 =	sadd.s32 s3, s9;
	s6 =	sadd.s32 @!p0 $0x88, s6;
	s7 =	simm.s32 @p2 $0x1082  }
0x22: {  	[simem:s7], [sflag:s8] =	dma.local @!p0 [hbm:s6], $0xF7A  }
0x23: {  	s9 =	sor.u32 $0xD0000000, s2;
	s6 =	simm.s32 $0x108;
	_ =	swait.ge @!p0 [sflag:s8], $0x0  }
0x24: {  	s3 =	sadd.s32 $0x88, s3;
	s6 =	simm.s32 @!p1 $0x1082;
	[sflag:s4] =	ssyncset.s32 $0xFFFFF086  }
0x25: {  	[simem:s6], [sflag:s4] =	dma.local [hbm:s3], $0xF7A  }
0x26: {  	[smem:$0x3F9F] =	sst s1;
	(tag) =	ssettag s2;
	_ =	strace s9  }
0x27: {  	s1 =	sld [smem:$0x3FAF]  }
0x28: {  	s2 =	sld [smem:$0x3FB0]  }
0x29: {  	s4 =	sld [smem:$0x3FB2]  }
0x2a: {  	p0 =	seq.s32 s5, $0x0;
	s5 =	sld [smem:$0x3FB3]  }
0x2b: {  	s6 =	sld [smem:$0x3FB4]  }
0x2c: {  	s7 =	sld [smem:$0x3FB5]  }
0x2d: {  	s3 =	simm.s32 $0x108;
	s8 =	sld [smem:$0x3FB6]  }
0x2e: {  	s3 =	simm.s32 @!p0 $0x1082;
	s9 =	sld [smem:$0x3FB7]  }
0x2f: {  	lr =	sadd.s32 s0, s3;
	s0 =	sld [smem:$0x3FAE]  }
0x30: {  	s3 =	sld [smem:$0x3FB1]  }
0x31: {  	[smem:$0x3FBA] =	sst s10  }
0x32: {  	s10 =	sld [smem:$0x3FB8];
	_ =	sdelay $0x3  }
0x33: {  	p0 =	seq.s32 s10, $0x1;
	s10 =	sld [smem:$0x3FBA];
	_ =	sdelay $0x3  }
0x34: {  	[smem:$0x3FBA] =	sst s10  }
0x35: {  	s10 =	sld [smem:$0x3FB9];
	_ =	sdelay $0x3  }
0x36: {  	p1 =	seq.s32 s10, $0x1;
	s10 =	sld [smem:$0x3FBA];
	_ =	sdelay $0x3  }
0x37: {  	[smem:$0x3FBA] =	sst s10  }
0x38: {  	s10 =	sld [smem:$0x3FBB]  }
0x39: {  	_ = 	snop;
	(pc) =	sbr.ind lr, $3  }
0x3a: {  	_ = 	snop  }
0x3b: {  	_ = 	snop  }
0x3c: {  	p2 =	seq.s32 s10, $0x1;
	s10 =	sld [smem:$0x3FBA]  }
0x3d: {  	_ =	shalt  }
0x3e: {  	_ =	shalt  }
0x3f: {  	_ =	shalt  }
0x40: {  	_ =	shalt  }
0x41: {  	_ =	shalt  }
0x42: {  	_ =	shalt  }
0x43: {  	_ =	shalt  }
0x44: {  	_ =	shalt  }
0x45: {  	_ =	shalt  }
0x46: {  	_ =	shalt  }
0x47: {  	_ =	shalt  }
0x48: {  	_ =	shalt  }
0x49: {  	_ =	shalt  }
0x4a: {  	_ =	shalt  }
0x4b: {  	_ =	shalt  }
0x4c: {  	_ =	shalt  }
0x4d: {  	_ =	shalt  }
0x4e: {  	_ =	shalt  }
0x4f: {  	_ =	shalt  }
0x50: {  	_ =	shalt  }
0x51: {  	_ =	shalt  }
0x52: {  	_ =	shalt  }
0x53: {  	_ =	shalt  }
0x54: {  	_ =	shalt  }
0x55: {  	_ =	shalt  }
0x56: {  	_ =	shalt  }
0x57: {  	_ =	shalt  }
0x58: {  	_ =	shalt  }
0x59: {  	_ =	shalt  }
0x5a: {  	_ =	shalt  }
0x5b: {  	_ =	shalt  }
0x5c: {  	_ =	shalt  }
0x5d: {  	_ =	shalt  }
0x5e: {  	_ =	shalt  }
0x5f: {  	_ =	shalt  }
0x60: {  	_ =	shalt  }
0x61: {  	_ =	shalt  }
0x62: {  	_ =	shalt  }
0x63: {  	_ =	shalt  }
0x64: {  	_ =	shalt  }
0x65: {  	_ =	shalt  }
0x66: {  	_ =	shalt  }
0x67: {  	_ =	shalt  }
0x68: {  	_ =	shalt  }
0x69: {  	_ =	shalt  }
0x6a: {  	_ =	shalt  }
0x6b: {  	_ =	shalt  }
0x6c: {  	_ =	shalt  }
0x6d: {  	_ =	shalt  }
0x6e: {  	_ =	shalt  }
0x6f: {  	_ =	shalt  }
0x70: {  	_ =	shalt  }
0x71: {  	_ =	shalt  }
0x72: {  	_ =	shalt  }
0x73: {  	_ =	shalt  }
0x74: {  	_ =	shalt  }
0x75: {  	_ =	shalt  }
0x76: {  	_ =	shalt  }
0x77: {  	_ =	shalt  }
0x78: {  	_ =	shalt  }
0x79: {  	_ =	shalt  }
0x7a: {  	_ =	shalt  }
0x7b: {  	_ =	shalt  }
0x7c: {  	_ =	shalt  }
0x7d: {  	_ =	shalt  }
0x7e: {  	_ =	shalt  }
0x7f: {  	_ =	shalt  }
0x80: {  	_ =	shalt  }
0x81: {  	_ =	shalt  }
0x82: {  	_ =	shalt  }
0x83: {  	_ =	shalt  }
0x84: {  	_ =	shalt  }
0x85: {  	_ =	shalt  }
0x86: {  	_ =	shalt  }
0x87: {  	_ =	shalt  }
.Lfunc_end0:
.L_simem_size_0:
called_computation.1_lowered:
.L_overlay_start_0:
0x88: {  	s2 =	sld [smem:$0x3FD9]  }
0x89: {  	s3 =	sld [smem:$0x3FFE];
	_ =	sdelay $0x1  }
0x8a: {  	s1 =	srdreg.scid  }
0x8b: {  	s0 =	sand.u32 $0x1, s1  }
0x8c: {  	s17 =	sshll.u32 s0, $0xA;
	s2 =	sadd.s32 s3, s2  }
0x8d: {  	s2 =	sadd.s32 s2, s17  }
0x8e: {  	[smem:$0x3FC6] =	sst s2  }
0x8f: {  	_ = 	snop  }
0x90: {  	s2 =	sld [smem:$0x3FD0];
	(tm) =	ssettm $0x1  }
0x91: {  	s18 =	sld [smem:$0x3FFB];
	_ =	sdelay $0x3  }
0x92: {  	_ =	strace s18  }
0x93: {  	s3 =	sld [smem:$0x3FFC];
	_ =	sdelay $0x3  }
0x94: {  	_ =	strace s3  }
0x95: {  	s3 =	sld [smem:$0x3FFD];
	_ =	sdelay $0x3  }
0x96: {  	_ =	strace s3  }
0x97: {  	_ =	strace $0x8FFFFFFF  }
0x98: {  	s19 =	sld [smem:$0x3FDB];
	_ =	sdelay $0x1  }
0x99: {  	s4 =	simm.s32 $_scs_section_size  }
0x9a: {  	s5 =	simm.s32 $_size__tile_overlayer_lowered;
	s6 =	simm.s32 $_tile_overlayer_lowered  }
0x9b: {  	s22 =	simm.s32 $0x1BFF;
	s21 =	sshll.u32 s6, $0x1;
	s3 =	sadd.s32 s4, s19  }
0x9c: {  	s7 =	simm.s32 $0x0;
	s20 =	sshll.u32 s5, $0x1;
	s5 =	sadd.s32 s21, s3  }
0x9d: {  	[timem:s7], [sflag:s22] =	dma.local [hbm:s5], s20  }
0x9e: {  	_ =	swait.ge [sflag:s22], s20  }
0x9f: {  	s4 =	ssub.s32 $0x0, s20;
	[sflag:s22] =	ssyncset.done $0x0  }
0xa0: {  	[sflag:s22] =	ssyncadd.s32 s4;
	_ =	sdelay $0x1  }
0xa1: {  	s23 =	simm.s32 $0x1B8B  }
0xa2: {  	_ =	swait.ge [sflag:s23], $0x1  }
0xa3: {  	[sflag:s23] =	ssyncset.done $0x0  }
0xa4: {  	s25 =	simm.s32 $0x1B8E;
	s24 =	sld [smem:$0x3FFE];
	[sflag:s23] =	ssyncadd.s32 $0xFFFFFFFF  }
0xa5: {  	s26 =	simm.s32 $execute0_lowered;
	[smem:$0x3FD2] =	sst s25  }
0xa6: {  	s5 =	sshll.u32 s26, $0x1;
	_ =	strace $0x80000046;
	[dreg:$0x1] =	wrdreg $0xFFFFFFFF  }
0xa7: {  	s28 =	simm.s32 $_size_execute0_lowered;
	s3 =	sadd.s32 s3, s5;
	[dreg:$0x0] =	wrdreg $0x0  }
0xa8: {  	s5 =	sshll.u32 s28, $0x1;
	[dreg:$0x2] =	wrdreg s3  }
0xa9: {  	[dreg:$0x3] =	wrdreg s5  }
0xaa: {  	[dreg:$0x4] =	wrdreg $0xC0  }
0xab: {  	_ =	task [dreg:s7], $0x5FFFF  }
0xac: {  	[dreg:$0x1] =	wrdreg $0xFFFFFFFF  }
0xad: {  	[dreg:$0x0] =	wrdreg $0x60  }
0xae: {  	[dreg:$0x2] =	wrdreg s2  }
0xaf: {  	[dreg:$0x3] =	wrdreg s24  }
0xb0: {  	[dreg:$0x4] =	wrdreg $0x9  }
0xb1: {  	_ =	task.clear_ibuf [dreg:s7], $0x5FFFF;
	_ =	strace $0x90000046  }
0xb2: {  	s29 =	simm.s32 $0x9;
	_ =	strace $0x80000048  }
0xb3: {  	_ =	swait.ge [sflag:s29], $0x1  }
0xb4: {  	[sflag:s29] =	ssyncadd.s32 $0xFFFFFFFF  }
0xb5: {  	_ =	strace $0x90000048  }
0xb6: {  	_ =	sfence  }
0xb7: {  	s30 =	sld [smem:$0x0];
	_ =	sdelay $0x2  }
0xb8: {  	s31 =	sshll.u32 s1, $0xD;
	s1 =	sshrl.u32 s1, $0x2  }
0xb9: {  	s3 =	sand.u32 $0x4000, s31;
	s1 =	sadd.s32 s1, s30  }
0xba: {  	s0 =	sor.u32 s3, s0;
	s1 =	sshll.u32 s1, $0x11  }
0xbb: {  	s0 =	sor.u32 s1, s0  }
0xbc: {  	s0 =	sadd.s32 $0x8F2B, s0  }
0xbd: {  	[sflag:s0] =	ssyncadd.remote.s32 $0x1  }
0xbe: {  	_ =	sfence.sel $0xFFFF  }
0xbf: {  	[dreg:$0x0] =	wrdreg $0xFFFFFFFF;
	(pc) =	sbr.abs _section_cstart, $3  }
0xc0: {  	[dreg:$0x1] =	wrdreg $0xFFFFFFFF  }
0xc1: {  	_ =	task.clear_ibuf [dreg:s7], $0x2FFFF;
	_ =	strace $0x9FFFFFFF  }
0xc2: {  	(tm) =	ssettm $0x7FFFFFFF  }
0xc3: {  	_ =	shalt  }
tec
execute0_lowered:
.L_overlay_start_1:
0x0: {  	(tag) =	ssettag $0x1  }
0x1: {  	s0 =	rddreg [dreg:$0x0]  }
0x2: {  	s1 =	rddreg [dreg:$0x1]  }
0x3: {  	s2 =	srdreg.scid;
	s3 =	stileid.u32;
	s17 =	simm.s32 $0x28  }
0x4: {  	s31 =	simm.s32 $0x4;
	s15 =	simm.s32 $0x5;
	s16 =	simm.s32 $0xD  }
0x5: {  	s18 =	simm.s32 $0x6;
	s19 =	simm.s32 $0xE;
	s21 =	simm.s32 $0x7  }
0x6: {  	s23 =	simm.s32 $0xF;
	s25 =	simm.s32 $0x8;
	s5 =	sand.u32 $0x1, s2  }
0x7: {  	s2 =	simm.s32 $0x0;
	s3 =	sshll.u32 s3, $0x8;
	s4 =	sshll.u32 s5, $0x7  }
0x8: {  	[smem:$0x7FF] =	sst s2;
	s7 =	ssub.s32 $0x2, s5;
	s3 =	sor.u32 s4, s3  }
0x9: {  	s5 =	sadd.s32 $0xA00, s1;
	s26 =	sshrl.u32 s7, $0x1;
	s6 =	smul.u32 $0x6400, s3  }
0xa: {  	s4 =	sadd.s32 $0xF42E00, s1;
	s8 =	smul.u32 $0x19, s3;
	s1 =	ssub.s32 s7, s26  }
0xb: {  	s28 =	simm.s32 $0x10;
	_ =	strace $0x80000047;
	s30 =	smax.u32 s1, $0x1  }
0xc: {  	s6 =	sshrl.u32 s6, $0x3;
	s0 =	sadd.s32 s0, s8;
	[dreg:$0x4] =	wrdreg s30  }
0xd: {  	s1 =	simm.s32 $0x0;
	[dreg:$0x3] =	wrdreg s0;
	s29 =	sadd.s32 s5, s6  }
0xe: {  	s6 =	simm.s32 $0xC;
	s7 =	sadd.s32 $0x62C00, s29;
	s8 =	sadd.s32 $0x62E80, s29  }
0xf: {  	s9 =	sadd.s32 $0x63100, s29;
	s10 =	sadd.s32 $0x63380, s29;
	s11 =	sadd.s32 $0x63600, s29  }
0x10: {  	s12 =	sadd.s32 $0x63880, s29;
	s13 =	sadd.s32 $0x63B00, s29;
	s14 =	sadd.s32 $0x63D80, s29  }
.LBB2_1:
0x11: {  	[dreg:$0x5] =	wrdreg s1  }
0x12: {  	s0 =	rddreg [dreg:$0x3];
	s24 =	simm.s32 $0x11  }
0x13: {  	[tilespmem:s2], [sflag:$0x11] =	stream.linear.gather [hbm4b:s0+s2], $0x6400, $0x38;
	[tilespmem:$0x10400] =	vst v63  }
0x14: {  	_ =	swait.ge [sflag:s24], $0x6400  }
0x15: {  	[sflag:s24] =	ssyncset.done $0x0  }
0x16: {  	s26 =	simm.s32 $0x6400;
	[sflag:s24] =	ssyncadd.s32 $0xFFFF9C00  }
0x17: {  	[tilespmem:s26], [sflag:$0x1] =	stream.indirect.gather [hbm4b:s4+s17], $0x80, s2, s17, $0xb8;
	[tilespmem:$0x10400] =	vst v63  }
0x18: {  	s29 =	simm.s32 $0x7800  }
0x19: {  	[tilespmem:s29], [sflag:$0x2] =	stream.indirect.gather [hbm4b:s4+s17], $0x80, s17, s17, $0xb8;
	[tilespmem:$0x10400] =	vst v63  }
0x1a: {  	s1 =	simm.s32 $0x50;
	s20 =	simm.s32 $0x8C00  }
0x1b: {  	[tilespmem:s20], [sflag:$0x3] =	stream.indirect.gather [hbm4b:s4+s17], $0x80, s1, s17, $0xb8;
	[tilespmem:$0x10400] =	vst v63  }
0x1c: {  	s22 =	simm.s32 $0x78;
	s24 =	simm.s32 $0xA000  }
0x1d: {  	[tilespmem:s24], [sflag:$0x4] =	stream.indirect.gather [hbm4b:s4+s17], $0x80, s22, s17, $0xb8;
	[tilespmem:$0x10400] =	vst v63  }
0x1e: {  	s26 =	simm.s32 $0xA0;
	s29 =	simm.s32 $0xB400  }
0x1f: {  	[tilespmem:s29], [sflag:$0x5] =	stream.indirect.gather [hbm4b:s4+s17], $0x80, s26, s17, $0xb8;
	[tilespmem:$0x10400] =	vst v63  }
0x20: {  	s1 =	simm.s32 $0xC8;
	s20 =	simm.s32 $0xC800  }
0x21: {  	[tilespmem:s20], [sflag:$0x6] =	stream.indirect.gather [hbm4b:s4+s17], $0x80, s1, s17, $0xb8;
	[tilespmem:$0x10400] =	vst v63  }
0x22: {  	s22 =	simm.s32 $0xF0;
	s24 =	simm.s32 $0xDC00  }
0x23: {  	[tilespmem:s24], [sflag:$0x7] =	stream.indirect.gather [hbm4b:s4+s17], $0x80, s22, s17, $0xb8;
	[tilespmem:$0x10400] =	vst v63  }
0x24: {  	s30 =	simm.s32 $0x0;
	s26 =	simm.s32 $0x118;
	s29 =	simm.s32 $0xF000  }
0x25: {  	[tilespmem:s29], [sflag:$0x8] =	stream.indirect.gather [hbm4b:s4+s17], $0x80, s26, s17, $0xb8;
	[tilespmem:$0x10400] =	vst v63  }
.LBB2_2:
0x26: {  	s0 =	smul.u32 $0x66668, s30;
	_ =	sdelay $0x1  }
0x27: {  	s1 =	sshrl.u32 s0, $0x12  }
0x28: {  	s20 =	smul.u32 $0x5, s1  }
0x29: {  	s0 =	sshll.u32 s30, $0x3  }
0x2a: {  	s20 =	ssub.s32 s0, s20  }
0x2b: {  	s1 =	sadd.s32 s1, s3;
	s20 =	smul.u32 $0x1400, s20  }
0x2c: {  	s1 =	smul.u32 $0x6400, s1  }
0x2d: {  	s22 =	simm.s32 $0x1;
	s20 =	sand.u32 $0xFC00, s20  }
0x2e: {  	_ =	swait.ge [sflag:s22], $0x1400;
	s1 =	sadd.s32 s20, s1  }
0x2f: {  	[sflag:s22] =	ssyncset.done $0x0;
	s1 =	sshrl.u32 s1, $0x3  }
0x30: {  	s24 =	simm.s32 $0x6480;
	[sflag:s22] =	ssyncadd.s32 $0xFFFFEC00;
	s20 =	sadd.s32 s5, s1  }
0x31: {  	s22 =	simm.s32 $0x10;
	s1 =	simm.s32 $0x6400;
	s26 =	sadd.s32 $0x0, s20  }
.LBB2_3:
0x32: {  	[hbm4b:s26+s2] =	stream.linear.scatter [tilespmem:s1], [sflag:$0x9], $0x40, $0x38;
	[tilespmem:$0x10400] =	vst v63  }
0x33: {  	s26 =	smov.u32 s22;
	s1 =	smov.u32 s24;
	p0 =	sne.s32 s22, $0x270  }
.Ltmp0:
0x34: {  	s22 =	sadd.s32 $0x10, s22;
	(pc) =	sbr.rel @p0 .LBB2_3-.Ltmp0, $2  }
0x35: {  	_ =	sdelay $0x2  }
0x36: {  	s24 =	sadd.s32 $0x80, s24;
	s26 =	sadd.s32 s26, s20  }
0x37: {  	s20 =	sadd.s32 $0x8, s0  }
0x38: {  	s22 =	smulhi.u32 $0x66666667, s20  }
0x39: {  	[hbm4b:s26+s2] =	stream.linear.scatter [tilespmem:s1], [sflag:$0x9], $0x40, $0x38;
	[tilespmem:$0x10400] =	vst v63  }
0x3a: {  	s26 =	sshrl.u32 s22, $0x1  }
0x3b: {  	s24 =	sor.u32 $0x1, s0;
	s22 =	smul.u32 $0x5, s26  }
0x3c: {  	s29 =	smulhi.u32 $0x66666667, s24  }
0x3d: {  	s1 =	smul.u32 $0x320, s26;
	s20 =	ssub.s32 s20, s22  }
0x3e: {  	s22 =	sshrl.u32 s29, $0x1;
	s29 =	simm.s32 $0x9;
	s20 =	smul.u32 $0xA0, s20  }
0x3f: {  	_ =	swait.ge [sflag:s29], $0xA00;
	s26 =	smul.u32 $0x5, s22;
	s22 =	sadd.s32 s3, s22  }
0x40: {  	s1 =	sshra.s32 s1, $0x2;
	[sflag:s29] =	ssyncset.done $0x0;
	s22 =	smul.u32 $0x6400, s22  }
0x41: {  	s20 =	sshrl.u32 s20, $0x2;
	s24 =	ssub.s32 s24, s26;
	[sflag:s29] =	ssyncadd.s32 $0xFFFFF600  }
0x42: {  	s29 =	simm.s32 $0x6400;
	s1 =	sadd.s32 s20, s1;
	s20 =	smul.u32 $0x1400, s24  }
0x43: {  	[tilespmem:s29], [sflag:$0x1] =	stream.indirect.gather [hbm4b:s4+s17], $0x80, s1, s17, $0xb8;
	[tilespmem:$0x10400] =	vst v63  }
0x44: {  	s26 =	simm.s32 $0x2;
	s29 =	sadd.s32 s20, s22  }
0x45: {  	s24 =	simm.s32 $0x7880;
	_ =	swait.ge [sflag:s26], $0x1400;
	s1 =	sshrl.u32 s29, $0x3  }
0x46: {  	s22 =	simm.s32 $0x10;
	[sflag:s26] =	ssyncset.done $0x0;
	s20 =	sadd.s32 s5, s1  }
0x47: {  	[sflag:s26] =	ssyncadd.s32 $0xFFFFEC00;
	s1 =	simm.s32 $0x7800;
	s26 =	sadd.s32 $0x0, s20  }
.LBB2_5:
0x48: {  	[hbm4b:s26+s2] =	stream.linear.scatter [tilespmem:s1], [sflag:$0xA], $0x40, $0x38;
	[tilespmem:$0x10400] =	vst v63  }
0x49: {  	s26 =	smov.u32 s22;
	s1 =	smov.u32 s24;
	p0 =	sne.s32 s22, $0x270  }
.Ltmp1:
0x4a: {  	s22 =	sadd.s32 $0x10, s22;
	(pc) =	sbr.rel @p0 .LBB2_5-.Ltmp1, $2  }
0x4b: {  	_ =	sdelay $0x2  }
0x4c: {  	s24 =	sadd.s32 $0x80, s24;
	s26 =	sadd.s32 s26, s20  }
0x4d: {  	s20 =	sadd.s32 $0x9, s0  }
0x4e: {  	s22 =	smulhi.u32 $0x66666667, s20  }
0x4f: {  	[hbm4b:s26+s2] =	stream.linear.scatter [tilespmem:s1], [sflag:$0xA], $0x40, $0x38;
	[tilespmem:$0x10400] =	vst v63  }
0x50: {  	s26 =	sshrl.u32 s22, $0x1  }
0x51: {  	s24 =	sor.u32 $0x2, s0;
	s22 =	smul.u32 $0x5, s26  }
0x52: {  	s29 =	smulhi.u32 $0x66666667, s24  }
0x53: {  	s1 =	smul.u32 $0x320, s26;
	s20 =	ssub.s32 s20, s22  }
0x54: {  	s22 =	sshrl.u32 s29, $0x1;
	s29 =	simm.s32 $0xA;
	s20 =	smul.u32 $0xA0, s20  }
0x55: {  	_ =	swait.ge [sflag:s29], $0xA00;
	s26 =	smul.u32 $0x5, s22;
	s22 =	sadd.s32 s3, s22  }
0x56: {  	s1 =	sshra.s32 s1, $0x2;
	[sflag:s29] =	ssyncset.done $0x0;
	s22 =	smul.u32 $0x6400, s22  }
0x57: {  	s20 =	sshrl.u32 s20, $0x2;
	s24 =	ssub.s32 s24, s26;
	[sflag:s29] =	ssyncadd.s32 $0xFFFFF600  }
0x58: {  	s29 =	simm.s32 $0x7800;
	s1 =	sadd.s32 s20, s1;
	s20 =	smul.u32 $0x1400, s24  }
0x59: {  	[tilespmem:s29], [sflag:$0x2] =	stream.indirect.gather [hbm4b:s4+s17], $0x80, s1, s17, $0xb8;
	[tilespmem:$0x10400] =	vst v63  }
0x5a: {  	s26 =	simm.s32 $0x3;
	s29 =	sadd.s32 s20, s22  }
0x5b: {  	s24 =	simm.s32 $0x8C80;
	_ =	swait.ge [sflag:s26], $0x1400;
	s1 =	sshrl.u32 s29, $0x3  }
0x5c: {  	s22 =	simm.s32 $0x10;
	[sflag:s26] =	ssyncset.done $0x0;
	s20 =	sadd.s32 s5, s1  }
0x5d: {  	[sflag:s26] =	ssyncadd.s32 $0xFFFFEC00;
	s1 =	simm.s32 $0x8C00;
	s26 =	sadd.s32 $0x0, s20  }
.LBB2_7:
0x5e: {  	[hbm4b:s26+s2] =	stream.linear.scatter [tilespmem:s1], [sflag:$0xB], $0x40, $0x38;
	[tilespmem:$0x10400] =	vst v63  }
0x5f: {  	s26 =	smov.u32 s22;
	s1 =	smov.u32 s24;
	p0 =	sne.s32 s22, $0x270  }
.Ltmp2:
0x60: {  	s22 =	sadd.s32 $0x10, s22;
	(pc) =	sbr.rel @p0 .LBB2_7-.Ltmp2, $2  }
0x61: {  	_ =	sdelay $0x2  }
0x62: {  	s24 =	sadd.s32 $0x80, s24;
	s26 =	sadd.s32 s26, s20  }
0x63: {  	s20 =	sadd.s32 $0xA, s0  }
0x64: {  	s22 =	smulhi.u32 $0x66666667, s20  }
0x65: {  	[hbm4b:s26+s2] =	stream.linear.scatter [tilespmem:s1], [sflag:$0xB], $0x40, $0x38;
	[tilespmem:$0x10400] =	vst v63  }
0x66: {  	s26 =	sshrl.u32 s22, $0x1  }
0x67: {  	s24 =	sor.u32 $0x3, s0;
	s22 =	smul.u32 $0x5, s26  }
0x68: {  	s29 =	smulhi.u32 $0x66666667, s24  }
0x69: {  	s1 =	smul.u32 $0x320, s26;
	s20 =	ssub.s32 s20, s22  }
0x6a: {  	s22 =	sshrl.u32 s29, $0x1;
	s29 =	simm.s32 $0xB;
	s20 =	smul.u32 $0xA0, s20  }
0x6b: {  	_ =	swait.ge [sflag:s29], $0xA00;
	s26 =	smul.u32 $0x5, s22;
	s22 =	sadd.s32 s3, s22  }
0x6c: {  	s1 =	sshra.s32 s1, $0x2;
	[sflag:s29] =	ssyncset.done $0x0;
	s22 =	smul.u32 $0x6400, s22  }
0x6d: {  	s20 =	sshrl.u32 s20, $0x2;
	s24 =	ssub.s32 s24, s26;
	[sflag:s29] =	ssyncadd.s32 $0xFFFFF600  }
0x6e: {  	s26 =	simm.s32 $0x8C00;
	s1 =	sadd.s32 s20, s1;
	s29 =	smul.u32 $0x1400, s24  }
0x6f: {  	[tilespmem:s26], [sflag:$0x3] =	stream.indirect.gather [hbm4b:s4+s17], $0x80, s1, s17, $0xb8;
	[tilespmem:$0x10400] =	vst v63  }
0x70: {  	s29 =	sadd.s32 s29, s22  }
0x71: {  	s24 =	simm.s32 $0xA080;
	_ =	swait.ge [sflag:s31], $0x1400;
	s1 =	sshrl.u32 s29, $0x3  }
0x72: {  	s22 =	simm.s32 $0x10;
	[sflag:s31] =	ssyncset.done $0x0;
	s20 =	sadd.s32 s5, s1  }
0x73: {  	[sflag:s31] =	ssyncadd.s32 $0xFFFFEC00;
	s1 =	simm.s32 $0xA000;
	s26 =	sadd.s32 $0x0, s20  }
.LBB2_9:
0x74: {  	[hbm4b:s26+s2] =	stream.linear.scatter [tilespmem:s1], [sflag:$0xC], $0x40, $0x38;
	[tilespmem:$0x10400] =	vst v63  }
0x75: {  	s26 =	smov.u32 s22;
	s1 =	smov.u32 s24;
	p0 =	sne.s32 s22, $0x270  }
.Ltmp3:
0x76: {  	s22 =	sadd.s32 $0x10, s22;
	(pc) =	sbr.rel @p0 .LBB2_9-.Ltmp3, $2  }
0x77: {  	_ =	sdelay $0x2  }
0x78: {  	s24 =	sadd.s32 $0x80, s24;
	s26 =	sadd.s32 s26, s20  }
0x79: {  	s20 =	sadd.s32 $0xB, s0  }
0x7a: {  	[hbm4b:s26+s2] =	stream.linear.scatter [tilespmem:s1], [sflag:$0xC], $0x40, $0x38;
	[tilespmem:$0x10400] =	vst v63  }
0x7b: {  	s22 =	smulhi.u32 $0x66666667, s20  }
0x7c: {  	s24 =	sor.u32 $0x4, s0  }
0x7d: {  	s29 =	smulhi.u32 $0x66666667, s24;
	s26 =	sshrl.u32 s22, $0x1  }
0x7e: {  	s22 =	smul.u32 $0x5, s26  }
0x7f: {  	s29 =	sshrl.u32 s29, $0x1;
	s1 =	smul.u32 $0x320, s26  }
0x80: {  	s26 =	smul.u32 $0x5, s29;
	s20 =	ssub.s32 s20, s22  }
0x81: {  	s22 =	sadd.s32 s3, s29;
	s20 =	smul.u32 $0xA0, s20  }
0x82: {  	_ =	swait.ge [sflag:s6], $0xA00;
	s24 =	ssub.s32 s24, s26;
	s22 =	smul.u32 $0x6400, s22  }
0x83: {  	[sflag:s6] =	ssyncset.done $0x0;
	s29 =	smul.u32 $0x1400, s24  }
0x84: {  	[sflag:s6] =	ssyncadd.s32 $0xFFFFF600;
	s1 =	sshra.s32 s1, $0x2;
	s20 =	sshrl.u32 s20, $0x2  }
0x85: {  	s26 =	simm.s32 $0xA000;
	s29 =	sadd.s32 s29, s22;
	s1 =	sadd.s32 s20, s1  }
0x86: {  	[tilespmem:s26], [sflag:$0x4] =	stream.indirect.gather [hbm4b:s4+s17], $0x80, s1, s17, $0xb8;
	[tilespmem:$0x10400] =	vst v63  }
0x87: {  	s24 =	simm.s32 $0xB480;
	s1 =	sshrl.u32 s29, $0x3;
	_ =	swait.ge [sflag:s15], $0x1400  }
0x88: {  	s22 =	simm.s32 $0x10;
	s20 =	sadd.s32 s5, s1;
	[sflag:s15] =	ssyncset.done $0x0  }
0x89: {  	s1 =	simm.s32 $0xB400;
	s26 =	sadd.s32 $0x0, s20;
	[sflag:s15] =	ssyncadd.s32 $0xFFFFEC00  }
.LBB2_11:
0x8a: {  	[hbm4b:s26+s2] =	stream.linear.scatter [tilespmem:s1], [sflag:$0xD], $0x40, $0x38;
	[tilespmem:$0x10400] =	vst v63  }
0x8b: {  	s26 =	smov.u32 s22;
	s1 =	smov.u32 s24;
	p0 =	sne.s32 s22, $0x270  }
.Ltmp4:
0x8c: {  	s22 =	sadd.s32 $0x10, s22;
	(pc) =	sbr.rel @p0 .LBB2_11-.Ltmp4, $2  }
0x8d: {  	_ =	sdelay $0x2  }
0x8e: {  	s24 =	sadd.s32 $0x80, s24;
	s26 =	sadd.s32 s26, s20  }
0x8f: {  	s20 =	sadd.s32 $0xC, s0  }
0x90: {  	[hbm4b:s26+s2] =	stream.linear.scatter [tilespmem:s1], [sflag:$0xD], $0x40, $0x38;
	[tilespmem:$0x10400] =	vst v63  }
0x91: {  	s22 =	smulhi.u32 $0x66666667, s20  }
0x92: {  	s24 =	sor.u32 $0x5, s0  }
0x93: {  	s29 =	smulhi.u32 $0x66666667, s24;
	s26 =	sshrl.u32 s22, $0x1  }
0x94: {  	s22 =	smul.u32 $0x5, s26  }
0x95: {  	s29 =	sshrl.u32 s29, $0x1;
	s1 =	smul.u32 $0x320, s26  }
0x96: {  	s26 =	smul.u32 $0x5, s29;
	s20 =	ssub.s32 s20, s22  }
0x97: {  	s22 =	sadd.s32 s3, s29;
	s20 =	smul.u32 $0xA0, s20  }
0x98: {  	_ =	swait.ge [sflag:s16], $0xA00;
	s24 =	ssub.s32 s24, s26;
	s22 =	smul.u32 $0x6400, s22  }
0x99: {  	[sflag:s16] =	ssyncset.done $0x0;
	s29 =	smul.u32 $0x1400, s24  }
0x9a: {  	[sflag:s16] =	ssyncadd.s32 $0xFFFFF600;
	s1 =	sshra.s32 s1, $0x2;
	s20 =	sshrl.u32 s20, $0x2  }
0x9b: {  	s26 =	simm.s32 $0xB400;
	s29 =	sadd.s32 s29, s22;
	s1 =	sadd.s32 s20, s1  }
0x9c: {  	[tilespmem:s26], [sflag:$0x5] =	stream.indirect.gather [hbm4b:s4+s17], $0x80, s1, s17, $0xb8;
	[tilespmem:$0x10400] =	vst v63  }
0x9d: {  	s24 =	simm.s32 $0xC880;
	s1 =	sshrl.u32 s29, $0x3;
	_ =	swait.ge [sflag:s18], $0x1400  }
0x9e: {  	s22 =	simm.s32 $0x10;
	s20 =	sadd.s32 s5, s1;
	[sflag:s18] =	ssyncset.done $0x0  }
0x9f: {  	s1 =	simm.s32 $0xC800;
	s26 =	sadd.s32 $0x0, s20;
	[sflag:s18] =	ssyncadd.s32 $0xFFFFEC00  }
.LBB2_13:
0xa0: {  	[hbm4b:s26+s2] =	stream.linear.scatter [tilespmem:s1], [sflag:$0xE], $0x40, $0x38;
	[tilespmem:$0x10400] =	vst v63  }
0xa1: {  	s26 =	smov.u32 s22;
	s1 =	smov.u32 s24;
	p0 =	sne.s32 s22, $0x270  }
.Ltmp5:
0xa2: {  	s22 =	sadd.s32 $0x10, s22;
	(pc) =	sbr.rel @p0 .LBB2_13-.Ltmp5, $2  }
0xa3: {  	_ =	sdelay $0x2  }
0xa4: {  	s24 =	sadd.s32 $0x80, s24;
	s26 =	sadd.s32 s26, s20  }
0xa5: {  	s20 =	sadd.s32 $0xD, s0  }
0xa6: {  	[hbm4b:s26+s2] =	stream.linear.scatter [tilespmem:s1], [sflag:$0xE], $0x40, $0x38;
	[tilespmem:$0x10400] =	vst v63  }
0xa7: {  	s22 =	smulhi.u32 $0x66666667, s20  }
0xa8: {  	s24 =	sor.u32 $0x6, s0  }
0xa9: {  	s29 =	smulhi.u32 $0x66666667, s24;
	s26 =	sshrl.u32 s22, $0x1  }
0xaa: {  	s22 =	smul.u32 $0x5, s26  }
0xab: {  	s29 =	sshrl.u32 s29, $0x1;
	s1 =	smul.u32 $0x320, s26  }
0xac: {  	s26 =	smul.u32 $0x5, s29;
	s20 =	ssub.s32 s20, s22  }
0xad: {  	s22 =	sadd.s32 s3, s29;
	s20 =	smul.u32 $0xA0, s20  }
0xae: {  	_ =	swait.ge [sflag:s19], $0xA00;
	s24 =	ssub.s32 s24, s26;
	s22 =	smul.u32 $0x6400, s22  }
0xaf: {  	[sflag:s19] =	ssyncset.done $0x0;
	s29 =	smul.u32 $0x1400, s24  }
0xb0: {  	[sflag:s19] =	ssyncadd.s32 $0xFFFFF600;
	s1 =	sshra.s32 s1, $0x2;
	s20 =	sshrl.u32 s20, $0x2  }
0xb1: {  	s26 =	simm.s32 $0xC800;
	s29 =	sadd.s32 s29, s22;
	s1 =	sadd.s32 s20, s1  }
0xb2: {  	[tilespmem:s26], [sflag:$0x6] =	stream.indirect.gather [hbm4b:s4+s17], $0x80, s1, s17, $0xb8;
	[tilespmem:$0x10400] =	vst v63  }
0xb3: {  	s24 =	simm.s32 $0xDC80;
	s1 =	sshrl.u32 s29, $0x3;
	_ =	swait.ge [sflag:s21], $0x1400  }
0xb4: {  	s22 =	simm.s32 $0x10;
	s20 =	sadd.s32 s5, s1;
	[sflag:s21] =	ssyncset.done $0x0  }
0xb5: {  	s1 =	simm.s32 $0xDC00;
	s26 =	sadd.s32 $0x0, s20;
	[sflag:s21] =	ssyncadd.s32 $0xFFFFEC00  }
.LBB2_15:
0xb6: {  	[hbm4b:s26+s2] =	stream.linear.scatter [tilespmem:s1], [sflag:$0xF], $0x40, $0x38;
	[tilespmem:$0x10400] =	vst v63  }
0xb7: {  	s26 =	smov.u32 s22;
	s1 =	smov.u32 s24;
	p0 =	sne.s32 s22, $0x270  }
.Ltmp6:
0xb8: {  	s22 =	sadd.s32 $0x10, s22;
	(pc) =	sbr.rel @p0 .LBB2_15-.Ltmp6, $2  }
0xb9: {  	_ =	sdelay $0x2  }
0xba: {  	s24 =	sadd.s32 $0x80, s24;
	s26 =	sadd.s32 s26, s20  }
0xbb: {  	s20 =	sadd.s32 $0xE, s0  }
0xbc: {  	[hbm4b:s26+s2] =	stream.linear.scatter [tilespmem:s1], [sflag:$0xF], $0x40, $0x38;
	[tilespmem:$0x10400] =	vst v63  }
0xbd: {  	s22 =	smulhi.u32 $0x66666667, s20  }
0xbe: {  	s24 =	sor.u32 $0x7, s0  }
0xbf: {  	s29 =	smulhi.u32 $0x66666667, s24;
	s26 =	sshrl.u32 s22, $0x1  }
0xc0: {  	s22 =	smul.u32 $0x5, s26  }
0xc1: {  	s29 =	sshrl.u32 s29, $0x1;
	s1 =	smul.u32 $0x320, s26  }
0xc2: {  	s26 =	smul.u32 $0x5, s29;
	s20 =	ssub.s32 s20, s22  }
0xc3: {  	s22 =	sadd.s32 s3, s29;
	s20 =	smul.u32 $0xA0, s20  }
0xc4: {  	_ =	swait.ge [sflag:s23], $0xA00;
	s24 =	ssub.s32 s24, s26;
	s22 =	smul.u32 $0x6400, s22  }
0xc5: {  	[sflag:s23] =	ssyncset.done $0x0;
	s29 =	smul.u32 $0x1400, s24  }
0xc6: {  	[sflag:s23] =	ssyncadd.s32 $0xFFFFF600;
	s1 =	sshra.s32 s1, $0x2;
	s20 =	sshrl.u32 s20, $0x2  }
0xc7: {  	s26 =	simm.s32 $0xDC00;
	s29 =	sadd.s32 s29, s22;
	s1 =	sadd.s32 s20, s1  }
0xc8: {  	[tilespmem:s26], [sflag:$0x7] =	stream.indirect.gather [hbm4b:s4+s17], $0x80, s1, s17, $0xb8;
	[tilespmem:$0x10400] =	vst v63  }
0xc9: {  	s24 =	simm.s32 $0xF080;
	s1 =	sshrl.u32 s29, $0x3;
	_ =	swait.ge [sflag:s25], $0x1400  }
0xca: {  	s22 =	simm.s32 $0x10;
	s20 =	sadd.s32 s5, s1;
	[sflag:s25] =	ssyncset.done $0x0  }
0xcb: {  	s1 =	simm.s32 $0xF000;
	s26 =	sadd.s32 $0x0, s20;
	[sflag:s25] =	ssyncadd.s32 $0xFFFFEC00  }
.LBB2_17:
0xcc: {  	[hbm4b:s26+s2] =	stream.linear.scatter [tilespmem:s1], [sflag:$0x10], $0x40, $0x38;
	[tilespmem:$0x10400] =	vst v63  }
0xcd: {  	s26 =	smov.u32 s22;
	s1 =	smov.u32 s24;
	p0 =	sne.s32 s22, $0x270  }
.Ltmp7:
0xce: {  	s22 =	sadd.s32 $0x10, s22;
	(pc) =	sbr.rel @p0 .LBB2_17-.Ltmp7, $2  }
0xcf: {  	_ =	sdelay $0x2  }
0xd0: {  	s24 =	sadd.s32 $0x80, s24;
	s26 =	sadd.s32 s26, s20  }
0xd1: {  	s0 =	sadd.s32 $0xF, s0  }
0xd2: {  	s20 =	smulhi.u32 $0x66666667, s0;
	_ =	sdelay $0x1  }
0xd3: {  	s20 =	sshrl.u32 s20, $0x1  }
0xd4: {  	s22 =	smul.u32 $0x5, s20  }
0xd5: {  	[hbm4b:s26+s2] =	stream.linear.scatter [tilespmem:s1], [sflag:$0x10], $0x40, $0x38;
	[tilespmem:$0x10400] =	vst v63  }
0xd6: {  	s30 =	sadd.s32 $0x1, s30;
	s26 =	smul.u32 $0x320, s20;
	s0 =	ssub.s32 s0, s22  }
0xd7: {  	p0 =	sne.s32 s30, $0x4F;
	s0 =	smul.u32 $0xA0, s0  }
.Ltmp8:
0xd8: {  	_ = 	snop;
	(pc) =	sbr.rel @p0 .LBB2_2-.Ltmp8, $4  }
0xd9: {  	_ =	swait.ge [sflag:s28], $0xA00  }
0xda: {  	[sflag:s28] =	ssyncset.done $0x0;
	s1 =	sshra.s32 s26, $0x2;
	s0 =	sshrl.u32 s0, $0x2  }
0xdb: {  	s29 =	simm.s32 $0xF000;
	[sflag:s28] =	ssyncadd.s32 $0xFFFFF600;
	s0 =	sadd.s32 s0, s1  }
0xdc: {  	[tilespmem:s29], [sflag:$0x8] =	stream.indirect.gather [hbm4b:s4+s17], $0x80, s0, s17, $0xb8;
	[tilespmem:$0x10400] =	vst v63  }
0xdd: {  	s0 =	simm.s32 $0x1  }
0xde: {  	_ =	swait.ge [sflag:s0], $0x1400  }
0xdf: {  	s1 =	simm.s32 $0x10;
	s22 =	sadd.s32 $0x0, s7;
	[sflag:s0] =	ssyncset.done $0x0  }
0xe0: {  	s20 =	simm.s32 $0x6480;
	[sflag:s0] =	ssyncadd.s32 $0xFFFFEC00;
	s0 =	simm.s32 $0x6400  }
.LBB2_20:
0xe1: {  	[hbm4b:s22+s2] =	stream.linear.scatter [tilespmem:s0], [sflag:$0x9], $0x40, $0x38;
	[tilespmem:$0x10400] =	vst v63  }
0xe2: {  	s22 =	smov.u32 s1;
	s0 =	smov.u32 s20;
	p0 =	sne.s32 s1, $0x270  }
.Ltmp9:
0xe3: {  	s1 =	sadd.s32 $0x10, s1;
	(pc) =	sbr.rel @p0 .LBB2_20-.Ltmp9, $2  }
0xe4: {  	_ =	sdelay $0x2  }
0xe5: {  	s20 =	sadd.s32 $0x80, s20;
	s22 =	sadd.s32 s22, s7  }
0xe6: {  	[hbm4b:s22+s2] =	stream.linear.scatter [tilespmem:s0], [sflag:$0x9], $0x40, $0x38;
	[tilespmem:$0x10400] =	vst v63  }
0xe7: {  	s30 =	simm.s32 $0x2  }
0xe8: {  	_ =	swait.ge [sflag:s30], $0x1400  }
0xe9: {  	s0 =	simm.s32 $0x7800;
	s1 =	simm.s32 $0x10;
	[sflag:s30] =	ssyncset.done $0x0  }
0xea: {  	s22 =	sadd.s32 $0x0, s8;
	s20 =	simm.s32 $0x7880;
	[sflag:s30] =	ssyncadd.s32 $0xFFFFEC00  }
.LBB2_22:
0xeb: {  	[hbm4b:s22+s2] =	stream.linear.scatter [tilespmem:s0], [sflag:$0xA], $0x40, $0x38;
	[tilespmem:$0x10400] =	vst v63  }
0xec: {  	s22 =	smov.u32 s1;
	s0 =	smov.u32 s20;
	p0 =	sne.s32 s1, $0x270  }
.Ltmp10:
0xed: {  	s1 =	sadd.s32 $0x10, s1;
	(pc) =	sbr.rel @p0 .LBB2_22-.Ltmp10, $2  }
0xee: {  	_ =	sdelay $0x2  }
0xef: {  	s20 =	sadd.s32 $0x80, s20;
	s22 =	sadd.s32 s22, s8  }
0xf0: {  	[hbm4b:s22+s2] =	stream.linear.scatter [tilespmem:s0], [sflag:$0xA], $0x40, $0x38;
	[tilespmem:$0x10400] =	vst v63  }
0xf1: {  	s30 =	simm.s32 $0x3  }
0xf2: {  	_ =	swait.ge [sflag:s30], $0x1400  }
0xf3: {  	s0 =	simm.s32 $0x8C00;
	s1 =	simm.s32 $0x10;
	[sflag:s30] =	ssyncset.done $0x0  }
0xf4: {  	s22 =	sadd.s32 $0x0, s9;
	s20 =	simm.s32 $0x8C80;
	[sflag:s30] =	ssyncadd.s32 $0xFFFFEC00  }
.LBB2_24:
0xf5: {  	[hbm4b:s22+s2] =	stream.linear.scatter [tilespmem:s0], [sflag:$0xB], $0x40, $0x38;
	[tilespmem:$0x10400] =	vst v63  }
0xf6: {  	s22 =	smov.u32 s1;
	s0 =	smov.u32 s20;
	p0 =	sne.s32 s1, $0x270  }
.Ltmp11:
0xf7: {  	s1 =	sadd.s32 $0x10, s1;
	(pc) =	sbr.rel @p0 .LBB2_24-.Ltmp11, $2  }
0xf8: {  	_ =	sdelay $0x2  }
0xf9: {  	s20 =	sadd.s32 $0x80, s20;
	s22 =	sadd.s32 s22, s9  }
0xfa: {  	[hbm4b:s22+s2] =	stream.linear.scatter [tilespmem:s0], [sflag:$0xB], $0x40, $0x38;
	[tilespmem:$0x10400] =	vst v63  }
0xfb: {  	_ =	swait.ge [sflag:s31], $0x1400  }
0xfc: {  	s0 =	simm.s32 $0xA000;
	s1 =	simm.s32 $0x10;
	[sflag:s31] =	ssyncset.done $0x0  }
0xfd: {  	s22 =	sadd.s32 $0x0, s10;
	s20 =	simm.s32 $0xA080;
	[sflag:s31] =	ssyncadd.s32 $0xFFFFEC00  }
.LBB2_26:
0xfe: {  	[hbm4b:s22+s2] =	stream.linear.scatter [tilespmem:s0], [sflag:$0xC], $0x40, $0x38;
	[tilespmem:$0x10400] =	vst v63  }
0xff: {  	s22 =	smov.u32 s1;
	s0 =	smov.u32 s20;
	p0 =	sne.s32 s1, $0x270  }
.Ltmp12:
0x100: {  	s1 =	sadd.s32 $0x10, s1;
	(pc) =	sbr.rel @p0 .LBB2_26-.Ltmp12, $2  }
0x101: {  	_ =	sdelay $0x2  }
0x102: {  	s20 =	sadd.s32 $0x80, s20;
	s22 =	sadd.s32 s22, s10  }
0x103: {  	[hbm4b:s22+s2] =	stream.linear.scatter [tilespmem:s0], [sflag:$0xC], $0x40, $0x38;
	[tilespmem:$0x10400] =	vst v63  }
0x104: {  	_ =	swait.ge [sflag:s15], $0x1400  }
0x105: {  	s0 =	simm.s32 $0xB400;
	s1 =	simm.s32 $0x10;
	[sflag:s15] =	ssyncset.done $0x0  }
0x106: {  	s22 =	sadd.s32 $0x0, s11;
	s20 =	simm.s32 $0xB480;
	[sflag:s15] =	ssyncadd.s32 $0xFFFFEC00  }
.LBB2_28:
0x107: {  	[hbm4b:s22+s2] =	stream.linear.scatter [tilespmem:s0], [sflag:$0xD], $0x40, $0x38;
	[tilespmem:$0x10400] =	vst v63  }
0x108: {  	s22 =	smov.u32 s1;
	s0 =	smov.u32 s20;
	p0 =	sne.s32 s1, $0x270  }
.Ltmp13:
0x109: {  	s1 =	sadd.s32 $0x10, s1;
	(pc) =	sbr.rel @p0 .LBB2_28-.Ltmp13, $2  }
0x10a: {  	_ =	sdelay $0x2  }
0x10b: {  	s20 =	sadd.s32 $0x80, s20;
	s22 =	sadd.s32 s22, s11  }
0x10c: {  	[hbm4b:s22+s2] =	stream.linear.scatter [tilespmem:s0], [sflag:$0xD], $0x40, $0x38;
	[tilespmem:$0x10400] =	vst v63  }
0x10d: {  	_ =	swait.ge [sflag:s18], $0x1400  }
0x10e: {  	s0 =	simm.s32 $0xC800;
	s1 =	simm.s32 $0x10;
	[sflag:s18] =	ssyncset.done $0x0  }
0x10f: {  	s22 =	sadd.s32 $0x0, s12;
	s20 =	simm.s32 $0xC880;
	[sflag:s18] =	ssyncadd.s32 $0xFFFFEC00  }
.LBB2_30:
0x110: {  	[hbm4b:s22+s2] =	stream.linear.scatter [tilespmem:s0], [sflag:$0xE], $0x40, $0x38;
	[tilespmem:$0x10400] =	vst v63  }
0x111: {  	s22 =	smov.u32 s1;
	s0 =	smov.u32 s20;
	p0 =	sne.s32 s1, $0x270  }
.Ltmp14:
0x112: {  	s1 =	sadd.s32 $0x10, s1;
	(pc) =	sbr.rel @p0 .LBB2_30-.Ltmp14, $2  }
0x113: {  	_ =	sdelay $0x2  }
0x114: {  	s20 =	sadd.s32 $0x80, s20;
	s22 =	sadd.s32 s22, s12  }
0x115: {  	[hbm4b:s22+s2] =	stream.linear.scatter [tilespmem:s0], [sflag:$0xE], $0x40, $0x38;
	[tilespmem:$0x10400] =	vst v63  }
0x116: {  	_ =	swait.ge [sflag:s21], $0x1400  }
0x117: {  	s0 =	simm.s32 $0xDC00;
	s1 =	simm.s32 $0x10;
	[sflag:s21] =	ssyncset.done $0x0  }
0x118: {  	s22 =	sadd.s32 $0x0, s13;
	s20 =	simm.s32 $0xDC80;
	[sflag:s21] =	ssyncadd.s32 $0xFFFFEC00  }
.LBB2_32:
0x119: {  	[hbm4b:s22+s2] =	stream.linear.scatter [tilespmem:s0], [sflag:$0xF], $0x40, $0x38;
	[tilespmem:$0x10400] =	vst v63  }
0x11a: {  	s22 =	smov.u32 s1;
	s0 =	smov.u32 s20;
	p0 =	sne.s32 s1, $0x270  }
.Ltmp15:
0x11b: {  	s1 =	sadd.s32 $0x10, s1;
	(pc) =	sbr.rel @p0 .LBB2_32-.Ltmp15, $2  }
0x11c: {  	_ =	sdelay $0x2  }
0x11d: {  	s20 =	sadd.s32 $0x80, s20;
	s22 =	sadd.s32 s22, s13  }
0x11e: {  	[hbm4b:s22+s2] =	stream.linear.scatter [tilespmem:s0], [sflag:$0xF], $0x40, $0x38;
	[tilespmem:$0x10400] =	vst v63  }
0x11f: {  	_ =	swait.ge [sflag:s25], $0x1400  }
0x120: {  	s0 =	simm.s32 $0xF000;
	s1 =	simm.s32 $0x10;
	[sflag:s25] =	ssyncset.done $0x0  }
0x121: {  	s22 =	sadd.s32 $0x0, s14;
	s20 =	simm.s32 $0xF080;
	[sflag:s25] =	ssyncadd.s32 $0xFFFFEC00  }
.LBB2_34:
0x122: {  	[hbm4b:s22+s2] =	stream.linear.scatter [tilespmem:s0], [sflag:$0x10], $0x40, $0x38;
	[tilespmem:$0x10400] =	vst v63  }
0x123: {  	s22 =	smov.u32 s1;
	s0 =	smov.u32 s20;
	p0 =	sne.s32 s1, $0x270  }
.Ltmp16:
0x124: {  	s1 =	sadd.s32 $0x10, s1;
	(pc) =	sbr.rel @p0 .LBB2_34-.Ltmp16, $2  }
0x125: {  	_ =	sdelay $0x2  }
0x126: {  	s20 =	sadd.s32 $0x80, s20;
	s22 =	sadd.s32 s22, s14  }
0x127: {  	[hbm4b:s22+s2] =	stream.linear.scatter [tilespmem:s0], [sflag:$0x10], $0x40, $0x38;
	[tilespmem:$0x10400] =	vst v63  }
0x128: {  	s24 =	simm.s32 $0x9  }
0x129: {  	_ =	swait.ge [sflag:s24], $0xA00  }
0x12a: {  	[sflag:s24] =	ssyncset.done $0x0  }
0x12b: {  	s26 =	simm.s32 $0xA;
	[sflag:s24] =	ssyncadd.s32 $0xFFFFF600  }
0x12c: {  	_ =	swait.ge [sflag:s26], $0xA00  }
0x12d: {  	[sflag:s26] =	ssyncset.done $0x0  }
0x12e: {  	s29 =	simm.s32 $0xB;
	[sflag:s26] =	ssyncadd.s32 $0xFFFFF600  }
0x12f: {  	_ =	swait.ge [sflag:s29], $0xA00  }
0x130: {  	[sflag:s29] =	ssyncset.done $0x0  }
0x131: {  	[sflag:s29] =	ssyncadd.s32 $0xFFFFF600  }
0x132: {  	_ =	swait.ge [sflag:s6], $0xA00  }
0x133: {  	[sflag:s6] =	ssyncset.done $0x0  }
0x134: {  	[sflag:s6] =	ssyncadd.s32 $0xFFFFF600  }
0x135: {  	_ =	swait.ge [sflag:s16], $0xA00  }
0x136: {  	[sflag:s16] =	ssyncset.done $0x0  }
0x137: {  	[sflag:s16] =	ssyncadd.s32 $0xFFFFF600  }
0x138: {  	_ =	swait.ge [sflag:s19], $0xA00  }
0x139: {  	[sflag:s19] =	ssyncset.done $0x0  }
0x13a: {  	[sflag:s19] =	ssyncadd.s32 $0xFFFFF600  }
0x13b: {  	_ =	swait.ge [sflag:s23], $0xA00  }
0x13c: {  	[sflag:s23] =	ssyncset.done $0x0  }
0x13d: {  	[sflag:s23] =	ssyncadd.s32 $0xFFFFF600  }
0x13e: {  	_ =	swait.ge [sflag:s28], $0xA00  }
0x13f: {  	s1 =	rddreg [dreg:$0x5]  }
0x140: {  	s30 =	rddreg [dreg:$0x4];
	s1 =	sadd.s32 $0x1, s1  }
0x141: {  	p0 =	sne.s32 s1, s30  }
.Ltmp17:
0x142: {  	_ = 	snop;
	(pc) =	sbr.rel @p0 .LBB2_1-.Ltmp17, $3  }
0x143: {  	_ =	sdelay $0x1  }
0x144: {  	[sflag:s28] =	ssyncset.done $0x0  }
0x145: {  	[sflag:s28] =	ssyncadd.s32 $0xFFFFF600  }
0x146: {  	_ =	sfence.sel $0x180000  }
0x147: {  	[bflag:$0x0] =	sbarrier.arrive $0xFFFF  }
0x148: {  	_ =	strace $0x90000047  }
0x149: {  	s0 =	stileid.u32;
	[bflag:$0x2] =	sbarrier.arrive $0xFFFF  }
0x14a: {  	p0 =	sne.s32 s0, $0x0;
	s0 =	rddreg [dreg:$0x2]  }
0x14b: {  	s0 =	sadd.s32 @!p0 $0x100000, s0  }
0x14c: {  	[sflag:s0] =	ssyncadd.tile.s32 @!p0 $0x1;
	_ =	shalt  }
.Lfunc_end2:
_tile_overlayer_lowered:
.L_overlay_start_2:
0x14d: {  	(tag) =	ssettag $0x2  }
0x14e: {  	s0 =	rddreg [dreg:$0x0];
	s2 =	stileid.u32  }
0x14f: {  	s1 =	rddreg [dreg:$0x1];
	p0 =	sne.s32 s2, $0x0  }
0x150: {  	s3 =	rddreg [dreg:$0x2];
	[bflag:$0x3] =	sbarrier.arrive $0xFFFF;
	s2 =	simm.s32 @!p0 $0x1C11  }
0x151: {  	[timem:s3], [sflag:s2] =	dma.local @!p0 [hbm:s0], s1  }
0x152: {  	s0 =	simm.s32 @!p0 $0x11  }
0x153: {  	_ =	swait.ge @!p0 [sflag:s0], s1  }
0x154: {  	s1 =	ssub.s32 @!p0 $0x0, s1;
	[sflag:s0] =	ssyncset.done @!p0 $0x0  }
0x155: {  	[sflag:s0] =	ssyncadd.s32 @!p0 s1  }
0x156: {  	[bflag:$0x3] =	sbarrier.arrive $0xFFFF  }
0x157: {  	_ =	shalt  }

// kernel: sparse-core-data-format-call.cloned.1.call-start
scs
called_computation_lowered:
.L_overlay_start_0:
0x0: {  	s2 =	sld [smem:$0x3FD9]  }
0x1: {  	s3 =	sld [smem:$0x3FFE];
	_ =	sdelay $0x1  }
0x2: {  	s1 =	srdreg.scid  }
0x3: {  	s0 =	sand.u32 $0x1, s1  }
0x4: {  	s18 =	sshll.u32 s0, $0xA;
	s2 =	sadd.s32 s3, s2  }
0x5: {  	s2 =	sadd.s32 s2, s18  }
0x6: {  	[smem:$0x3FC6] =	sst s2  }
0x7: {  	_ = 	snop  }
0x8: {  	s2 =	sld [smem:$0x3FD0];
	(tm) =	ssettm $0x1  }
0x9: {  	s19 =	sld [smem:$0x3FFB];
	_ =	sdelay $0x3  }
0xa: {  	_ =	strace s19  }
0xb: {  	s3 =	sld [smem:$0x3FFC];
	_ =	sdelay $0x3  }
0xc: {  	_ =	strace s3  }
0xd: {  	s3 =	sld [smem:$0x3FFD];
	_ =	sdelay $0x3  }
0xe: {  	_ =	strace s3  }
0xf: {  	_ =	strace $0x8FFFFFFF  }
0x10: {  	s20 =	sld [smem:$0x3FDB];
	_ =	sdelay $0x1  }
0x11: {  	s4 =	simm.s32 $_scs_section_size  }
0x12: {  	s5 =	simm.s32 $_size__tile_overlayer_lowered;
	s6 =	simm.s32 $_tile_overlayer_lowered  }
0x13: {  	s23 =	simm.s32 $0x1BFF;
	s22 =	sshll.u32 s6, $0x1;
	s3 =	sadd.s32 s4, s20  }
0x14: {  	s7 =	simm.s32 $0x0;
	s21 =	sshll.u32 s5, $0x1;
	s5 =	sadd.s32 s22, s3  }
0x15: {  	[timem:s7], [sflag:s23] =	dma.local [hbm:s5], s21  }
0x16: {  	_ =	swait.ge [sflag:s23], s21  }
0x17: {  	s4 =	ssub.s32 $0x0, s21;
	[sflag:s23] =	ssyncset.done $0x0  }
0x18: {  	[sflag:s23] =	ssyncadd.s32 s4;
	_ =	sdelay $0x1  }
0x19: {  	s24 =	simm.s32 $0x1B8B  }
0x1a: {  	_ =	swait.ge [sflag:s24], $0x1  }
0x1b: {  	[sflag:s24] =	ssyncset.done $0x0  }
0x1c: {  	s26 =	simm.s32 $0x1B8E;
	s25 =	sld [smem:$0x3FFE];
	[sflag:s24] =	ssyncadd.s32 $0xFFFFFFFF  }
0x1d: {  	s27 =	simm.s32 $execute0_lowered;
	[smem:$0x3FD2] =	sst s26  }
0x1e: {  	s5 =	sshll.u32 s27, $0x1;
	_ =	strace $0x80000049;
	[dreg:$0x1] =	wrdreg $0xFFFFFFFF  }
0x1f: {  	s28 =	simm.s32 $_size_execute0_lowered;
	s3 =	sadd.s32 s3, s5;
	[dreg:$0x0] =	wrdreg $0x0  }
0x20: {  	s5 =	sshll.u32 s28, $0x1;
	[dreg:$0x2] =	wrdreg s3  }
0x21: {  	[dreg:$0x3] =	wrdreg s5  }
0x22: {  	[dreg:$0x4] =	wrdreg $0xC0  }
0x23: {  	_ =	task [dreg:s7], $0x5FFFF  }
0x24: {  	[dreg:$0x1] =	wrdreg $0xFFFFFFFF  }
0x25: {  	[dreg:$0x0] =	wrdreg $0x60  }
0x26: {  	[dreg:$0x2] =	wrdreg s25  }
0x27: {  	[dreg:$0x3] =	wrdreg s2  }
0x28: {  	[dreg:$0x4] =	wrdreg $0x9  }
0x29: {  	_ =	task.clear_ibuf [dreg:s7], $0x5FFFF;
	_ =	strace $0x90000049  }
0x2a: {  	s29 =	simm.s32 $0x9;
	_ =	strace $0x8000004B  }
0x2b: {  	_ =	swait.ge [sflag:s29], $0x1  }
0x2c: {  	[sflag:s29] =	ssyncadd.s32 $0xFFFFFFFF  }
0x2d: {  	_ =	strace $0x9000004B  }
0x2e: {  	_ =	sfence  }
0x2f: {  	s30 =	sld [smem:$0x0];
	_ =	sdelay $0x2  }
0x30: {  	s31 =	sshll.u32 s1, $0xD;
	s1 =	sshrl.u32 s1, $0x2  }
0x31: {  	s3 =	sand.u32 $0x4000, s31;
	s1 =	sadd.s32 s1, s30  }
0x32: {  	s0 =	sor.u32 s3, s0;
	s1 =	sshll.u32 s1, $0x11  }
0x33: {  	s0 =	sor.u32 s1, s0  }
0x34: {  	s0 =	sadd.s32 $0x8F2B, s0  }
0x35: {  	[sflag:s0] =	ssyncadd.remote.s32 $0x1  }
0x36: {  	_ =	sfence.sel $0xFFFF  }
0x37: {  	[dreg:$0x0] =	wrdreg $0xFFFFFFFF;
	(pc) =	sbr.abs _section_cstart, $3  }
0x38: {  	[dreg:$0x1] =	wrdreg $0xFFFFFFFF  }
0x39: {  	_ =	task.clear_ibuf [dreg:s7], $0x2FFFF;
	_ =	strace $0x9FFFFFFF  }
0x3a: {  	(tm) =	ssettm $0x7FFFFFFF  }
0x3b: {  	_ =	shalt  }
tec
execute0_lowered:
.L_overlay_start_1:
0x0: {  	(tag) =	ssettag $0x1  }
0x1: {  	s0 =	srdreg.scid  }
0x2: {  	s1 =	sshll.u32 s0, $0x4  }
0x3: {  	s0 =	stileid.u32;
	s1 =	sand.u32 $0x10, s1  }
0x4: {  	s1 =	sor.u32 s0, s1  }
0x5: {  	s6 =	rddreg [dreg:$0x0];
	s4 =	simm.s32 $0x1;
	s2 =	sshll.u32 s1, $0x7  }
0x6: {  	s7 =	simm.s32 $0x2;
	s12 =	simm.s32 $0x0;
	s1 =	ssub.s32 $0x1000, s2  }
0x7: {  	s8 =	simm.s32 $0x8000;
	s13 =	simm.s32 $0x0;
	s3 =	sand.u32 $0xF80, s1  }
0x8: {  	s9 =	simm.s32 $0x0;
	s5 =	sshrl.u32 s1, $0xC;
	p0 =	sne.s32 s3, $0x0  }
.Ltmp0:
0x9: {  	s1 =	rddreg [dreg:$0x2];
	s4 =	simm.s32 @!p0 $0x0;
	(pc) =	sbr.rel .LBB1_1-.Ltmp0, $4  }
0xa: {  	s11 =	simm.s32 $0x0;
	s3 =	rddreg [dreg:$0x1];
	s5 =	sadd.s32 s4, s5  }
0xb: {  	_ =	strace $0x8000004A;
	s4 =	simm.s32 $0x1;
	s5 =	smul.u32 $0xC8, s5  }
0xc: {  	s6 =	sadd.s32 $0xA00, s6;
	s10 =	smov.u32 s2;
	[sflag:s4] =	ssyncpa.u1 $0x0  }
0xd: {  	p0 =	por $0x0, $0x0;
	[sflag:s7] =	ssyncpa.u1 $0x0;
	s7 =	sor.u32 $0x1, s5  }
.LBB1_4:
0xe: {  	s16 =	sshll.u32 s13, $0x3;
	s17 =	sand.u32 $0x78, s13  }
0xf: {  	s30 =	sand.u32 $0x7E00, s13;
	s12 =	sshll.u32 s12, $0xF;
	s16 =	sand.u32 $0xC00, s16  }
0x10: {  	[tilespmem:s15+$0x810 ss:$0x81] =	vst.msk $0xffff, v2;
	s31 =	sand.u32 $0x7, s13;
	s16 =	sor.u32 s17, s16;
	s17 =	sadd.s32 s3, s30  }
0x11: {  	[tilespmem:s15+$0x1020 ss:$0x81] =	vst.msk $0xffff, v0;
	s13 =	sshll.u32 s31, $0x12;
	s12 =	sadd.s32 s12, s17;
	s16 =	sshrl.u32 s16, $0x3  }
0x12: {  	[tilespmem:s15+$0x0 ss:$0x81] =	vst.msk $0xffff, v1;
	s13 =	sor.u32 $0x400, s13;
	s12 =	sadd.s32 s16, s12  }
0x13: {  	[hbm4b:s12+s13] =	stream.strided.scatter [tilespmem:s14], [sflag:$0x2], $0x2000, s8, s13, $0x20;
	[tilespmem:$0x8080] =	vst v63  }
.LBB1_5:
0x14: {  	s14 =	sadd.s32 $0x1, s9  }
0x15: {  	s12 =	sadd.s32 $0x1000, s10;
	s16 =	smov.u32 s10;
	p2 =	sgt.s32 s14, $0xC7  }
0x16: {  	s16 =	smov.u32 @p2 s12  }
0x17: {  	s14 =	simm.s32 @p2 $0x0;
	p2 =	sgt.s32 s16, $0xFFF  }
0x18: {  	s16 =	smov.u32 @p2 s2;
	p2 =	sne.s32 s11, s7  }
.Ltmp1:
0x19: {  	p1 =	slt.u32 s11, $0x2;
	(pc) =	sbr.rel @!p2 .LBB1_6-.Ltmp1, $4  }
0x1a: {  	s15 =	simm.s32 @!p1 $0x2  }
0x1b: {  	s13 =	smov.u32 s10;
	p0 =	por !p0, !p0;
	_ =	swait.ge @!p1 [sflag:s15], $0x2000  }
0x1c: {  	s12 =	smov.u32 s9;
	[sflag:s15] =	ssyncset.done @!p1 $0x0;
	s9 =	smov.u32 s14  }
0x1d: {  	s11 =	sadd.s32 $0x1, s11;
	[sflag:s15] =	ssyncadd.s32 @!p1 $0xFFFFE000;
	s10 =	smov.u32 s16  }
.LBB1_1:
0x1e: {  	p1 =	sge.u32 s11, s5  }
0x1f: {  	s14 =	sand.u32 @!p1 $0x1FFFFFF, s9  }
0x20: {  	s15 =	smulhi.u32 @!p1 $0x147AE15, s14;
	_ =	sdelay $0x1  }
0x21: {  	s15 =	smul.u32 @!p1 $0xC8, s15  }
0x22: {  	s16 =	sxor.u32 @!p1 $0xFFFFFFFF, s11;
	s17 =	smul.u32 @!p1 $0xC80, s10  }
0x23: {  	s31 =	sadd.s32 $0xFFFFFFFF, s11;
	s16 =	sshll.u32 @!p1 s16, $0xD;
	s14 =	ssub.s32 @!p1 s14, s15  }
0x24: {  	s15 =	sand.u32 @!p1 $0x2000, s16;
	s16 =	sadd.s32 @!p1 s6, s17;
	s14 =	sshll.u32 @!p1 s14, $0x4  }
0x25: {  	s17 =	simm.s32 @!p1 $0x6400;
	s14 =	sadd.s32 @!p1 s14, s16;
	s16 =	simm.s32 @!p1 $0x40  }
0x26: {  	[tilespmem:s15], [sflag:$0x1] =	stream.strided.gather @!p1 [hbm4b:s14+s16], $0x2000, s17, s16, $0x38;
	[tilespmem:$0x8080] =	vst v63  }
0x27: {  	p1 =	sge.u32 s31, s5  }
.Ltmp2:
0x28: {  	_ = 	snop;
	(pc) =	sbr.rel @p1 .LBB1_5-.Ltmp2, $1  }
0x29: {  	_ =	sdelay $0x3  }
0x2a: {  	s14 =	simm.s32 $0x1  }
0x2b: {  	_ =	swait.ge [sflag:s4], $0x2000;
	s14 =	simm.s32 @!p0 $0x0  }
0x2c: {  	[sflag:s4] =	ssyncset.done $0x0;
	s15 =	sshll.u32 s14, $0xD  }
0x2d: {  	[sflag:s4] =	ssyncadd.s32 $0xFFFFE000;
	s18 =	sor.u32 $0x20, s15  }
0x2e: {  	s14 =	smul.u32 $0x8100, s14;
	v3 =	vld [tilespmem:s18+$0x10]  }
0x2f: {  	s30 =	sand.u32 $0x1, s11;
	v2 =	vld [tilespmem:s18+$0xFFFFFFF0]  }
0x30: {  	s15 =	smul.u32 $0x8100, s30;
	s14 =	sshrl.u32 s14, $0x2;
	v0 =	vld [tilespmem:s18+$0x0]  }
0x31: {  	v1 =	vld [tilespmem:s18+$0xFFFFFFE0];
	s16 =	sor.u32 $0x4000, s14  }
0x32: {  	s31 =	sshrl.u32 s15, $0x2;
	s15 =	sadd.s32 $0x0, s16  }
0x33: {  	s17 =	simm.s32 $0x4;
	s18 =	sadd.s32 $0x40, s18;
	s14 =	sor.u32 $0x4000, s31;
	[tilespmem:s15+$0x1830 ss:$0x81] =	vst.msk $0xffff, v3  }
.LBB1_3:
0x34: {  	v3 =	vld [tilespmem:s18+$0x10];
	p1 =	sne.s32 s17, $0x1FC;
	[tilespmem:s15+$0x810 ss:$0x81] =	vst.msk $0xffff, v2;
	s19 =	smov.u32 s17;
	s17 =	sadd.s32 $0x4, s17  }
.Ltmp3:
0x35: {  	v2 =	vld [tilespmem:s18+$0xFFFFFFF0];
	[tilespmem:s15+$0x1020 ss:$0x81] =	vst.msk $0xffff, v0;
	(pc) =	sbr.rel @p1 .LBB1_3-.Ltmp3, $4  }
0x36: {  	v0 =	vld [tilespmem:s18+$0x0];
	[tilespmem:s15+$0x0 ss:$0x81] =	vst.msk $0xffff, v1  }
0x37: {  	s15 =	sshra.s32 s19, $0x2;
	v1 =	vld [tilespmem:s18+$0xFFFFFFE0]  }
0x38: {  	s15 =	sadd.s32 s15, s16  }
0x39: {  	s18 =	sadd.s32 $0x40, s18;
	[tilespmem:s15+$0x1830 ss:$0x81] =	vst.msk $0xffff, v3  }
.Ltmp4:
0x3a: {  	_ = 	snop;
	(pc) =	sbr.rel .LBB1_4-.Ltmp4, $1  }
0x3b: {  	_ =	sdelay $0x3  }
.LBB1_6:
0x3c: {  	_ =	sfence.sel $0x180000  }
0x3d: {  	s2 =	simm.s32 $0x1;
	[bflag:$0x0] =	sbarrier.arrive $0xFFFF  }
0x3e: {  	s31 =	simm.s32 $0x2;
	[sflag:s2] =	ssyncpa.u1 $0x1  }
0x3f: {  	[sflag:s31] =	ssyncpa.u1 $0x1  }
0x40: {  	p0 =	sne.s32 s0, $0x0;
	_ =	strace $0x9000004A  }
0x41: {  	s0 =	sadd.s32 @!p0 $0x100000, s1;
	[bflag:$0x2] =	sbarrier.arrive $0xFFFF  }
0x42: {  	[sflag:s0] =	ssyncadd.tile.s32 @!p0 $0x1;
	_ =	shalt  }
.Lfunc_end1:
_tile_overlayer_lowered:
.L_overlay_start_2:
0x43: {  	(tag) =	ssettag $0x2  }
0x44: {  	s0 =	rddreg [dreg:$0x0];
	s2 =	stileid.u32  }
0x45: {  	s1 =	rddreg [dreg:$0x1];
	p0 =	sne.s32 s2, $0x0  }
0x46: {  	s3 =	rddreg [dreg:$0x2];
	[bflag:$0x3] =	sbarrier.arrive $0xFFFF;
	s2 =	simm.s32 @!p0 $0x1C01  }
0x47: {  	[timem:s3], [sflag:s2] =	dma.local @!p0 [hbm:s0], s1  }
0x48: {  	s0 =	simm.s32 @!p0 $0x1  }
0x49: {  	_ =	swait.ge @!p0 [sflag:s0], s1  }
0x4a: {  	s1 =	ssub.s32 @!p0 $0x0, s1;
	[sflag:s0] =	ssyncset.done @!p0 $0x0  }
0x4b: {  	[sflag:s0] =	ssyncadd.s32 @!p0 s1  }
0x4c: {  	[bflag:$0x3] =	sbarrier.arrive $0xFFFF  }
0x4d: {  	_ =	shalt  }

</sc_bundles>
